<compile_context>
chip_gen: v7x
topology: tpu7x:2x2x1
jax: 0.10.2.dev20260603
libtpu: 0.0.44.dev20260713+nightly
codegen_flags: <defaults>
</compile_context>

<pallas_src>
import functools

import jax
import jax.numpy as jnp
from jax import lax
from jax.experimental import pallas as pl
from jax.experimental.pallas import tpu as pltpu
from jax.experimental.pallas import tpu_sc as plsc

_B = 256
_C = 35
_K = 512
_D = 512
_T = 60
_BP = 40
_NB = 8
_LANES = 16


def _normalize_rows(m):
    scale = 1.0 / (jnp.sqrt(jnp.sum(m * m, axis=1, keepdims=True)) + 1e-8)
    return m * scale


def _tc_body(ae_hbm, ve_hbm, xa_hbm, xv_hbm, fp_hbm, w_ref, b_ref,
             pa_ref, pv_ref, ae_v, ve_v, xa_v, xv_v, fp_v, sem, sem_fp):
    w = w_ref[...]
    bvec = b_ref[...]
    nchunk = _BP // _NB

    def copies(j, slot):
        sl = pl.ds(j * _NB, _NB)
        return [
            pltpu.make_async_copy(ae_hbm.at[:, sl, :], ae_v.at[slot],
                                  sem.at[slot, 0]),
            pltpu.make_async_copy(ve_hbm.at[:, sl, :], ve_v.at[slot],
                                  sem.at[slot, 1]),
            pltpu.make_async_copy(xa_hbm.at[:, sl, :], xa_v.at[slot],
                                  sem.at[slot, 2]),
            pltpu.make_async_copy(xv_hbm.at[:, sl, :], xv_v.at[slot],
                                  sem.at[slot, 3]),
        ]

    fpc = pltpu.make_async_copy(fp_hbm, fp_v, sem_fp)
    fpc.start()
    for c in copies(0, 0):
        c.start()

    for j in range(nchunk):
        slot = j % 2
        if j + 1 < nchunk:
            for c in copies(j + 1, (j + 1) % 2):
                c.start()
        for c in copies(j, slot):
            c.wait()
        if j == 0:
            fpc.wait()

        def modality(e_v, x_v, m, out_ref):
            proj = lax.dot_general(
                e_v[slot].reshape(_C * _NB, _D), w, (((1,), (1,)), ((), ())),
                preferred_element_type=jnp.float32) + bvec
            en3 = _normalize_rows(proj).reshape(_C, _NB, _D)
            xn3 = _normalize_rows(
                x_v[slot].reshape(_T * _NB, _D)).reshape(_T, _NB, _D)
            et = jnp.transpose(en3, (1, 0, 2))
            xt = jnp.transpose(xn3, (1, 0, 2))
            sim = lax.dot_general(
                xt, et, (((2,), (2,)), ((0,), (0,))),
                preferred_element_type=jnp.float32)
            mx = jnp.max(sim, axis=1, keepdims=True)
            ex = jnp.exp(sim - mx)
            att = ex * (1.0 / jnp.sum(ex, axis=1, keepdims=True))
            fp3 = fp_v[:, :, m, j * _NB:(j + 1) * _NB]
            fpt = jnp.transpose(fp3, (2, 0, 1))
            out_ref[j * _NB:(j + 1) * _NB, :] = jnp.sum(att * fpt, axis=1)

        modality(ae_v, xa_v, 0, pa_ref)
        modality(ve_v, xv_v, 1, pv_ref)


def _dense(ae_t, ve_t, xa_t, xv_t, fp2, w, b2):
    return pl.pallas_call(
        _tc_body,
        grid=(1,),
        in_specs=[
            pl.BlockSpec(memory_space=pl.ANY),
            pl.BlockSpec(memory_space=pl.ANY),
            pl.BlockSpec(memory_space=pl.ANY),
            pl.BlockSpec(memory_space=pl.ANY),
            pl.BlockSpec(memory_space=pl.ANY),
            pl.BlockSpec((_D, _D), lambda i: (0, 0)),
            pl.BlockSpec((1, _D), lambda i: (0, 0)),
        ],
        out_specs=[
            pl.BlockSpec((_BP, _C), lambda i: (0, 0)),
            pl.BlockSpec((_BP, _C), lambda i: (0, 0)),
        ],
        out_shape=[
            jax.ShapeDtypeStruct((_BP, _C), jnp.float32),
            jax.ShapeDtypeStruct((_BP, _C), jnp.float32),
        ],
        scratch_shapes=[
            pltpu.VMEM((2, _C, _NB, _D), jnp.float32),
            pltpu.VMEM((2, _C, _NB, _D), jnp.float32),
            pltpu.VMEM((2, _T, _NB, _D), jnp.float32),
            pltpu.VMEM((2, _T, _NB, _D), jnp.float32),
            pltpu.VMEM((_T, _C, 2, _B), jnp.float32),
            pltpu.SemaphoreType.DMA((2, 4)),
            pltpu.SemaphoreType.DMA,
        ],
    )(ae_t, ve_t, xa_t, xv_t, fp2, w, b2)


def _sc_update(pn_a, pn_v, at_prob, vt_prob, a_idx, v_idx):
    mesh = plsc.VectorSubcoreMesh(core_axis_name="c", subcore_axis_name="s")

    @functools.partial(
        pl.kernel,
        mesh=mesh,
        out_type=[
            jax.ShapeDtypeStruct((_C, _B), jnp.float32),
            jax.ShapeDtypeStruct((_C, _B), jnp.float32),
        ],
        scratch_types=[
            pltpu.VMEM((2, _K), jnp.int32),
            pltpu.VMEM((_BP, _C), jnp.float32),
            pltpu.VMEM((_C, _B), jnp.float32),
        ],
        compiler_params=pltpu.CompilerParams(needs_layout_passes=False),
    )
    def k(pna_hbm, pnv_hbm, pa_hbm, pv_hbm, ia_hbm, iv_hbm,
          oa_hbm, ov_hbm, idx_v, pn_v, prob_v):
        wid = lax.axis_index("s") * 2 + lax.axis_index("c")

        def modality(pn_hbm, prob_hbm, idx_hbm, out_hbm):
            pltpu.sync_copy(idx_hbm, idx_v)
            pltpu.sync_copy(pn_hbm, pn_v)
            pltpu.sync_copy(prob_hbm, prob_v)
            for j in range(_K // _LANES):
                bi = idx_v[0, pl.ds(j * _LANES, _LANES)]
                ci = idx_v[1, pl.ds(j * _LANES, _LANES)]
                vals = plsc.load_gather(pn_v, [bi, ci])
                plsc.store_scatter(prob_v, [ci, bi], vals)
            pltpu.sync_copy(prob_v, out_hbm)

        @pl.when(wid == 0)
        def _():
            modality(pna_hbm, pa_hbm, ia_hbm, oa_hbm)

        @pl.when(wid == 1)
        def _():
            modality(pnv_hbm, pv_hbm, iv_hbm, ov_hbm)

    return k(pn_a, pn_v, at_prob, vt_prob, a_idx, v_idx)


def kernel(a_event, v_event, a_event_list, v_event_list, a_prob, v_prob,
           frame_prob, x_a, x_v, W, b):
    ae_t = jnp.transpose(a_event, (1, 0, 2))
    ve_t = jnp.transpose(v_event, (1, 0, 2))
    xa_t = jnp.transpose(x_a, (1, 0, 2))
    xv_t = jnp.transpose(x_v, (1, 0, 2))
    fp2 = jnp.transpose(frame_prob, (1, 3, 2, 0))
    b2 = b.reshape(1, _D)

    pn_a, pn_v = _dense(ae_t, ve_t, xa_t, xv_t, fp2, W, b2)

    oa_t, ov_t = _sc_update(
        pn_a, pn_v,
        jnp.transpose(a_prob), jnp.transpose(v_prob),
        a_event_list.astype(jnp.int32), v_event_list.astype(jnp.int32),
    )
    return (jnp.transpose(oa_t), jnp.transpose(ov_t))

# --- scband reference (transcript-rebuilt; emitter-appended) ---
"""Pipeline reference for scband-event-interaction-net-83889301226225 (READ-ONLY COPY).

The authoritative reference and input builder live on the scoring server;
editing this copy changes nothing except your own understanding.
"""

import jax, jax.numpy as jnp
import numpy as np


def _cosine_distance(x, e):
    # x: [B, T, D], e: [B, C, D] -> [B, T, C]
    xn = x / (jnp.linalg.norm(x, axis=-1, keepdims=True) + 1e-8)
    en = e / (jnp.linalg.norm(e, axis=-1, keepdims=True) + 1e-8)
    return jnp.einsum('btd,bcd->btc', xn, en)


def setup_inputs(seed: int = 0) -> dict:
    key = jax.random.key(seed)
    ks = jax.random.split(key, 12)
    bs, num_cls, T, D, K = 256, 35, 60, 512, 512
    a_event = jax.random.normal(ks[0], (bs, num_cls, D), dtype=jnp.float32)
    v_event = jax.random.normal(ks[1], (bs, num_cls, D), dtype=jnp.float32)
    a_event_list = jax.random.randint(ks[2], (2, K), 0, num_cls, dtype=jnp.int64 if jax.config.read('jax_enable_x64') else jnp.int32)
    v_event_list = jax.random.randint(ks[3], (2, K), 0, num_cls, dtype=jnp.int64 if jax.config.read('jax_enable_x64') else jnp.int32)
    a_prob = jax.random.uniform(ks[4], (bs, num_cls), dtype=jnp.float32)
    v_prob = jax.random.uniform(ks[5], (bs, num_cls), dtype=jnp.float32)
    frame_prob = jax.random.uniform(ks[6], (bs, T, 2, num_cls), dtype=jnp.float32)
    x_a = jax.random.normal(ks[7], (bs, T, D), dtype=jnp.float32)
    x_v = jax.random.normal(ks[8], (bs, T, D), dtype=jnp.float32)
    # ReCalProb event_proj=True -> nn.Linear(model_dim, model_dim)
    W = jax.random.normal(ks[9], (D, D), dtype=jnp.float32) * 0.02
    b = jnp.zeros((D,), dtype=jnp.float32)
    return {
        'a_event': a_event, 'v_event': v_event,
        'a_event_list': a_event_list, 'v_event_list': v_event_list,
        'a_prob': a_prob, 'v_prob': v_prob, 'frame_prob': frame_prob,
        'x_a': x_a, 'x_v': x_v, 'W': W, 'b': b,
    }


def reference(a_event, v_event, a_event_list, v_event_list, a_prob, v_prob,
              frame_prob, x_a, x_v, W, b):
    # event_interaction_op='none' -> interaction block skipped; ReCalProb path.
    # event_proj: shared Linear applied to both modalities
    a_e = a_event @ W.T + b
    v_e = v_event @ W.T + b

    a_prob_s3 = a_prob
    v_prob_s3 = v_prob

    # audio branch
    sim_a = _cosine_distance(x_a, a_e)              # [B, T, C]
    att_a = jax.nn.softmax(sim_a, axis=1)           # softmax over time
    temporal_prob_a = att_a * frame_prob[:, :, 0, :]
    a_prob_new = temporal_prob_a.sum(axis=1)        # [B, C]
    bi_a, ci_a = a_event_list[0], a_event_list[1]
    a_prob_s3 = a_prob_s3.at[bi_a, ci_a].set(a_prob_new[bi_a, ci_a])

    # visual branch
    sim_v = _cosine_distance(x_v, v_e)
    att_v = jax.nn.softmax(sim_v, axis=1)
    temporal_prob_v = att_v * frame_prob[:, :, 1, :]
    v_prob_new = temporal_prob_v.sum(axis=1)
    bi_v, ci_v = v_event_list[0], v_event_list[1]
    v_prob_s3 = v_prob_s3.at[bi_v, ci_v].set(v_prob_new[bi_v, ci_v])

    return (a_prob_s3, v_prob_s3)

if __name__ == "__main__":
    import jax
    _d = setup_inputs()
    print(jax.jit(kernel)(*tuple(_d.values())))

</pallas_src>

<mosaic_0001>
#map = affine_map<(d0, d1) -> (0, 0)>
module attributes {stable_mosaic.version = 14 : i64} {
  func.func @k(%arg0: i32, %arg1: i32, %arg2: memref<40x35xf32, #tpu.memory_space<hbm>>, %arg3: memref<40x35xf32, #tpu.memory_space<hbm>>, %arg4: memref<35x256xf32, #tpu.memory_space<hbm>>, %arg5: memref<35x256xf32, #tpu.memory_space<hbm>>, %arg6: memref<2x512xi32, #tpu.memory_space<hbm>>, %arg7: memref<2x512xi32, #tpu.memory_space<hbm>>, %arg8: memref<35x256xf32, #tpu.memory_space<hbm>>, %arg9: memref<35x256xf32, #tpu.memory_space<hbm>>, %arg10: memref<2x512xi32, #tpu.memory_space<vmem>>, %arg11: memref<40x35xf32, #tpu.memory_space<vmem>>, %arg12: memref<35x256xf32, #tpu.memory_space<vmem>>) attributes {dimension_semantics = [#tpu.dimension_semantics<core_parallel>, #tpu.dimension_semantics<subcore_parallel>], iteration_bounds = array<i64: 2, 16>, scalar_prefetch = 0 : i64, scratch_operands = 3 : i64, tpu.core_type = #tpu.core_type<sc_vector_subcore>, window_params = [{transform_indices = #map}, {transform_indices = #map}, {transform_indices = #map}, {transform_indices = #map}, {transform_indices = #map}, {transform_indices = #map}, {transform_indices = #map}, {transform_indices = #map}]} {
    %mul3A = arith.constant 2 : i32
    %mul3A_0 = arith.muli %arg1, %mul3A : i32
    %add3A = arith.addi %mul3A_0, %arg0 : i32
    %eq3A = arith.constant 0 : i32
    %eq3A_1 = arith.cmpi eq, %add3A, %eq3A : i32
    %convert_element_type3A = arith.extui %eq3A_1 : i1 to i32
    %cond3A = arith.constant 0 : i32
    %cond3A_2 = arith.cmpi ne, %convert_element_type3A, %cond3A : i32
    scf.if %cond3A_2 {
      "tpu.region"() ({
        %run_scoped3A = tpu.sem_alloc : memref<!tpu.dma_semaphore, #tpu.memory_space<semaphore_mem>>
        tpu.enqueue_dma source(%arg6 : memref<2x512xi32, #tpu.memory_space<hbm>>) target(%arg10 : memref<2x512xi32, #tpu.memory_space<vmem>>) target_semaphore(%run_scoped3A : memref<!tpu.dma_semaphore, #tpu.memory_space<semaphore_mem>>)
        tpu.wait_dma2 semaphore(%run_scoped3A : memref<!tpu.dma_semaphore, #tpu.memory_space<semaphore_mem>>) src(%arg6 : memref<2x512xi32, #tpu.memory_space<hbm>>) dst(%arg10 : memref<2x512xi32, #tpu.memory_space<vmem>>)
        tpu.yield
      }) : () -> ()
      "tpu.region"() ({
        %run_scoped3A = tpu.sem_alloc : memref<!tpu.dma_semaphore, #tpu.memory_space<semaphore_mem>>
        tpu.enqueue_dma source(%arg2 : memref<40x35xf32, #tpu.memory_space<hbm>>) target(%arg11 : memref<40x35xf32, #tpu.memory_space<vmem>>) target_semaphore(%run_scoped3A : memref<!tpu.dma_semaphore, #tpu.memory_space<semaphore_mem>>)
        tpu.wait_dma2 semaphore(%run_scoped3A : memref<!tpu.dma_semaphore, #tpu.memory_space<semaphore_mem>>) src(%arg2 : memref<40x35xf32, #tpu.memory_space<hbm>>) dst(%arg11 : memref<40x35xf32, #tpu.memory_space<vmem>>)
        tpu.yield
      }) : () -> ()
      "tpu.region"() ({
        %run_scoped3A = tpu.sem_alloc : memref<!tpu.dma_semaphore, #tpu.memory_space<semaphore_mem>>
        tpu.enqueue_dma source(%arg4 : memref<35x256xf32, #tpu.memory_space<hbm>>) target(%arg12 : memref<35x256xf32, #tpu.memory_space<vmem>>) target_semaphore(%run_scoped3A : memref<!tpu.dma_semaphore, #tpu.memory_space<semaphore_mem>>)
        tpu.wait_dma2 semaphore(%run_scoped3A : memref<!tpu.dma_semaphore, #tpu.memory_space<semaphore_mem>>) src(%arg4 : memref<35x256xf32, #tpu.memory_space<hbm>>) dst(%arg12 : memref<35x256xf32, #tpu.memory_space<vmem>>)
        tpu.yield
      }) : () -> ()
      %get3A = arith.constant 0 : i32
      %get3A_8 = arith.index_cast %get3A : i32 to index
      %get3A_9 = arith.constant 0 : index
      %get3A_10 = tpu.vector_load %arg10[%get3A_8, %get3A_9] {strides = array<i32>} : memref<2x512xi32, #tpu.memory_space<vmem>>, vector<16xi32>,
      %get3A_11 = arith.constant 1 : i32
      %get3A_12 = arith.index_cast %get3A_11 : i32 to index
      %get3A_13 = arith.constant 0 : index
      %get3A_14 = tpu.vector_load %arg10[%get3A_12, %get3A_13] {strides = array<i32>} : memref<2x512xi32, #tpu.memory_space<vmem>>, vector<16xi32>,
      %gather3A = tpu.vector_load_idx %arg11[%get3A_10, %get3A_14] : memref<40x35xf32, #tpu.memory_space<vmem>>[vector<16xi32>, vector<16xi32>], vector<16xf32>,
      tpu.vector_store_idx %arg12[%get3A_14, %get3A_10], %gather3A : memref<35x256xf32, #tpu.memory_space<vmem>>[vector<16xi32>, vector<16xi32>], vector<16xf32>,
      %get3A_15 = arith.constant 0 : i32
      %get3A_16 = arith.index_cast %get3A_15 : i32 to index
      %get3A_17 = arith.constant 16 : index
      %get3A_18 = tpu.vector_load %arg10[%get3A_16, %get3A_17] {strides = array<i32>} : memref<2x512xi32, #tpu.memory_space<vmem>>, vector<16xi32>,
      %get3A_19 = arith.constant 1 : i32
      %get3A_20 = arith.index_cast %get3A_19 : i32 to index
      %get3A_21 = arith.constant 16 : index
      %get3A_22 = tpu.vector_load %arg10[%get3A_20, %get3A_21] {strides = array<i32>} : memref<2x512xi32, #tpu.memory_space<vmem>>, vector<16xi32>,
      %gather3A_23 = tpu.vector_load_idx %arg11[%get3A_18, %get3A_22] : memref<40x35xf32, #tpu.memory_space<vmem>>[vector<16xi32>, vector<16xi32>], vector<16xf32>,
      tpu.vector_store_idx %arg12[%get3A_22, %get3A_18], %gather3A_23 : memref<35x256xf32, #tpu.memory_space<vmem>>[vector<16xi32>, vector<16xi32>], vector<16xf32>,
      %get3A_24 = arith.constant 0 : i32
      %get3A_25 = arith.index_cast %get3A_24 : i32 to index
      %get3A_26 = arith.constant 32 : index
      %get3A_27 = tpu.vector_load %arg10[%get3A_25, %get3A_26] {strides = array<i32>} : memref<2x512xi32, #tpu.memory_space<vmem>>, vector<16xi32>,
      %get3A_28 = arith.constant 1 : i32
      %get3A_29 = arith.index_cast %get3A_28 : i32 to index
      %get3A_30 = arith.constant 32 : index
      %get3A_31 = tpu.vector_load %arg10[%get3A_29, %get3A_30] {strides = array<i32>} : memref<2x512xi32, #tpu.memory_space<vmem>>, vector<16xi32>,
      %gather3A_32 = tpu.vector_load_idx %arg11[%get3A_27, %get3A_31] : memref<40x35xf32, #tpu.memory_space<vmem>>[vector<16xi32>, vector<16xi32>], vector<16xf32>,
      tpu.vector_store_idx %arg12[%get3A_31, %get3A_27], %gather3A_32 : memref<35x256xf32, #tpu.memory_space<vmem>>[vector<16xi32>, vector<16xi32>], vector<16xf32>,
      %get3A_33 = arith.constant 0 : i32
      %get3A_34 = arith.index_cast %get3A_33 : i32 to index
      %get3A_35 = arith.constant 48 : index
      %get3A_36 = tpu.vector_load %arg10[%get3A_34, %get3A_35] {strides = array<i32>} : memref<2x512xi32, #tpu.memory_space<vmem>>, vector<16xi32>,
      %get3A_37 = arith.constant 1 : i32
      %get3A_38 = arith.index_cast %get3A_37 : i32 to index
      %get3A_39 = arith.constant 48 : index
      %get3A_40 = tpu.vector_load %arg10[%get3A_38, %get3A_39] {strides = array<i32>} : memref<2x512xi32, #tpu.memory_space<vmem>>, vector<16xi32>,
      %gather3A_41 = tpu.vector_load_idx %arg11[%get3A_36, %get3A_40] : memref<40x35xf32, #tpu.memory_space<vmem>>[vector<16xi32>, vector<16xi32>], vector<16xf32>,
      tpu.vector_store_idx %arg12[%get3A_40, %get3A_36], %gather3A_41 : memref<35x256xf32, #tpu.memory_space<vmem>>[vector<16xi32>, vector<16xi32>], vector<16xf32>,
      %get3A_42 = arith.constant 0 : i32
      %get3A_43 = arith.index_cast %get3A_42 : i32 to index
      %get3A_44 = arith.constant 64 : index
      %get3A_45 = tpu.vector_load %arg10[%get3A_43, %get3A_44] {strides = array<i32>} : memref<2x512xi32, #tpu.memory_space<vmem>>, vector<16xi32>,
      %get3A_46 = arith.constant 1 : i32
      %get3A_47 = arith.index_cast %get3A_46 : i32 to index
      %get3A_48 = arith.constant 64 : index
      %get3A_49 = tpu.vector_load %arg10[%get3A_47, %get3A_48] {strides = array<i32>} : memref<2x512xi32, #tpu.memory_space<vmem>>, vector<16xi32>,
      %gather3A_50 = tpu.vector_load_idx %arg11[%get3A_45, %get3A_49] : memref<40x35xf32, #tpu.memory_space<vmem>>[vector<16xi32>, vector<16xi32>], vector<16xf32>,
      tpu.vector_store_idx %arg12[%get3A_49, %get3A_45], %gather3A_50 : memref<35x256xf32, #tpu.memory_space<vmem>>[vector<16xi32>, vector<16xi32>], vector<16xf32>,
      %get3A_51 = arith.constant 0 : i32
      %get3A_52 = arith.index_cast %get3A_51 : i32 to index
      %get3A_53 = arith.constant 80 : index
      %get3A_54 = tpu.vector_load %arg10[%get3A_52, %get3A_53] {strides = array<i32>} : memref<2x512xi32, #tpu.memory_space<vmem>>, vector<16xi32>,
      %get3A_55 = arith.constant 1 : i32
      %get3A_56 = arith.index_cast %get3A_55 : i32 to index
      %get3A_57 = arith.constant 80 : index
      %get3A_58 = tpu.vector_load %arg10[%get3A_56, %get3A_57] {strides = array<i32>} : memref<2x512xi32, #tpu.memory_space<vmem>>, vector<16xi32>,
      %gather3A_59 = tpu.vector_load_idx %arg11[%get3A_54, %get3A_58] : memref<40x35xf32, #tpu.memory_space<vmem>>[vector<16xi32>, vector<16xi32>], vector<16xf32>,
      tpu.vector_store_idx %arg12[%get3A_58, %get3A_54], %gather3A_59 : memref<35x256xf32, #tpu.memory_space<vmem>>[vector<16xi32>, vector<16xi32>], vector<16xf32>,
      %get3A_60 = arith.constant 0 : i32
      %get3A_61 = arith.index_cast %get3A_60 : i32 to index
      %get3A_62 = arith.constant 96 : index
      %get3A_63 = tpu.vector_load %arg10[%get3A_61, %get3A_62] {strides = array<i32>} : memref<2x512xi32, #tpu.memory_space<vmem>>, vector<16xi32>,
      %get3A_64 = arith.constant 1 : i32
      %get3A_65 = arith.index_cast %get3A_64 : i32 to index
      %get3A_66 = arith.constant 96 : index
      %get3A_67 = tpu.vector_load %arg10[%get3A_65, %get3A_66] {strides = array<i32>} : memref<2x512xi32, #tpu.memory_space<vmem>>, vector<16xi32>,
      %gather3A_68 = tpu.vector_load_idx %arg11[%get3A_63, %get3A_67] : memref<40x35xf32, #tpu.memory_space<vmem>>[vector<16xi32>, vector<16xi32>], vector<16xf32>,
      tpu.vector_store_idx %arg12[%get3A_67, %get3A_63], %gather3A_68 : memref<35x256xf32, #tpu.memory_space<vmem>>[vector<16xi32>, vector<16xi32>], vector<16xf32>,
      %get3A_69 = arith.constant 0 : i32
      %get3A_70 = arith.index_cast %get3A_69 : i32 to index
      %get3A_71 = arith.constant 112 : index
      %get3A_72 = tpu.vector_load %arg10[%get3A_70, %get3A_71] {strides = array<i32>} : memref<2x512xi32, #tpu.memory_space<vmem>>, vector<16xi32>,
      %get3A_73 = arith.constant 1 : i32
      %get3A_74 = arith.index_cast %get3A_73 : i32 to index
      %get3A_75 = arith.constant 112 : index
      %get3A_76 = tpu.vector_load %arg10[%get3A_74, %get3A_75] {strides = array<i32>} : memref<2x512xi32, #tpu.memory_space<vmem>>, vector<16xi32>,
      %gather3A_77 = tpu.vector_load_idx %arg11[%get3A_72, %get3A_76] : memref<40x35xf32, #tpu.memory_space<vmem>>[vector<16xi32>, vector<16xi32>], vector<16xf32>,
      tpu.vector_store_idx %arg12[%get3A_76, %get3A_72], %gather3A_77 : memref<35x256xf32, #tpu.memory_space<vmem>>[vector<16xi32>, vector<16xi32>], vector<16xf32>,
      %get3A_78 = arith.constant 0 : i32
      %get3A_79 = arith.index_cast %get3A_78 : i32 to index
      %get3A_80 = arith.constant 128 : index
      %get3A_81 = tpu.vector_load %arg10[%get3A_79, %get3A_80] {strides = array<i32>} : memref<2x512xi32, #tpu.memory_space<vmem>>, vector<16xi32>,
      %get3A_82 = arith.constant 1 : i32
      %get3A_83 = arith.index_cast %get3A_82 : i32 to index
      %get3A_84 = arith.constant 128 : index
      %get3A_85 = tpu.vector_load %arg10[%get3A_83, %get3A_84] {strides = array<i32>} : memref<2x512xi32, #tpu.memory_space<vmem>>, vector<16xi32>,
      %gather3A_86 = tpu.vector_load_idx %arg11[%get3A_81, %get3A_85] : memref<40x35xf32, #tpu.memory_space<vmem>>[vector<16xi32>, vector<16xi32>], vector<16xf32>,
      tpu.vector_store_idx %arg12[%get3A_85, %get3A_81], %gather3A_86 : memref<35x256xf32, #tpu.memory_space<vmem>>[vector<16xi32>, vector<16xi32>], vector<16xf32>,
      %get3A_87 = arith.constant 0 : i32
      %get3A_88 = arith.index_cast %get3A_87 : i32 to index
      %get3A_89 = arith.constant 144 : index
      %get3A_90 = tpu.vector_load %arg10[%get3A_88, %get3A_89] {strides = array<i32>} : memref<2x512xi32, #tpu.memory_space<vmem>>, vector<16xi32>,
      %get3A_91 = arith.constant 1 : i32
      %get3A_92 = arith.index_cast %get3A_91 : i32 to index
      %get3A_93 = arith.constant 144 : index
      %get3A_94 = tpu.vector_load %arg10[%get3A_92, %get3A_93] {strides = array<i32>} : memref<2x512xi32, #tpu.memory_space<vmem>>, vector<16xi32>,
      %gather3A_95 = tpu.vector_load_idx %arg11[%get3A_90, %get3A_94] : memref<40x35xf32, #tpu.memory_space<vmem>>[vector<16xi32>, vector<16xi32>], vector<16xf32>,
      tpu.vector_store_idx %arg12[%get3A_94, %get3A_90], %gather3A_95 : memref<35x256xf32, #tpu.memory_space<vmem>>[vector<16xi32>, vector<16xi32>], vector<16xf32>,
      %get3A_96 = arith.constant 0 : i32
      %get3A_97 = arith.index_cast %get3A_96 : i32 to index
      %get3A_98 = arith.constant 160 : index
      %get3A_99 = tpu.vector_load %arg10[%get3A_97, %get3A_98] {strides = array<i32>} : memref<2x512xi32, #tpu.memory_space<vmem>>, vector<16xi32>,
      %get3A_100 = arith.constant 1 : i32
      %get3A_101 = arith.index_cast %get3A_100 : i32 to index
      %get3A_102 = arith.constant 160 : index
      %get3A_103 = tpu.vector_load %arg10[%get3A_101, %get3A_102] {strides = array<i32>} : memref<2x512xi32, #tpu.memory_space<vmem>>, vector<16xi32>,
      %gather3A_104 = tpu.vector_load_idx %arg11[%get3A_99, %get3A_103] : memref<40x35xf32, #tpu.memory_space<vmem>>[vector<16xi32>, vector<16xi32>], vector<16xf32>,
      tpu.vector_store_idx %arg12[%get3A_103, %get3A_99], %gather3A_104 : memref<35x256xf32, #tpu.memory_space<vmem>>[vector<16xi32>, vector<16xi32>], vector<16xf32>,
      %get3A_105 = arith.constant 0 : i32
      %get3A_106 = arith.index_cast %get3A_105 : i32 to index
      %get3A_107 = arith.constant 176 : index
      %get3A_108 = tpu.vector_load %arg10[%get3A_106, %get3A_107] {strides = array<i32>} : memref<2x512xi32, #tpu.memory_space<vmem>>, vector<16xi32>,
      %get3A_109 = arith.constant 1 : i32
      %get3A_110 = arith.index_cast %get3A_109 : i32 to index
      %get3A_111 = arith.constant 176 : index
      %get3A_112 = tpu.vector_load %arg10[%get3A_110, %get3A_111] {strides = array<i32>} : memref<2x512xi32, #tpu.memory_space<vmem>>, vector<16xi32>,
      %gather3A_113 = tpu.vector_load_idx %arg11[%get3A_108, %get3A_112] : memref<40x35xf32, #tpu.memory_space<vmem>>[vector<16xi32>, vector<16xi32>], vector<16xf32>,
      tpu.vector_store_idx %arg12[%get3A_112, %get3A_108], %gather3A_113 : memref<35x256xf32, #tpu.memory_space<vmem>>[vector<16xi32>, vector<16xi32>], vector<16xf32>,
      %get3A_114 = arith.constant 0 : i32
      %get3A_115 = arith.index_cast %get3A_114 : i32 to index
      %get3A_116 = arith.constant 192 : index
      %get3A_117 = tpu.vector_load %arg10[%get3A_115, %get3A_116] {strides = array<i32>} : memref<2x512xi32, #tpu.memory_space<vmem>>, vector<16xi32>,
      %get3A_118 = arith.constant 1 : i32
      %get3A_119 = arith.index_cast %get3A_118 : i32 to index
      %get3A_120 = arith.constant 192 : index
      %get3A_121 = tpu.vector_load %arg10[%get3A_119, %get3A_120] {strides = array<i32>} : memref<2x512xi32, #tpu.memory_space<vmem>>, vector<16xi32>,
      %gather3A_122 = tpu.vector_load_idx %arg11[%get3A_117, %get3A_121] : memref<40x35xf32, #tpu.memory_space<vmem>>[vector<16xi32>, vector<16xi32>], vector<16xf32>,
      tpu.vector_store_idx %arg12[%get3A_121, %get3A_117], %gather3A_122 : memref<35x256xf32, #tpu.memory_space<vmem>>[vector<16xi32>, vector<16xi32>], vector<16xf32>,
      %get3A_123 = arith.constant 0 : i32
      %get3A_124 = arith.index_cast %get3A_123 : i32 to index
      %get3A_125 = arith.constant 208 : index
      %get3A_126 = tpu.vector_load %arg10[%get3A_124, %get3A_125] {strides = array<i32>} : memref<2x512xi32, #tpu.memory_space<vmem>>, vector<16xi32>,
      %get3A_127 = arith.constant 1 : i32
      %get3A_128 = arith.index_cast %get3A_127 : i32 to index
      %get3A_129 = arith.constant 208 : index
      %get3A_130 = tpu.vector_load %arg10[%get3A_128, %get3A_129] {strides = array<i32>} : memref<2x512xi32, #tpu.memory_space<vmem>>, vector<16xi32>,
      %gather3A_131 = tpu.vector_load_idx %arg11[%get3A_126, %get3A_130] : memref<40x35xf32, #tpu.memory_space<vmem>>[vector<16xi32>, vector<16xi32>], vector<16xf32>,
      tpu.vector_store_idx %arg12[%get3A_130, %get3A_126], %gather3A_131 : memref<35x256xf32, #tpu.memory_space<vmem>>[vector<16xi32>, vector<16xi32>], vector<16xf32>,
      %get3A_132 = arith.constant 0 : i32
      %get3A_133 = arith.index_cast %get3A_132 : i32 to index
      %get3A_134 = arith.constant 224 : index
      %get3A_135 = tpu.vector_load %arg10[%get3A_133, %get3A_134] {strides = array<i32>} : memref<2x512xi32, #tpu.memory_space<vmem>>, vector<16xi32>,
      %get3A_136 = arith.constant 1 : i32
      %get3A_137 = arith.index_cast %get3A_136 : i32 to index
      %get3A_138 = arith.constant 224 : index
      %get3A_139 = tpu.vector_load %arg10[%get3A_137, %get3A_138] {strides = array<i32>} : memref<2x512xi32, #tpu.memory_space<vmem>>, vector<16xi32>,
      %gather3A_140 = tpu.vector_load_idx %arg11[%get3A_135, %get3A_139] : memref<40x35xf32, #tpu.memory_space<vmem>>[vector<16xi32>, vector<16xi32>], vector<16xf32>,
      tpu.vector_store_idx %arg12[%get3A_139, %get3A_135], %gather3A_140 : memref<35x256xf32, #tpu.memory_space<vmem>>[vector<16xi32>, vector<16xi32>], vector<16xf32>,
      %get3A_141 = arith.constant 0 : i32
      %get3A_142 = arith.index_cast %get3A_141 : i32 to index
      %get3A_143 = arith.constant 240 : index
      %get3A_144 = tpu.vector_load %arg10[%get3A_142, %get3A_143] {strides = array<i32>} : memref<2x512xi32, #tpu.memory_space<vmem>>, vector<16xi32>,
      %get3A_145 = arith.constant 1 : i32
      %get3A_146 = arith.index_cast %get3A_145 : i32 to index
      %get3A_147 = arith.constant 240 : index
      %get3A_148 = tpu.vector_load %arg10[%get3A_146, %get3A_147] {strides = array<i32>} : memref<2x512xi32, #tpu.memory_space<vmem>>, vector<16xi32>,
      %gather3A_149 = tpu.vector_load_idx %arg11[%get3A_144, %get3A_148] : memref<40x35xf32, #tpu.memory_space<vmem>>[vector<16xi32>, vector<16xi32>], vector<16xf32>,
      tpu.vector_store_idx %arg12[%get3A_148, %get3A_144], %gather3A_149 : memref<35x256xf32, #tpu.memory_space<vmem>>[vector<16xi32>, vector<16xi32>], vector<16xf32>,
      %get3A_150 = arith.constant 0 : i32
      %get3A_151 = arith.index_cast %get3A_150 : i32 to index
      %get3A_152 = arith.constant 256 : index
      %get3A_153 = tpu.vector_load %arg10[%get3A_151, %get3A_152] {strides = array<i32>} : memref<2x512xi32, #tpu.memory_space<vmem>>, vector<16xi32>,
      %get3A_154 = arith.constant 1 : i32
      %get3A_155 = arith.index_cast %get3A_154 : i32 to index
      %get3A_156 = arith.constant 256 : index
      %get3A_157 = tpu.vector_load %arg10[%get3A_155, %get3A_156] {strides = array<i32>} : memref<2x512xi32, #tpu.memory_space<vmem>>, vector<16xi32>,
      %gather3A_158 = tpu.vector_load_idx %arg11[%get3A_153, %get3A_157] : memref<40x35xf32, #tpu.memory_space<vmem>>[vector<16xi32>, vector<16xi32>], vector<16xf32>,
      tpu.vector_store_idx %arg12[%get3A_157, %get3A_153], %gather3A_158 : memref<35x256xf32, #tpu.memory_space<vmem>>[vector<16xi32>, vector<16xi32>], vector<16xf32>,
      %get3A_159 = arith.constant 0 : i32
      %get3A_160 = arith.index_cast %get3A_159 : i32 to index
      %get3A_161 = arith.constant 272 : index
      %get3A_162 = tpu.vector_load %arg10[%get3A_160, %get3A_161] {strides = array<i32>} : memref<2x512xi32, #tpu.memory_space<vmem>>, vector<16xi32>,
      %get3A_163 = arith.constant 1 : i32
      %get3A_164 = arith.index_cast %get3A_163 : i32 to index
      %get3A_165 = arith.constant 272 : index
      %get3A_166 = tpu.vector_load %arg10[%get3A_164, %get3A_165] {strides = array<i32>} : memref<2x512xi32, #tpu.memory_space<vmem>>, vector<16xi32>,
      %gather3A_167 = tpu.vector_load_idx %arg11[%get3A_162, %get3A_166] : memref<40x35xf32, #tpu.memory_space<vmem>>[vector<16xi32>, vector<16xi32>], vector<16xf32>,
      tpu.vector_store_idx %arg12[%get3A_166, %get3A_162], %gather3A_167 : memref<35x256xf32, #tpu.memory_space<vmem>>[vector<16xi32>, vector<16xi32>], vector<16xf32>,
      %get3A_168 = arith.constant 0 : i32
      %get3A_169 = arith.index_cast %get3A_168 : i32 to index
      %get3A_170 = arith.constant 288 : index
      %get3A_171 = tpu.vector_load %arg10[%get3A_169, %get3A_170] {strides = array<i32>} : memref<2x512xi32, #tpu.memory_space<vmem>>, vector<16xi32>,
      %get3A_172 = arith.constant 1 : i32
      %get3A_173 = arith.index_cast %get3A_172 : i32 to index
      %get3A_174 = arith.constant 288 : index
      %get3A_175 = tpu.vector_load %arg10[%get3A_173, %get3A_174] {strides = array<i32>} : memref<2x512xi32, #tpu.memory_space<vmem>>, vector<16xi32>,
      %gather3A_176 = tpu.vector_load_idx %arg11[%get3A_171, %get3A_175] : memref<40x35xf32, #tpu.memory_space<vmem>>[vector<16xi32>, vector<16xi32>], vector<16xf32>,
      tpu.vector_store_idx %arg12[%get3A_175, %get3A_171], %gather3A_176 : memref<35x256xf32, #tpu.memory_space<vmem>>[vector<16xi32>, vector<16xi32>], vector<16xf32>,
      %get3A_177 = arith.constant 0 : i32
      %get3A_178 = arith.index_cast %get3A_177 : i32 to index
      %get3A_179 = arith.constant 304 : index
      %get3A_180 = tpu.vector_load %arg10[%get3A_178, %get3A_179] {strides = array<i32>} : memref<2x512xi32, #tpu.memory_space<vmem>>, vector<16xi32>,
      %get3A_181 = arith.constant 1 : i32
      %get3A_182 = arith.index_cast %get3A_181 : i32 to index
      %get3A_183 = arith.constant 304 : index
      %get3A_184 = tpu.vector_load %arg10[%get3A_182, %get3A_183] {strides = array<i32>} : memref<2x512xi32, #tpu.memory_space<vmem>>, vector<16xi32>,
      %gather3A_185 = tpu.vector_load_idx %arg11[%get3A_180, %get3A_184] : memref<40x35xf32, #tpu.memory_space<vmem>>[vector<16xi32>, vector<16xi32>], vector<16xf32>,
      tpu.vector_store_idx %arg12[%get3A_184, %get3A_180], %gather3A_185 : memref<35x256xf32, #tpu.memory_space<vmem>>[vector<16xi32>, vector<16xi32>], vector<16xf32>,
      %get3A_186 = arith.constant 0 : i32
      %get3A_187 = arith.index_cast %get3A_186 : i32 to index
      %get3A_188 = arith.constant 320 : index
      %get3A_189 = tpu.vector_load %arg10[%get3A_187, %get3A_188] {strides = array<i32>} : memref<2x512xi32, #tpu.memory_space<vmem>>, vector<16xi32>,
      %get3A_190 = arith.constant 1 : i32
      %get3A_191 = arith.index_cast %get3A_190 : i32 to index
      %get3A_192 = arith.constant 320 : index
      %get3A_193 = tpu.vector_load %arg10[%get3A_191, %get3A_192] {strides = array<i32>} : memref<2x512xi32, #tpu.memory_space<vmem>>, vector<16xi32>,
      %gather3A_194 = tpu.vector_load_idx %arg11[%get3A_189, %get3A_193] : memref<40x35xf32, #tpu.memory_space<vmem>>[vector<16xi32>, vector<16xi32>], vector<16xf32>,
      tpu.vector_store_idx %arg12[%get3A_193, %get3A_189], %gather3A_194 : memref<35x256xf32, #tpu.memory_space<vmem>>[vector<16xi32>, vector<16xi32>], vector<16xf32>,
      %get3A_195 = arith.constant 0 : i32
      %get3A_196 = arith.index_cast %get3A_195 : i32 to index
      %get3A_197 = arith.constant 336 : index
      %get3A_198 = tpu.vector_load %arg10[%get3A_196, %get3A_197] {strides = array<i32>} : memref<2x512xi32, #tpu.memory_space<vmem>>, vector<16xi32>,
      %get3A_199 = arith.constant 1 : i32
      %get3A_200 = arith.index_cast %get3A_199 : i32 to index
      %get3A_201 = arith.constant 336 : index
      %get3A_202 = tpu.vector_load %arg10[%get3A_200, %get3A_201] {strides = array<i32>} : memref<2x512xi32, #tpu.memory_space<vmem>>, vector<16xi32>,
      %gather3A_203 = tpu.vector_load_idx %arg11[%get3A_198, %get3A_202] : memref<40x35xf32, #tpu.memory_space<vmem>>[vector<16xi32>, vector<16xi32>], vector<16xf32>,
      tpu.vector_store_idx %arg12[%get3A_202, %get3A_198], %gather3A_203 : memref<35x256xf32, #tpu.memory_space<vmem>>[vector<16xi32>, vector<16xi32>], vector<16xf32>,
      %get3A_204 = arith.constant 0 : i32
      %get3A_205 = arith.index_cast %get3A_204 : i32 to index
      %get3A_206 = arith.constant 352 : index
      %get3A_207 = tpu.vector_load %arg10[%get3A_205, %get3A_206] {strides = array<i32>} : memref<2x512xi32, #tpu.memory_space<vmem>>, vector<16xi32>,
      %get3A_208 = arith.constant 1 : i32
      %get3A_209 = arith.index_cast %get3A_208 : i32 to index
      %get3A_210 = arith.constant 352 : index
      %get3A_211 = tpu.vector_load %arg10[%get3A_209, %get3A_210] {strides = array<i32>} : memref<2x512xi32, #tpu.memory_space<vmem>>, vector<16xi32>,
      %gather3A_212 = tpu.vector_load_idx %arg11[%get3A_207, %get3A_211] : memref<40x35xf32, #tpu.memory_space<vmem>>[vector<16xi32>, vector<16xi32>], vector<16xf32>,
      tpu.vector_store_idx %arg12[%get3A_211, %get3A_207], %gather3A_212 : memref<35x256xf32, #tpu.memory_space<vmem>>[vector<16xi32>, vector<16xi32>], vector<16xf32>,
      %get3A_213 = arith.constant 0 : i32
      %get3A_214 = arith.index_cast %get3A_213 : i32 to index
      %get3A_215 = arith.constant 368 : index
      %get3A_216 = tpu.vector_load %arg10[%get3A_214, %get3A_215] {strides = array<i32>} : memref<2x512xi32, #tpu.memory_space<vmem>>, vector<16xi32>,
      %get3A_217 = arith.constant 1 : i32
      %get3A_218 = arith.index_cast %get3A_217 : i32 to index
      %get3A_219 = arith.constant 368 : index
      %get3A_220 = tpu.vector_load %arg10[%get3A_218, %get3A_219] {strides = array<i32>} : memref<2x512xi32, #tpu.memory_space<vmem>>, vector<16xi32>,
      %gather3A_221 = tpu.vector_load_idx %arg11[%get3A_216, %get3A_220] : memref<40x35xf32, #tpu.memory_space<vmem>>[vector<16xi32>, vector<16xi32>], vector<16xf32>,
      tpu.vector_store_idx %arg12[%get3A_220, %get3A_216], %gather3A_221 : memref<35x256xf32, #tpu.memory_space<vmem>>[vector<16xi32>, vector<16xi32>], vector<16xf32>,
      %get3A_222 = arith.constant 0 : i32
      %get3A_223 = arith.index_cast %get3A_222 : i32 to index
      %get3A_224 = arith.constant 384 : index
      %get3A_225 = tpu.vector_load %arg10[%get3A_223, %get3A_224] {strides = array<i32>} : memref<2x512xi32, #tpu.memory_space<vmem>>, vector<16xi32>,
      %get3A_226 = arith.constant 1 : i32
      %get3A_227 = arith.index_cast %get3A_226 : i32 to index
      %get3A_228 = arith.constant 384 : index
      %get3A_229 = tpu.vector_load %arg10[%get3A_227, %get3A_228] {strides = array<i32>} : memref<2x512xi32, #tpu.memory_space<vmem>>, vector<16xi32>,
      %gather3A_230 = tpu.vector_load_idx %arg11[%get3A_225, %get3A_229] : memref<40x35xf32, #tpu.memory_space<vmem>>[vector<16xi32>, vector<16xi32>], vector<16xf32>,
      tpu.vector_store_idx %arg12[%get3A_229, %get3A_225], %gather3A_230 : memref<35x256xf32, #tpu.memory_space<vmem>>[vector<16xi32>, vector<16xi32>], vector<16xf32>,
      %get3A_231 = arith.constant 0 : i32
      %get3A_232 = arith.index_cast %get3A_231 : i32 to index
      %get3A_233 = arith.constant 400 : index
      %get3A_234 = tpu.vector_load %arg10[%get3A_232, %get3A_233] {strides = array<i32>} : memref<2x512xi32, #tpu.memory_space<vmem>>, vector<16xi32>,
      %get3A_235 = arith.constant 1 : i32
      %get3A_236 = arith.index_cast %get3A_235 : i32 to index
      %get3A_237 = arith.constant 400 : index
      %get3A_238 = tpu.vector_load %arg10[%get3A_236, %get3A_237] {strides = array<i32>} : memref<2x512xi32, #tpu.memory_space<vmem>>, vector<16xi32>,
      %gather3A_239 = tpu.vector_load_idx %arg11[%get3A_234, %get3A_238] : memref<40x35xf32, #tpu.memory_space<vmem>>[vector<16xi32>, vector<16xi32>], vector<16xf32>,
      tpu.vector_store_idx %arg12[%get3A_238, %get3A_234], %gather3A_239 : memref<35x256xf32, #tpu.memory_space<vmem>>[vector<16xi32>, vector<16xi32>], vector<16xf32>,
      %get3A_240 = arith.constant 0 : i32
      %get3A_241 = arith.index_cast %get3A_240 : i32 to index
      %get3A_242 = arith.constant 416 : index
      %get3A_243 = tpu.vector_load %arg10[%get3A_241, %get3A_242] {strides = array<i32>} : memref<2x512xi32, #tpu.memory_space<vmem>>, vector<16xi32>,
      %get3A_244 = arith.constant 1 : i32
      %get3A_245 = arith.index_cast %get3A_244 : i32 to index
      %get3A_246 = arith.constant 416 : index
      %get3A_247 = tpu.vector_load %arg10[%get3A_245, %get3A_246] {strides = array<i32>} : memref<2x512xi32, #tpu.memory_space<vmem>>, vector<16xi32>,
      %gather3A_248 = tpu.vector_load_idx %arg11[%get3A_243, %get3A_247] : memref<40x35xf32, #tpu.memory_space<vmem>>[vector<16xi32>, vector<16xi32>], vector<16xf32>,
      tpu.vector_store_idx %arg12[%get3A_247, %get3A_243], %gather3A_248 : memref<35x256xf32, #tpu.memory_space<vmem>>[vector<16xi32>, vector<16xi32>], vector<16xf32>,
      %get3A_249 = arith.constant 0 : i32
      %get3A_250 = arith.index_cast %get3A_249 : i32 to index
      %get3A_251 = arith.constant 432 : index
      %get3A_252 = tpu.vector_load %arg10[%get3A_250, %get3A_251] {strides = array<i32>} : memref<2x512xi32, #tpu.memory_space<vmem>>, vector<16xi32>,
      %get3A_253 = arith.constant 1 : i32
      %get3A_254 = arith.index_cast %get3A_253 : i32 to index
      %get3A_255 = arith.constant 432 : index
      %get3A_256 = tpu.vector_load %arg10[%get3A_254, %get3A_255] {strides = array<i32>} : memref<2x512xi32, #tpu.memory_space<vmem>>, vector<16xi32>,
      %gather3A_257 = tpu.vector_load_idx %arg11[%get3A_252, %get3A_256] : memref<40x35xf32, #tpu.memory_space<vmem>>[vector<16xi32>, vector<16xi32>], vector<16xf32>,
      tpu.vector_store_idx %arg12[%get3A_256, %get3A_252], %gather3A_257 : memref<35x256xf32, #tpu.memory_space<vmem>>[vector<16xi32>, vector<16xi32>], vector<16xf32>,
      %get3A_258 = arith.constant 0 : i32
      %get3A_259 = arith.index_cast %get3A_258 : i32 to index
      %get3A_260 = arith.constant 448 : index
      %get3A_261 = tpu.vector_load %arg10[%get3A_259, %get3A_260] {strides = array<i32>} : memref<2x512xi32, #tpu.memory_space<vmem>>, vector<16xi32>,
      %get3A_262 = arith.constant 1 : i32
      %get3A_263 = arith.index_cast %get3A_262 : i32 to index
      %get3A_264 = arith.constant 448 : index
      %get3A_265 = tpu.vector_load %arg10[%get3A_263, %get3A_264] {strides = array<i32>} : memref<2x512xi32, #tpu.memory_space<vmem>>, vector<16xi32>,
      %gather3A_266 = tpu.vector_load_idx %arg11[%get3A_261, %get3A_265] : memref<40x35xf32, #tpu.memory_space<vmem>>[vector<16xi32>, vector<16xi32>], vector<16xf32>,
      tpu.vector_store_idx %arg12[%get3A_265, %get3A_261], %gather3A_266 : memref<35x256xf32, #tpu.memory_space<vmem>>[vector<16xi32>, vector<16xi32>], vector<16xf32>,
      %get3A_267 = arith.constant 0 : i32
      %get3A_268 = arith.index_cast %get3A_267 : i32 to index
      %get3A_269 = arith.constant 464 : index
      %get3A_270 = tpu.vector_load %arg10[%get3A_268, %get3A_269] {strides = array<i32>} : memref<2x512xi32, #tpu.memory_space<vmem>>, vector<16xi32>,
      %get3A_271 = arith.constant 1 : i32
      %get3A_272 = arith.index_cast %get3A_271 : i32 to index
      %get3A_273 = arith.constant 464 : index
      %get3A_274 = tpu.vector_load %arg10[%get3A_272, %get3A_273] {strides = array<i32>} : memref<2x512xi32, #tpu.memory_space<vmem>>, vector<16xi32>,
      %gather3A_275 = tpu.vector_load_idx %arg11[%get3A_270, %get3A_274] : memref<40x35xf32, #tpu.memory_space<vmem>>[vector<16xi32>, vector<16xi32>], vector<16xf32>,
      tpu.vector_store_idx %arg12[%get3A_274, %get3A_270], %gather3A_275 : memref<35x256xf32, #tpu.memory_space<vmem>>[vector<16xi32>, vector<16xi32>], vector<16xf32>,
      %get3A_276 = arith.constant 0 : i32
      %get3A_277 = arith.index_cast %get3A_276 : i32 to index
      %get3A_278 = arith.constant 480 : index
      %get3A_279 = tpu.vector_load %arg10[%get3A_277, %get3A_278] {strides = array<i32>} : memref<2x512xi32, #tpu.memory_space<vmem>>, vector<16xi32>,
      %get3A_280 = arith.constant 1 : i32
      %get3A_281 = arith.index_cast %get3A_280 : i32 to index
      %get3A_282 = arith.constant 480 : index
      %get3A_283 = tpu.vector_load %arg10[%get3A_281, %get3A_282] {strides = array<i32>} : memref<2x512xi32, #tpu.memory_space<vmem>>, vector<16xi32>,
      %gather3A_284 = tpu.vector_load_idx %arg11[%get3A_279, %get3A_283] : memref<40x35xf32, #tpu.memory_space<vmem>>[vector<16xi32>, vector<16xi32>], vector<16xf32>,
      tpu.vector_store_idx %arg12[%get3A_283, %get3A_279], %gather3A_284 : memref<35x256xf32, #tpu.memory_space<vmem>>[vector<16xi32>, vector<16xi32>], vector<16xf32>,
      %get3A_285 = arith.constant 0 : i32
      %get3A_286 = arith.index_cast %get3A_285 : i32 to index
      %get3A_287 = arith.constant 496 : index
      %get3A_288 = tpu.vector_load %arg10[%get3A_286, %get3A_287] {strides = array<i32>} : memref<2x512xi32, #tpu.memory_space<vmem>>, vector<16xi32>,
      %get3A_289 = arith.constant 1 : i32
      %get3A_290 = arith.index_cast %get3A_289 : i32 to index
      %get3A_291 = arith.constant 496 : index
      %get3A_292 = tpu.vector_load %arg10[%get3A_290, %get3A_291] {strides = array<i32>} : memref<2x512xi32, #tpu.memory_space<vmem>>, vector<16xi32>,
      %gather3A_293 = tpu.vector_load_idx %arg11[%get3A_288, %get3A_292] : memref<40x35xf32, #tpu.memory_space<vmem>>[vector<16xi32>, vector<16xi32>], vector<16xf32>,
      tpu.vector_store_idx %arg12[%get3A_292, %get3A_288], %gather3A_293 : memref<35x256xf32, #tpu.memory_space<vmem>>[vector<16xi32>, vector<16xi32>], vector<16xf32>,
      "tpu.region"() ({
        %run_scoped3A = tpu.sem_alloc : memref<!tpu.dma_semaphore, #tpu.memory_space<semaphore_mem>>
        tpu.enqueue_dma source(%arg12 : memref<35x256xf32, #tpu.memory_space<vmem>>) target(%arg8 : memref<35x256xf32, #tpu.memory_space<hbm>>) target_semaphore(%run_scoped3A : memref<!tpu.dma_semaphore, #tpu.memory_space<semaphore_mem>>)
        tpu.wait_dma2 semaphore(%run_scoped3A : memref<!tpu.dma_semaphore, #tpu.memory_space<semaphore_mem>>) src(%arg12 : memref<35x256xf32, #tpu.memory_space<vmem>>) dst(%arg8 : memref<35x256xf32, #tpu.memory_space<hbm>>)
        tpu.yield
      }) : () -> ()
    } else {
    }
    %eq3A_3 = arith.constant 1 : i32
    %eq3A_4 = arith.cmpi eq, %add3A, %eq3A_3 : i32
    %convert_element_type3A_5 = arith.extui %eq3A_4 : i1 to i32
    %cond3A_6 = arith.constant 0 : i32
    %cond3A_7 = arith.cmpi ne, %convert_element_type3A_5, %cond3A_6 : i32
    scf.if %cond3A_7 {
      "tpu.region"() ({
        %run_scoped3A = tpu.sem_alloc : memref<!tpu.dma_semaphore, #tpu.memory_space<semaphore_mem>>
        tpu.enqueue_dma source(%arg7 : memref<2x512xi32, #tpu.memory_space<hbm>>) target(%arg10 : memref<2x512xi32, #tpu.memory_space<vmem>>) target_semaphore(%run_scoped3A : memref<!tpu.dma_semaphore, #tpu.memory_space<semaphore_mem>>)
        tpu.wait_dma2 semaphore(%run_scoped3A : memref<!tpu.dma_semaphore, #tpu.memory_space<semaphore_mem>>) src(%arg7 : memref<2x512xi32, #tpu.memory_space<hbm>>) dst(%arg10 : memref<2x512xi32, #tpu.memory_space<vmem>>)
        tpu.yield
      }) : () -> ()
      "tpu.region"() ({
        %run_scoped3A = tpu.sem_alloc : memref<!tpu.dma_semaphore, #tpu.memory_space<semaphore_mem>>
        tpu.enqueue_dma source(%arg3 : memref<40x35xf32, #tpu.memory_space<hbm>>) target(%arg11 : memref<40x35xf32, #tpu.memory_space<vmem>>) target_semaphore(%run_scoped3A : memref<!tpu.dma_semaphore, #tpu.memory_space<semaphore_mem>>)
        tpu.wait_dma2 semaphore(%run_scoped3A : memref<!tpu.dma_semaphore, #tpu.memory_space<semaphore_mem>>) src(%arg3 : memref<40x35xf32, #tpu.memory_space<hbm>>) dst(%arg11 : memref<40x35xf32, #tpu.memory_space<vmem>>)
        tpu.yield
      }) : () -> ()
      "tpu.region"() ({
        %run_scoped3A = tpu.sem_alloc : memref<!tpu.dma_semaphore, #tpu.memory_space<semaphore_mem>>
        tpu.enqueue_dma source(%arg5 : memref<35x256xf32, #tpu.memory_space<hbm>>) target(%arg12 : memref<35x256xf32, #tpu.memory_space<vmem>>) target_semaphore(%run_scoped3A : memref<!tpu.dma_semaphore, #tpu.memory_space<semaphore_mem>>)
        tpu.wait_dma2 semaphore(%run_scoped3A : memref<!tpu.dma_semaphore, #tpu.memory_space<semaphore_mem>>) src(%arg5 : memref<35x256xf32, #tpu.memory_space<hbm>>) dst(%arg12 : memref<35x256xf32, #tpu.memory_space<vmem>>)
        tpu.yield
      }) : () -> ()
      %get3A = arith.constant 0 : i32
      %get3A_8 = arith.index_cast %get3A : i32 to index
      %get3A_9 = arith.constant 0 : index
      %get3A_10 = tpu.vector_load %arg10[%get3A_8, %get3A_9] {strides = array<i32>} : memref<2x512xi32, #tpu.memory_space<vmem>>, vector<16xi32>,
      %get3A_11 = arith.constant 1 : i32
      %get3A_12 = arith.index_cast %get3A_11 : i32 to index
      %get3A_13 = arith.constant 0 : index
      %get3A_14 = tpu.vector_load %arg10[%get3A_12, %get3A_13] {strides = array<i32>} : memref<2x512xi32, #tpu.memory_space<vmem>>, vector<16xi32>,
      %gather3A = tpu.vector_load_idx %arg11[%get3A_10, %get3A_14] : memref<40x35xf32, #tpu.memory_space<vmem>>[vector<16xi32>, vector<16xi32>], vector<16xf32>,
      tpu.vector_store_idx %arg12[%get3A_14, %get3A_10], %gather3A : memref<35x256xf32, #tpu.memory_space<vmem>>[vector<16xi32>, vector<16xi32>], vector<16xf32>,
      %get3A_15 = arith.constant 0 : i32
      %get3A_16 = arith.index_cast %get3A_15 : i32 to index
      %get3A_17 = arith.constant 16 : index
      %get3A_18 = tpu.vector_load %arg10[%get3A_16, %get3A_17] {strides = array<i32>} : memref<2x512xi32, #tpu.memory_space<vmem>>, vector<16xi32>,
      %get3A_19 = arith.constant 1 : i32
      %get3A_20 = arith.index_cast %get3A_19 : i32 to index
      %get3A_21 = arith.constant 16 : index
      %get3A_22 = tpu.vector_load %arg10[%get3A_20, %get3A_21] {strides = array<i32>} : memref<2x512xi32, #tpu.memory_space<vmem>>, vector<16xi32>,
      %gather3A_23 = tpu.vector_load_idx %arg11[%get3A_18, %get3A_22] : memref<40x35xf32, #tpu.memory_space<vmem>>[vector<16xi32>, vector<16xi32>], vector<16xf32>,
      tpu.vector_store_idx %arg12[%get3A_22, %get3A_18], %gather3A_23 : memref<35x256xf32, #tpu.memory_space<vmem>>[vector<16xi32>, vector<16xi32>], vector<16xf32>,
      %get3A_24 = arith.constant 0 : i32
      %get3A_25 = arith.index_cast %get3A_24 : i32 to index
      %get3A_26 = arith.constant 32 : index
      %get3A_27 = tpu.vector_load %arg10[%get3A_25, %get3A_26] {strides = array<i32>} : memref<2x512xi32, #tpu.memory_space<vmem>>, vector<16xi32>,
      %get3A_28 = arith.constant 1 : i32
      %get3A_29 = arith.index_cast %get3A_28 : i32 to index
      %get3A_30 = arith.constant 32 : index
      %get3A_31 = tpu.vector_load %arg10[%get3A_29, %get3A_30] {strides = array<i32>} : memref<2x512xi32, #tpu.memory_space<vmem>>, vector<16xi32>,
      %gather3A_32 = tpu.vector_load_idx %arg11[%get3A_27, %get3A_31] : memref<40x35xf32, #tpu.memory_space<vmem>>[vector<16xi32>, vector<16xi32>], vector<16xf32>,
      tpu.vector_store_idx %arg12[%get3A_31, %get3A_27], %gather3A_32 : memref<35x256xf32, #tpu.memory_space<vmem>>[vector<16xi32>, vector<16xi32>], vector<16xf32>,
      %get3A_33 = arith.constant 0 : i32
      %get3A_34 = arith.index_cast %get3A_33 : i32 to index
      %get3A_35 = arith.constant 48 : index
      %get3A_36 = tpu.vector_load %arg10[%get3A_34, %get3A_35] {strides = array<i32>} : memref<2x512xi32, #tpu.memory_space<vmem>>, vector<16xi32>,
      %get3A_37 = arith.constant 1 : i32
      %get3A_38 = arith.index_cast %get3A_37 : i32 to index
      %get3A_39 = arith.constant 48 : index
      %get3A_40 = tpu.vector_load %arg10[%get3A_38, %get3A_39] {strides = array<i32>} : memref<2x512xi32, #tpu.memory_space<vmem>>, vector<16xi32>,
      %gather3A_41 = tpu.vector_load_idx %arg11[%get3A_36, %get3A_40] : memref<40x35xf32, #tpu.memory_space<vmem>>[vector<16xi32>, vector<16xi32>], vector<16xf32>,
      tpu.vector_store_idx %arg12[%get3A_40, %get3A_36], %gather3A_41 : memref<35x256xf32, #tpu.memory_space<vmem>>[vector<16xi32>, vector<16xi32>], vector<16xf32>,
      %get3A_42 = arith.constant 0 : i32
      %get3A_43 = arith.index_cast %get3A_42 : i32 to index
      %get3A_44 = arith.constant 64 : index
      %get3A_45 = tpu.vector_load %arg10[%get3A_43, %get3A_44] {strides = array<i32>} : memref<2x512xi32, #tpu.memory_space<vmem>>, vector<16xi32>,
      %get3A_46 = arith.constant 1 : i32
      %get3A_47 = arith.index_cast %get3A_46 : i32 to index
      %get3A_48 = arith.constant 64 : index
      %get3A_49 = tpu.vector_load %arg10[%get3A_47, %get3A_48] {strides = array<i32>} : memref<2x512xi32, #tpu.memory_space<vmem>>, vector<16xi32>,
      %gather3A_50 = tpu.vector_load_idx %arg11[%get3A_45, %get3A_49] : memref<40x35xf32, #tpu.memory_space<vmem>>[vector<16xi32>, vector<16xi32>], vector<16xf32>,
      tpu.vector_store_idx %arg12[%get3A_49, %get3A_45], %gather3A_50 : memref<35x256xf32, #tpu.memory_space<vmem>>[vector<16xi32>, vector<16xi32>], vector<16xf32>,
      %get3A_51 = arith.constant 0 : i32
      %get3A_52 = arith.index_cast %get3A_51 : i32 to index
      %get3A_53 = arith.constant 80 : index
      %get3A_54 = tpu.vector_load %arg10[%get3A_52, %get3A_53] {strides = array<i32>} : memref<2x512xi32, #tpu.memory_space<vmem>>, vector<16xi32>,
      %get3A_55 = arith.constant 1 : i32
      %get3A_56 = arith.index_cast %get3A_55 : i32 to index
      %get3A_57 = arith.constant 80 : index
      %get3A_58 = tpu.vector_load %arg10[%get3A_56, %get3A_57] {strides = array<i32>} : memref<2x512xi32, #tpu.memory_space<vmem>>, vector<16xi32>,
      %gather3A_59 = tpu.vector_load_idx %arg11[%get3A_54, %get3A_58] : memref<40x35xf32, #tpu.memory_space<vmem>>[vector<16xi32>, vector<16xi32>], vector<16xf32>,
      tpu.vector_store_idx %arg12[%get3A_58, %get3A_54], %gather3A_59 : memref<35x256xf32, #tpu.memory_space<vmem>>[vector<16xi32>, vector<16xi32>], vector<16xf32>,
      %get3A_60 = arith.constant 0 : i32
      %get3A_61 = arith.index_cast %get3A_60 : i32 to index
      %get3A_62 = arith.constant 96 : index
      %get3A_63 = tpu.vector_load %arg10[%get3A_61, %get3A_62] {strides = array<i32>} : memref<2x512xi32, #tpu.memory_space<vmem>>, vector<16xi32>,
      %get3A_64 = arith.constant 1 : i32
      %get3A_65 = arith.index_cast %get3A_64 : i32 to index
      %get3A_66 = arith.constant 96 : index
      %get3A_67 = tpu.vector_load %arg10[%get3A_65, %get3A_66] {strides = array<i32>} : memref<2x512xi32, #tpu.memory_space<vmem>>, vector<16xi32>,
      %gather3A_68 = tpu.vector_load_idx %arg11[%get3A_63, %get3A_67] : memref<40x35xf32, #tpu.memory_space<vmem>>[vector<16xi32>, vector<16xi32>], vector<16xf32>,
      tpu.vector_store_idx %arg12[%get3A_67, %get3A_63], %gather3A_68 : memref<35x256xf32, #tpu.memory_space<vmem>>[vector<16xi32>, vector<16xi32>], vector<16xf32>,
      %get3A_69 = arith.constant 0 : i32
      %get3A_70 = arith.index_cast %get3A_69 : i32 to index
      %get3A_71 = arith.constant 112 : index
      %get3A_72 = tpu.vector_load %arg10[%get3A_70, %get3A_71] {strides = array<i32>} : memref<2x512xi32, #tpu.memory_space<vmem>>, vector<16xi32>,
      %get3A_73 = arith.constant 1 : i32
      %get3A_74 = arith.index_cast %get3A_73 : i32 to index
      %get3A_75 = arith.constant 112 : index
      %get3A_76 = tpu.vector_load %arg10[%get3A_74, %get3A_75] {strides = array<i32>} : memref<2x512xi32, #tpu.memory_space<vmem>>, vector<16xi32>,
      %gather3A_77 = tpu.vector_load_idx %arg11[%get3A_72, %get3A_76] : memref<40x35xf32, #tpu.memory_space<vmem>>[vector<16xi32>, vector<16xi32>], vector<16xf32>,
      tpu.vector_store_idx %arg12[%get3A_76, %get3A_72], %gather3A_77 : memref<35x256xf32, #tpu.memory_space<vmem>>[vector<16xi32>, vector<16xi32>], vector<16xf32>,
      %get3A_78 = arith.constant 0 : i32
      %get3A_79 = arith.index_cast %get3A_78 : i32 to index
      %get3A_80 = arith.constant 128 : index
      %get3A_81 = tpu.vector_load %arg10[%get3A_79, %get3A_80] {strides = array<i32>} : memref<2x512xi32, #tpu.memory_space<vmem>>, vector<16xi32>,
      %get3A_82 = arith.constant 1 : i32
      %get3A_83 = arith.index_cast %get3A_82 : i32 to index
      %get3A_84 = arith.constant 128 : index
      %get3A_85 = tpu.vector_load %arg10[%get3A_83, %get3A_84] {strides = array<i32>} : memref<2x512xi32, #tpu.memory_space<vmem>>, vector<16xi32>,
      %gather3A_86 = tpu.vector_load_idx %arg11[%get3A_81, %get3A_85] : memref<40x35xf32, #tpu.memory_space<vmem>>[vector<16xi32>, vector<16xi32>], vector<16xf32>,
      tpu.vector_store_idx %arg12[%get3A_85, %get3A_81], %gather3A_86 : memref<35x256xf32, #tpu.memory_space<vmem>>[vector<16xi32>, vector<16xi32>], vector<16xf32>,
      %get3A_87 = arith.constant 0 : i32
      %get3A_88 = arith.index_cast %get3A_87 : i32 to index
      %get3A_89 = arith.constant 144 : index
      %get3A_90 = tpu.vector_load %arg10[%get3A_88, %get3A_89] {strides = array<i32>} : memref<2x512xi32, #tpu.memory_space<vmem>>, vector<16xi32>,
      %get3A_91 = arith.constant 1 : i32
      %get3A_92 = arith.index_cast %get3A_91 : i32 to index
      %get3A_93 = arith.constant 144 : index
      %get3A_94 = tpu.vector_load %arg10[%get3A_92, %get3A_93] {strides = array<i32>} : memref<2x512xi32, #tpu.memory_space<vmem>>, vector<16xi32>,
      %gather3A_95 = tpu.vector_load_idx %arg11[%get3A_90, %get3A_94] : memref<40x35xf32, #tpu.memory_space<vmem>>[vector<16xi32>, vector<16xi32>], vector<16xf32>,
      tpu.vector_store_idx %arg12[%get3A_94, %get3A_90], %gather3A_95 : memref<35x256xf32, #tpu.memory_space<vmem>>[vector<16xi32>, vector<16xi32>], vector<16xf32>,
      %get3A_96 = arith.constant 0 : i32
      %get3A_97 = arith.index_cast %get3A_96 : i32 to index
      %get3A_98 = arith.constant 160 : index
      %get3A_99 = tpu.vector_load %arg10[%get3A_97, %get3A_98] {strides = array<i32>} : memref<2x512xi32, #tpu.memory_space<vmem>>, vector<16xi32>,
      %get3A_100 = arith.constant 1 : i32
      %get3A_101 = arith.index_cast %get3A_100 : i32 to index
      %get3A_102 = arith.constant 160 : index
      %get3A_103 = tpu.vector_load %arg10[%get3A_101, %get3A_102] {strides = array<i32>} : memref<2x512xi32, #tpu.memory_space<vmem>>, vector<16xi32>,
      %gather3A_104 = tpu.vector_load_idx %arg11[%get3A_99, %get3A_103] : memref<40x35xf32, #tpu.memory_space<vmem>>[vector<16xi32>, vector<16xi32>], vector<16xf32>,
      tpu.vector_store_idx %arg12[%get3A_103, %get3A_99], %gather3A_104 : memref<35x256xf32, #tpu.memory_space<vmem>>[vector<16xi32>, vector<16xi32>], vector<16xf32>,
      %get3A_105 = arith.constant 0 : i32
      %get3A_106 = arith.index_cast %get3A_105 : i32 to index
      %get3A_107 = arith.constant 176 : index
      %get3A_108 = tpu.vector_load %arg10[%get3A_106, %get3A_107] {strides = array<i32>} : memref<2x512xi32, #tpu.memory_space<vmem>>, vector<16xi32>,
      %get3A_109 = arith.constant 1 : i32
      %get3A_110 = arith.index_cast %get3A_109 : i32 to index
      %get3A_111 = arith.constant 176 : index
      %get3A_112 = tpu.vector_load %arg10[%get3A_110, %get3A_111] {strides = array<i32>} : memref<2x512xi32, #tpu.memory_space<vmem>>, vector<16xi32>,
      %gather3A_113 = tpu.vector_load_idx %arg11[%get3A_108, %get3A_112] : memref<40x35xf32, #tpu.memory_space<vmem>>[vector<16xi32>, vector<16xi32>], vector<16xf32>,
      tpu.vector_store_idx %arg12[%get3A_112, %get3A_108], %gather3A_113 : memref<35x256xf32, #tpu.memory_space<vmem>>[vector<16xi32>, vector<16xi32>], vector<16xf32>,
      %get3A_114 = arith.constant 0 : i32
      %get3A_115 = arith.index_cast %get3A_114 : i32 to index
      %get3A_116 = arith.constant 192 : index
      %get3A_117 = tpu.vector_load %arg10[%get3A_115, %get3A_116] {strides = array<i32>} : memref<2x512xi32, #tpu.memory_space<vmem>>, vector<16xi32>,
      %get3A_118 = arith.constant 1 : i32
      %get3A_119 = arith.index_cast %get3A_118 : i32 to index
      %get3A_120 = arith.constant 192 : index
      %get3A_121 = tpu.vector_load %arg10[%get3A_119, %get3A_120] {strides = array<i32>} : memref<2x512xi32, #tpu.memory_space<vmem>>, vector<16xi32>,
      %gather3A_122 = tpu.vector_load_idx %arg11[%get3A_117, %get3A_121] : memref<40x35xf32, #tpu.memory_space<vmem>>[vector<16xi32>, vector<16xi32>], vector<16xf32>,
      tpu.vector_store_idx %arg12[%get3A_121, %get3A_117], %gather3A_122 : memref<35x256xf32, #tpu.memory_space<vmem>>[vector<16xi32>, vector<16xi32>], vector<16xf32>,
      %get3A_123 = arith.constant 0 : i32
      %get3A_124 = arith.index_cast %get3A_123 : i32 to index
      %get3A_125 = arith.constant 208 : index
      %get3A_126 = tpu.vector_load %arg10[%get3A_124, %get3A_125] {strides = array<i32>} : memref<2x512xi32, #tpu.memory_space<vmem>>, vector<16xi32>,
      %get3A_127 = arith.constant 1 : i32
      %get3A_128 = arith.index_cast %get3A_127 : i32 to index
      %get3A_129 = arith.constant 208 : index
      %get3A_130 = tpu.vector_load %arg10[%get3A_128, %get3A_129] {strides = array<i32>} : memref<2x512xi32, #tpu.memory_space<vmem>>, vector<16xi32>,
      %gather3A_131 = tpu.vector_load_idx %arg11[%get3A_126, %get3A_130] : memref<40x35xf32, #tpu.memory_space<vmem>>[vector<16xi32>, vector<16xi32>], vector<16xf32>,
      tpu.vector_store_idx %arg12[%get3A_130, %get3A_126], %gather3A_131 : memref<35x256xf32, #tpu.memory_space<vmem>>[vector<16xi32>, vector<16xi32>], vector<16xf32>,
      %get3A_132 = arith.constant 0 : i32
      %get3A_133 = arith.index_cast %get3A_132 : i32 to index
      %get3A_134 = arith.constant 224 : index
      %get3A_135 = tpu.vector_load %arg10[%get3A_133, %get3A_134] {strides = array<i32>} : memref<2x512xi32, #tpu.memory_space<vmem>>, vector<16xi32>,
      %get3A_136 = arith.constant 1 : i32
      %get3A_137 = arith.index_cast %get3A_136 : i32 to index
      %get3A_138 = arith.constant 224 : index
      %get3A_139 = tpu.vector_load %arg10[%get3A_137, %get3A_138] {strides = array<i32>} : memref<2x512xi32, #tpu.memory_space<vmem>>, vector<16xi32>,
      %gather3A_140 = tpu.vector_load_idx %arg11[%get3A_135, %get3A_139] : memref<40x35xf32, #tpu.memory_space<vmem>>[vector<16xi32>, vector<16xi32>], vector<16xf32>,
      tpu.vector_store_idx %arg12[%get3A_139, %get3A_135], %gather3A_140 : memref<35x256xf32, #tpu.memory_space<vmem>>[vector<16xi32>, vector<16xi32>], vector<16xf32>,
      %get3A_141 = arith.constant 0 : i32
      %get3A_142 = arith.index_cast %get3A_141 : i32 to index
      %get3A_143 = arith.constant 240 : index
      %get3A_144 = tpu.vector_load %arg10[%get3A_142, %get3A_143] {strides = array<i32>} : memref<2x512xi32, #tpu.memory_space<vmem>>, vector<16xi32>,
      %get3A_145 = arith.constant 1 : i32
      %get3A_146 = arith.index_cast %get3A_145 : i32 to index
      %get3A_147 = arith.constant 240 : index
      %get3A_148 = tpu.vector_load %arg10[%get3A_146, %get3A_147] {strides = array<i32>} : memref<2x512xi32, #tpu.memory_space<vmem>>, vector<16xi32>,
      %gather3A_149 = tpu.vector_load_idx %arg11[%get3A_144, %get3A_148] : memref<40x35xf32, #tpu.memory_space<vmem>>[vector<16xi32>, vector<16xi32>], vector<16xf32>,
      tpu.vector_store_idx %arg12[%get3A_148, %get3A_144], %gather3A_149 : memref<35x256xf32, #tpu.memory_space<vmem>>[vector<16xi32>, vector<16xi32>], vector<16xf32>,
      %get3A_150 = arith.constant 0 : i32
      %get3A_151 = arith.index_cast %get3A_150 : i32 to index
      %get3A_152 = arith.constant 256 : index
      %get3A_153 = tpu.vector_load %arg10[%get3A_151, %get3A_152] {strides = array<i32>} : memref<2x512xi32, #tpu.memory_space<vmem>>, vector<16xi32>,
      %get3A_154 = arith.constant 1 : i32
      %get3A_155 = arith.index_cast %get3A_154 : i32 to index
      %get3A_156 = arith.constant 256 : index
      %get3A_157 = tpu.vector_load %arg10[%get3A_155, %get3A_156] {strides = array<i32>} : memref<2x512xi32, #tpu.memory_space<vmem>>, vector<16xi32>,
      %gather3A_158 = tpu.vector_load_idx %arg11[%get3A_153, %get3A_157] : memref<40x35xf32, #tpu.memory_space<vmem>>[vector<16xi32>, vector<16xi32>], vector<16xf32>,
      tpu.vector_store_idx %arg12[%get3A_157, %get3A_153], %gather3A_158 : memref<35x256xf32, #tpu.memory_space<vmem>>[vector<16xi32>, vector<16xi32>], vector<16xf32>,
      %get3A_159 = arith.constant 0 : i32
      %get3A_160 = arith.index_cast %get3A_159 : i32 to index
      %get3A_161 = arith.constant 272 : index
      %get3A_162 = tpu.vector_load %arg10[%get3A_160, %get3A_161] {strides = array<i32>} : memref<2x512xi32, #tpu.memory_space<vmem>>, vector<16xi32>,
      %get3A_163 = arith.constant 1 : i32
      %get3A_164 = arith.index_cast %get3A_163 : i32 to index
      %get3A_165 = arith.constant 272 : index
      %get3A_166 = tpu.vector_load %arg10[%get3A_164, %get3A_165] {strides = array<i32>} : memref<2x512xi32, #tpu.memory_space<vmem>>, vector<16xi32>,
      %gather3A_167 = tpu.vector_load_idx %arg11[%get3A_162, %get3A_166] : memref<40x35xf32, #tpu.memory_space<vmem>>[vector<16xi32>, vector<16xi32>], vector<16xf32>,
      tpu.vector_store_idx %arg12[%get3A_166, %get3A_162], %gather3A_167 : memref<35x256xf32, #tpu.memory_space<vmem>>[vector<16xi32>, vector<16xi32>], vector<16xf32>,
      %get3A_168 = arith.constant 0 : i32
      %get3A_169 = arith.index_cast %get3A_168 : i32 to index
      %get3A_170 = arith.constant 288 : index
      %get3A_171 = tpu.vector_load %arg10[%get3A_169, %get3A_170] {strides = array<i32>} : memref<2x512xi32, #tpu.memory_space<vmem>>, vector<16xi32>,
      %get3A_172 = arith.constant 1 : i32
      %get3A_173 = arith.index_cast %get3A_172 : i32 to index
      %get3A_174 = arith.constant 288 : index
      %get3A_175 = tpu.vector_load %arg10[%get3A_173, %get3A_174] {strides = array<i32>} : memref<2x512xi32, #tpu.memory_space<vmem>>, vector<16xi32>,
      %gather3A_176 = tpu.vector_load_idx %arg11[%get3A_171, %get3A_175] : memref<40x35xf32, #tpu.memory_space<vmem>>[vector<16xi32>, vector<16xi32>], vector<16xf32>,
      tpu.vector_store_idx %arg12[%get3A_175, %get3A_171], %gather3A_176 : memref<35x256xf32, #tpu.memory_space<vmem>>[vector<16xi32>, vector<16xi32>], vector<16xf32>,
      %get3A_177 = arith.constant 0 : i32
      %get3A_178 = arith.index_cast %get3A_177 : i32 to index
      %get3A_179 = arith.constant 304 : index
      %get3A_180 = tpu.vector_load %arg10[%get3A_178, %get3A_179] {strides = array<i32>} : memref<2x512xi32, #tpu.memory_space<vmem>>, vector<16xi32>,
      %get3A_181 = arith.constant 1 : i32
      %get3A_182 = arith.index_cast %get3A_181 : i32 to index
      %get3A_183 = arith.constant 304 : index
      %get3A_184 = tpu.vector_load %arg10[%get3A_182, %get3A_183] {strides = array<i32>} : memref<2x512xi32, #tpu.memory_space<vmem>>, vector<16xi32>,
      %gather3A_185 = tpu.vector_load_idx %arg11[%get3A_180, %get3A_184] : memref<40x35xf32, #tpu.memory_space<vmem>>[vector<16xi32>, vector<16xi32>], vector<16xf32>,
      tpu.vector_store_idx %arg12[%get3A_184, %get3A_180], %gather3A_185 : memref<35x256xf32, #tpu.memory_space<vmem>>[vector<16xi32>, vector<16xi32>], vector<16xf32>,
      %get3A_186 = arith.constant 0 : i32
      %get3A_187 = arith.index_cast %get3A_186 : i32 to index
      %get3A_188 = arith.constant 320 : index
      %get3A_189 = tpu.vector_load %arg10[%get3A_187, %get3A_188] {strides = array<i32>} : memref<2x512xi32, #tpu.memory_space<vmem>>, vector<16xi32>,
      %get3A_190 = arith.constant 1 : i32
      %get3A_191 = arith.index_cast %get3A_190 : i32 to index
      %get3A_192 = arith.constant 320 : index
      %get3A_193 = tpu.vector_load %arg10[%get3A_191, %get3A_192] {strides = array<i32>} : memref<2x512xi32, #tpu.memory_space<vmem>>, vector<16xi32>,
      %gather3A_194 = tpu.vector_load_idx %arg11[%get3A_189, %get3A_193] : memref<40x35xf32, #tpu.memory_space<vmem>>[vector<16xi32>, vector<16xi32>], vector<16xf32>,
      tpu.vector_store_idx %arg12[%get3A_193, %get3A_189], %gather3A_194 : memref<35x256xf32, #tpu.memory_space<vmem>>[vector<16xi32>, vector<16xi32>], vector<16xf32>,
      %get3A_195 = arith.constant 0 : i32
      %get3A_196 = arith.index_cast %get3A_195 : i32 to index
      %get3A_197 = arith.constant 336 : index
      %get3A_198 = tpu.vector_load %arg10[%get3A_196, %get3A_197] {strides = array<i32>} : memref<2x512xi32, #tpu.memory_space<vmem>>, vector<16xi32>,
      %get3A_199 = arith.constant 1 : i32
      %get3A_200 = arith.index_cast %get3A_199 : i32 to index
      %get3A_201 = arith.constant 336 : index
      %get3A_202 = tpu.vector_load %arg10[%get3A_200, %get3A_201] {strides = array<i32>} : memref<2x512xi32, #tpu.memory_space<vmem>>, vector<16xi32>,
      %gather3A_203 = tpu.vector_load_idx %arg11[%get3A_198, %get3A_202] : memref<40x35xf32, #tpu.memory_space<vmem>>[vector<16xi32>, vector<16xi32>], vector<16xf32>,
      tpu.vector_store_idx %arg12[%get3A_202, %get3A_198], %gather3A_203 : memref<35x256xf32, #tpu.memory_space<vmem>>[vector<16xi32>, vector<16xi32>], vector<16xf32>,
      %get3A_204 = arith.constant 0 : i32
      %get3A_205 = arith.index_cast %get3A_204 : i32 to index
      %get3A_206 = arith.constant 352 : index
      %get3A_207 = tpu.vector_load %arg10[%get3A_205, %get3A_206] {strides = array<i32>} : memref<2x512xi32, #tpu.memory_space<vmem>>, vector<16xi32>,
      %get3A_208 = arith.constant 1 : i32
      %get3A_209 = arith.index_cast %get3A_208 : i32 to index
      %get3A_210 = arith.constant 352 : index
      %get3A_211 = tpu.vector_load %arg10[%get3A_209, %get3A_210] {strides = array<i32>} : memref<2x512xi32, #tpu.memory_space<vmem>>, vector<16xi32>,
      %gather3A_212 = tpu.vector_load_idx %arg11[%get3A_207, %get3A_211] : memref<40x35xf32, #tpu.memory_space<vmem>>[vector<16xi32>, vector<16xi32>], vector<16xf32>,
      tpu.vector_store_idx %arg12[%get3A_211, %get3A_207], %gather3A_212 : memref<35x256xf32, #tpu.memory_space<vmem>>[vector<16xi32>, vector<16xi32>], vector<16xf32>,
      %get3A_213 = arith.constant 0 : i32
      %get3A_214 = arith.index_cast %get3A_213 : i32 to index
      %get3A_215 = arith.constant 368 : index
      %get3A_216 = tpu.vector_load %arg10[%get3A_214, %get3A_215] {strides = array<i32>} : memref<2x512xi32, #tpu.memory_space<vmem>>, vector<16xi32>,
      %get3A_217 = arith.constant 1 : i32
      %get3A_218 = arith.index_cast %get3A_217 : i32 to index
      %get3A_219 = arith.constant 368 : index
      %get3A_220 = tpu.vector_load %arg10[%get3A_218, %get3A_219] {strides = array<i32>} : memref<2x512xi32, #tpu.memory_space<vmem>>, vector<16xi32>,
      %gather3A_221 = tpu.vector_load_idx %arg11[%get3A_216, %get3A_220] : memref<40x35xf32, #tpu.memory_space<vmem>>[vector<16xi32>, vector<16xi32>], vector<16xf32>,
      tpu.vector_store_idx %arg12[%get3A_220, %get3A_216], %gather3A_221 : memref<35x256xf32, #tpu.memory_space<vmem>>[vector<16xi32>, vector<16xi32>], vector<16xf32>,
      %get3A_222 = arith.constant 0 : i32
      %get3A_223 = arith.index_cast %get3A_222 : i32 to index
      %get3A_224 = arith.constant 384 : index
      %get3A_225 = tpu.vector_load %arg10[%get3A_223, %get3A_224] {strides = array<i32>} : memref<2x512xi32, #tpu.memory_space<vmem>>, vector<16xi32>,
      %get3A_226 = arith.constant 1 : i32
      %get3A_227 = arith.index_cast %get3A_226 : i32 to index
      %get3A_228 = arith.constant 384 : index
      %get3A_229 = tpu.vector_load %arg10[%get3A_227, %get3A_228] {strides = array<i32>} : memref<2x512xi32, #tpu.memory_space<vmem>>, vector<16xi32>,
      %gather3A_230 = tpu.vector_load_idx %arg11[%get3A_225, %get3A_229] : memref<40x35xf32, #tpu.memory_space<vmem>>[vector<16xi32>, vector<16xi32>], vector<16xf32>,
      tpu.vector_store_idx %arg12[%get3A_229, %get3A_225], %gather3A_230 : memref<35x256xf32, #tpu.memory_space<vmem>>[vector<16xi32>, vector<16xi32>], vector<16xf32>,
      %get3A_231 = arith.constant 0 : i32
      %get3A_232 = arith.index_cast %get3A_231 : i32 to index
      %get3A_233 = arith.constant 400 : index
      %get3A_234 = tpu.vector_load %arg10[%get3A_232, %get3A_233] {strides = array<i32>} : memref<2x512xi32, #tpu.memory_space<vmem>>, vector<16xi32>,
      %get3A_235 = arith.constant 1 : i32
      %get3A_236 = arith.index_cast %get3A_235 : i32 to index
      %get3A_237 = arith.constant 400 : index
      %get3A_238 = tpu.vector_load %arg10[%get3A_236, %get3A_237] {strides = array<i32>} : memref<2x512xi32, #tpu.memory_space<vmem>>, vector<16xi32>,
      %gather3A_239 = tpu.vector_load_idx %arg11[%get3A_234, %get3A_238] : memref<40x35xf32, #tpu.memory_space<vmem>>[vector<16xi32>, vector<16xi32>], vector<16xf32>,
      tpu.vector_store_idx %arg12[%get3A_238, %get3A_234], %gather3A_239 : memref<35x256xf32, #tpu.memory_space<vmem>>[vector<16xi32>, vector<16xi32>], vector<16xf32>,
      %get3A_240 = arith.constant 0 : i32
      %get3A_241 = arith.index_cast %get3A_240 : i32 to index
      %get3A_242 = arith.constant 416 : index
      %get3A_243 = tpu.vector_load %arg10[%get3A_241, %get3A_242] {strides = array<i32>} : memref<2x512xi32, #tpu.memory_space<vmem>>, vector<16xi32>,
      %get3A_244 = arith.constant 1 : i32
      %get3A_245 = arith.index_cast %get3A_244 : i32 to index
      %get3A_246 = arith.constant 416 : index
      %get3A_247 = tpu.vector_load %arg10[%get3A_245, %get3A_246] {strides = array<i32>} : memref<2x512xi32, #tpu.memory_space<vmem>>, vector<16xi32>,
      %gather3A_248 = tpu.vector_load_idx %arg11[%get3A_243, %get3A_247] : memref<40x35xf32, #tpu.memory_space<vmem>>[vector<16xi32>, vector<16xi32>], vector<16xf32>,
      tpu.vector_store_idx %arg12[%get3A_247, %get3A_243], %gather3A_248 : memref<35x256xf32, #tpu.memory_space<vmem>>[vector<16xi32>, vector<16xi32>], vector<16xf32>,
      %get3A_249 = arith.constant 0 : i32
      %get3A_250 = arith.index_cast %get3A_249 : i32 to index
      %get3A_251 = arith.constant 432 : index
      %get3A_252 = tpu.vector_load %arg10[%get3A_250, %get3A_251] {strides = array<i32>} : memref<2x512xi32, #tpu.memory_space<vmem>>, vector<16xi32>,
      %get3A_253 = arith.constant 1 : i32
      %get3A_254 = arith.index_cast %get3A_253 : i32 to index
      %get3A_255 = arith.constant 432 : index
      %get3A_256 = tpu.vector_load %arg10[%get3A_254, %get3A_255] {strides = array<i32>} : memref<2x512xi32, #tpu.memory_space<vmem>>, vector<16xi32>,
      %gather3A_257 = tpu.vector_load_idx %arg11[%get3A_252, %get3A_256] : memref<40x35xf32, #tpu.memory_space<vmem>>[vector<16xi32>, vector<16xi32>], vector<16xf32>,
      tpu.vector_store_idx %arg12[%get3A_256, %get3A_252], %gather3A_257 : memref<35x256xf32, #tpu.memory_space<vmem>>[vector<16xi32>, vector<16xi32>], vector<16xf32>,
      %get3A_258 = arith.constant 0 : i32
      %get3A_259 = arith.index_cast %get3A_258 : i32 to index
      %get3A_260 = arith.constant 448 : index
      %get3A_261 = tpu.vector_load %arg10[%get3A_259, %get3A_260] {strides = array<i32>} : memref<2x512xi32, #tpu.memory_space<vmem>>, vector<16xi32>,
      %get3A_262 = arith.constant 1 : i32
      %get3A_263 = arith.index_cast %get3A_262 : i32 to index
      %get3A_264 = arith.constant 448 : index
      %get3A_265 = tpu.vector_load %arg10[%get3A_263, %get3A_264] {strides = array<i32>} : memref<2x512xi32, #tpu.memory_space<vmem>>, vector<16xi32>,
      %gather3A_266 = tpu.vector_load_idx %arg11[%get3A_261, %get3A_265] : memref<40x35xf32, #tpu.memory_space<vmem>>[vector<16xi32>, vector<16xi32>], vector<16xf32>,
      tpu.vector_store_idx %arg12[%get3A_265, %get3A_261], %gather3A_266 : memref<35x256xf32, #tpu.memory_space<vmem>>[vector<16xi32>, vector<16xi32>], vector<16xf32>,
      %get3A_267 = arith.constant 0 : i32
      %get3A_268 = arith.index_cast %get3A_267 : i32 to index
      %get3A_269 = arith.constant 464 : index
      %get3A_270 = tpu.vector_load %arg10[%get3A_268, %get3A_269] {strides = array<i32>} : memref<2x512xi32, #tpu.memory_space<vmem>>, vector<16xi32>,
      %get3A_271 = arith.constant 1 : i32
      %get3A_272 = arith.index_cast %get3A_271 : i32 to index
      %get3A_273 = arith.constant 464 : index
      %get3A_274 = tpu.vector_load %arg10[%get3A_272, %get3A_273] {strides = array<i32>} : memref<2x512xi32, #tpu.memory_space<vmem>>, vector<16xi32>,
      %gather3A_275 = tpu.vector_load_idx %arg11[%get3A_270, %get3A_274] : memref<40x35xf32, #tpu.memory_space<vmem>>[vector<16xi32>, vector<16xi32>], vector<16xf32>,
      tpu.vector_store_idx %arg12[%get3A_274, %get3A_270], %gather3A_275 : memref<35x256xf32, #tpu.memory_space<vmem>>[vector<16xi32>, vector<16xi32>], vector<16xf32>,
      %get3A_276 = arith.constant 0 : i32
      %get3A_277 = arith.index_cast %get3A_276 : i32 to index
      %get3A_278 = arith.constant 480 : index
      %get3A_279 = tpu.vector_load %arg10[%get3A_277, %get3A_278] {strides = array<i32>} : memref<2x512xi32, #tpu.memory_space<vmem>>, vector<16xi32>,
      %get3A_280 = arith.constant 1 : i32
      %get3A_281 = arith.index_cast %get3A_280 : i32 to index
      %get3A_282 = arith.constant 480 : index
      %get3A_283 = tpu.vector_load %arg10[%get3A_281, %get3A_282] {strides = array<i32>} : memref<2x512xi32, #tpu.memory_space<vmem>>, vector<16xi32>,
      %gather3A_284 = tpu.vector_load_idx %arg11[%get3A_279, %get3A_283] : memref<40x35xf32, #tpu.memory_space<vmem>>[vector<16xi32>, vector<16xi32>], vector<16xf32>,
      tpu.vector_store_idx %arg12[%get3A_283, %get3A_279], %gather3A_284 : memref<35x256xf32, #tpu.memory_space<vmem>>[vector<16xi32>, vector<16xi32>], vector<16xf32>,
      %get3A_285 = arith.constant 0 : i32
      %get3A_286 = arith.index_cast %get3A_285 : i32 to index
      %get3A_287 = arith.constant 496 : index
      %get3A_288 = tpu.vector_load %arg10[%get3A_286, %get3A_287] {strides = array<i32>} : memref<2x512xi32, #tpu.memory_space<vmem>>, vector<16xi32>,
      %get3A_289 = arith.constant 1 : i32
      %get3A_290 = arith.index_cast %get3A_289 : i32 to index
      %get3A_291 = arith.constant 496 : index
      %get3A_292 = tpu.vector_load %arg10[%get3A_290, %get3A_291] {strides = array<i32>} : memref<2x512xi32, #tpu.memory_space<vmem>>, vector<16xi32>,
      %gather3A_293 = tpu.vector_load_idx %arg11[%get3A_288, %get3A_292] : memref<40x35xf32, #tpu.memory_space<vmem>>[vector<16xi32>, vector<16xi32>], vector<16xf32>,
      tpu.vector_store_idx %arg12[%get3A_292, %get3A_288], %gather3A_293 : memref<35x256xf32, #tpu.memory_space<vmem>>[vector<16xi32>, vector<16xi32>], vector<16xf32>,
      "tpu.region"() ({
        %run_scoped3A = tpu.sem_alloc : memref<!tpu.dma_semaphore, #tpu.memory_space<semaphore_mem>>
        tpu.enqueue_dma source(%arg12 : memref<35x256xf32, #tpu.memory_space<vmem>>) target(%arg9 : memref<35x256xf32, #tpu.memory_space<hbm>>) target_semaphore(%run_scoped3A : memref<!tpu.dma_semaphore, #tpu.memory_space<semaphore_mem>>)
        tpu.wait_dma2 semaphore(%run_scoped3A : memref<!tpu.dma_semaphore, #tpu.memory_space<semaphore_mem>>) src(%arg12 : memref<35x256xf32, #tpu.memory_space<vmem>>) dst(%arg9 : memref<35x256xf32, #tpu.memory_space<hbm>>)
        tpu.yield
      }) : () -> ()
    } else {
    }
    return
  }
}

module attributes {stable_mosaic.version = 14 : i64} {
  func.func @_tc_body(%arg0: i32, %arg1: memref<35x256x512xf32, #tpu.memory_space<any>>, %arg2: memref<35x256x512xf32, #tpu.memory_space<any>>, %arg3: memref<60x256x512xf32, #tpu.memory_space<any>>, %arg4: memref<60x256x512xf32, #tpu.memory_space<any>>, %arg5: memref<60x35x2x256xf32, #tpu.memory_space<any>>, %arg6: memref<512x512xf32, #tpu.memory_space<vmem>>, %arg7: memref<1x512xf32, #tpu.memory_space<vmem>>, %arg8: memref<40x35xf32, #tpu.memory_space<vmem>>, %arg9: memref<40x35xf32, #tpu.memory_space<vmem>>, %arg10: memref<2x35x8x512xf32, #tpu.memory_space<vmem>>, %arg11: memref<2x35x8x512xf32, #tpu.memory_space<vmem>>, %arg12: memref<2x60x8x512xf32, #tpu.memory_space<vmem>>, %arg13: memref<2x60x8x512xf32, #tpu.memory_space<vmem>>, %arg14: memref<60x35x2x256xf32, #tpu.memory_space<vmem>>, %arg15: memref<2x4x!tpu.dma_semaphore, #tpu.memory_space<semaphore_mem>>, %arg16: memref<!tpu.dma_semaphore, #tpu.memory_space<semaphore_mem>>) attributes {dimension_semantics = [#tpu.dimension_semantics<arbitrary>], iteration_bounds = array<i64: 1>, scalar_prefetch = 0 : i64, scratch_operands = 7 : i64, tpu.core_type = #tpu.core_type<tc>, window_params = [{}, {}, {}, {}, {}, {pipeline_mode = #tpu.pipeline_mode<synchronous>, transform_indices = @transform_5, window_bounds = array<i64: 512, 512>}, {pipeline_mode = #tpu.pipeline_mode<synchronous>, transform_indices = @transform_6, window_bounds = array<i64: 1, 512>}, {pipeline_mode = #tpu.pipeline_mode<synchronous>, transform_indices = @transform_7, window_bounds = array<i64: 40, 35>}, {pipeline_mode = #tpu.pipeline_mode<synchronous>, transform_indices = @transform_8, window_bounds = array<i64: 40, 35>}]} {
    %get3A = arith.constant 0 : index
    %get3A_0 = arith.constant 0 : index
    %get3A_1 = vector.load %arg6[%get3A, %get3A_0] : memref<512x512xf32, #tpu.memory_space<vmem>>, vector<512x512xf32>
    %get3A_2 = arith.constant 0 : index
    %get3A_3 = arith.constant 0 : index
    %get3A_4 = vector.load %arg7[%get3A_2, %get3A_3] : memref<1x512xf32, #tpu.memory_space<vmem>>, vector<1x512xf32>
    tpu.enqueue_dma source(%arg5 : memref<60x35x2x256xf32, #tpu.memory_space<any>>) target(%arg14 : memref<60x35x2x256xf32, #tpu.memory_space<vmem>>) target_semaphore(%arg16 : memref<!tpu.dma_semaphore, #tpu.memory_space<semaphore_mem>>)
    %dma_start3A = arith.constant 0 : i32
    %dma_start3A_5 = arith.constant 0 : i32
    %dma_start3A_6 = arith.constant 0 : i32
    %dma_start3A_7 = tpu.memref_slice %arg15[%dma_start3A_5, %dma_start3A_6] : memref<2x4x!tpu.dma_semaphore, #tpu.memory_space<semaphore_mem>> -> memref<1x1x!tpu.dma_semaphore, #tpu.memory_space<semaphore_mem>>
    %dma_start3A_8 = tpu.memref_squeeze %dma_start3A_7 : memref<1x1x!tpu.dma_semaphore, #tpu.memory_space<semaphore_mem>> -> memref<!tpu.dma_semaphore, #tpu.memory_space<semaphore_mem>>
    %dma_start3A_9 = arith.constant 0 : i32
    %dma_start3A_10 = arith.constant 0 : i32
    %dma_start3A_11 = arith.constant 0 : i32
    %dma_start3A_12 = tpu.memref_slice %arg10[%dma_start3A, %dma_start3A_9, %dma_start3A_10, %dma_start3A_11] : memref<2x35x8x512xf32, #tpu.memory_space<vmem>> -> memref<1x35x8x512xf32, #tpu.memory_space<vmem>>
    %dma_start3A_13 = tpu.memref_squeeze %dma_start3A_12 : memref<1x35x8x512xf32, #tpu.memory_space<vmem>> -> memref<35x8x512xf32, #tpu.memory_space<vmem>>
    %dma_start3A_14 = arith.constant 0 : i32
    %dma_start3A_15 = arith.constant 0 : i32
    %dma_start3A_16 = arith.constant 0 : i32
    %dma_start3A_17 = tpu.memref_slice %arg1[%dma_start3A_14, %dma_start3A_15, %dma_start3A_16] : memref<35x256x512xf32, #tpu.memory_space<any>> -> memref<35x8x512xf32, #tpu.memory_space<any>>
    tpu.enqueue_dma source(%dma_start3A_17 : memref<35x8x512xf32, #tpu.memory_space<any>>) target(%dma_start3A_13 : memref<35x8x512xf32, #tpu.memory_space<vmem>>) target_semaphore(%dma_start3A_8 : memref<!tpu.dma_semaphore, #tpu.memory_space<semaphore_mem>>)
    %dma_start3A_18 = arith.constant 0 : i32
    %dma_start3A_19 = arith.constant 0 : i32
    %dma_start3A_20 = arith.constant 1 : i32
    %dma_start3A_21 = tpu.memref_slice %arg15[%dma_start3A_19, %dma_start3A_20] : memref<2x4x!tpu.dma_semaphore, #tpu.memory_space<semaphore_mem>> -> memref<1x1x!tpu.dma_semaphore, #tpu.memory_space<semaphore_mem>>
    %dma_start3A_22 = tpu.memref_squeeze %dma_start3A_21 : memref<1x1x!tpu.dma_semaphore, #tpu.memory_space<semaphore_mem>> -> memref<!tpu.dma_semaphore, #tpu.memory_space<semaphore_mem>>
    %dma_start3A_23 = arith.constant 0 : i32
    %dma_start3A_24 = arith.constant 0 : i32
    %dma_start3A_25 = arith.constant 0 : i32
    %dma_start3A_26 = tpu.memref_slice %arg11[%dma_start3A_18, %dma_start3A_23, %dma_start3A_24, %dma_start3A_25] : memref<2x35x8x512xf32, #tpu.memory_space<vmem>> -> memref<1x35x8x512xf32, #tpu.memory_space<vmem>>
    %dma_start3A_27 = tpu.memref_squeeze %dma_start3A_26 : memref<1x35x8x512xf32, #tpu.memory_space<vmem>> -> memref<35x8x512xf32, #tpu.memory_space<vmem>>
    %dma_start3A_28 = arith.constant 0 : i32
    %dma_start3A_29 = arith.constant 0 : i32
    %dma_start3A_30 = arith.constant 0 : i32
    %dma_start3A_31 = tpu.memref_slice %arg2[%dma_start3A_28, %dma_start3A_29, %dma_start3A_30] : memref<35x256x512xf32, #tpu.memory_space<any>> -> memref<35x8x512xf32, #tpu.memory_space<any>>
    tpu.enqueue_dma source(%dma_start3A_31 : memref<35x8x512xf32, #tpu.memory_space<any>>) target(%dma_start3A_27 : memref<35x8x512xf32, #tpu.memory_space<vmem>>) target_semaphore(%dma_start3A_22 : memref<!tpu.dma_semaphore, #tpu.memory_space<semaphore_mem>>)
    %dma_start3A_32 = arith.constant 0 : i32
    %dma_start3A_33 = arith.constant 0 : i32
    %dma_start3A_34 = arith.constant 2 : i32
    %dma_start3A_35 = tpu.memref_slice %arg15[%dma_start3A_33, %dma_start3A_34] : memref<2x4x!tpu.dma_semaphore, #tpu.memory_space<semaphore_mem>> -> memref<1x1x!tpu.dma_semaphore, #tpu.memory_space<semaphore_mem>>
    %dma_start3A_36 = tpu.memref_squeeze %dma_start3A_35 : memref<1x1x!tpu.dma_semaphore, #tpu.memory_space<semaphore_mem>> -> memref<!tpu.dma_semaphore, #tpu.memory_space<semaphore_mem>>
    %dma_start3A_37 = arith.constant 0 : i32
    %dma_start3A_38 = arith.constant 0 : i32
    %dma_start3A_39 = arith.constant 0 : i32
    %dma_start3A_40 = tpu.memref_slice %arg12[%dma_start3A_32, %dma_start3A_37, %dma_start3A_38, %dma_start3A_39] : memref<2x60x8x512xf32, #tpu.memory_space<vmem>> -> memref<1x60x8x512xf32, #tpu.memory_space<vmem>>
    %dma_start3A_41 = tpu.memref_squeeze %dma_start3A_40 : memref<1x60x8x512xf32, #tpu.memory_space<vmem>> -> memref<60x8x512xf32, #tpu.memory_space<vmem>>
    %dma_start3A_42 = arith.constant 0 : i32
    %dma_start3A_43 = arith.constant 0 : i32
    %dma_start3A_44 = arith.constant 0 : i32
    %dma_start3A_45 = tpu.memref_slice %arg3[%dma_start3A_42, %dma_start3A_43, %dma_start3A_44] : memref<60x256x512xf32, #tpu.memory_space<any>> -> memref<60x8x512xf32, #tpu.memory_space<any>>
    tpu.enqueue_dma source(%dma_start3A_45 : memref<60x8x512xf32, #tpu.memory_space<any>>) target(%dma_start3A_41 : memref<60x8x512xf32, #tpu.memory_space<vmem>>) target_semaphore(%dma_start3A_36 : memref<!tpu.dma_semaphore, #tpu.memory_space<semaphore_mem>>)
    %dma_start3A_46 = arith.constant 0 : i32
    %dma_start3A_47 = arith.constant 0 : i32
    %dma_start3A_48 = arith.constant 3 : i32
    %dma_start3A_49 = tpu.memref_slice %arg15[%dma_start3A_47, %dma_start3A_48] : memref<2x4x!tpu.dma_semaphore, #tpu.memory_space<semaphore_mem>> -> memref<1x1x!tpu.dma_semaphore, #tpu.memory_space<semaphore_mem>>
    %dma_start3A_50 = tpu.memref_squeeze %dma_start3A_49 : memref<1x1x!tpu.dma_semaphore, #tpu.memory_space<semaphore_mem>> -> memref<!tpu.dma_semaphore, #tpu.memory_space<semaphore_mem>>
    %dma_start3A_51 = arith.constant 0 : i32
    %dma_start3A_52 = arith.constant 0 : i32
    %dma_start3A_53 = arith.constant 0 : i32
    %dma_start3A_54 = tpu.memref_slice %arg13[%dma_start3A_46, %dma_start3A_51, %dma_start3A_52, %dma_start3A_53] : memref<2x60x8x512xf32, #tpu.memory_space<vmem>> -> memref<1x60x8x512xf32, #tpu.memory_space<vmem>>
    %dma_start3A_55 = tpu.memref_squeeze %dma_start3A_54 : memref<1x60x8x512xf32, #tpu.memory_space<vmem>> -> memref<60x8x512xf32, #tpu.memory_space<vmem>>
    %dma_start3A_56 = arith.constant 0 : i32
    %dma_start3A_57 = arith.constant 0 : i32
    %dma_start3A_58 = arith.constant 0 : i32
    %dma_start3A_59 = tpu.memref_slice %arg4[%dma_start3A_56, %dma_start3A_57, %dma_start3A_58] : memref<60x256x512xf32, #tpu.memory_space<any>> -> memref<60x8x512xf32, #tpu.memory_space<any>>
    tpu.enqueue_dma source(%dma_start3A_59 : memref<60x8x512xf32, #tpu.memory_space<any>>) target(%dma_start3A_55 : memref<60x8x512xf32, #tpu.memory_space<vmem>>) target_semaphore(%dma_start3A_50 : memref<!tpu.dma_semaphore, #tpu.memory_space<semaphore_mem>>)
    %dma_start3A_60 = arith.constant 1 : i32
    %dma_start3A_61 = arith.constant 1 : i32
    %dma_start3A_62 = arith.constant 0 : i32
    %dma_start3A_63 = tpu.memref_slice %arg15[%dma_start3A_61, %dma_start3A_62] : memref<2x4x!tpu.dma_semaphore, #tpu.memory_space<semaphore_mem>> -> memref<1x1x!tpu.dma_semaphore, #tpu.memory_space<semaphore_mem>>
    %dma_start3A_64 = tpu.memref_squeeze %dma_start3A_63 : memref<1x1x!tpu.dma_semaphore, #tpu.memory_space<semaphore_mem>> -> memref<!tpu.dma_semaphore, #tpu.memory_space<semaphore_mem>>
    %dma_start3A_65 = arith.constant 0 : i32
    %dma_start3A_66 = arith.constant 0 : i32
    %dma_start3A_67 = arith.constant 0 : i32
    %dma_start3A_68 = tpu.memref_slice %arg10[%dma_start3A_60, %dma_start3A_65, %dma_start3A_66, %dma_start3A_67] : memref<2x35x8x512xf32, #tpu.memory_space<vmem>> -> memref<1x35x8x512xf32, #tpu.memory_space<vmem>>
    %dma_start3A_69 = tpu.memref_squeeze %dma_start3A_68 : memref<1x35x8x512xf32, #tpu.memory_space<vmem>> -> memref<35x8x512xf32, #tpu.memory_space<vmem>>
    %dma_start3A_70 = arith.constant 0 : i32
    %dma_start3A_71 = arith.constant 8 : i32
    %dma_start3A_72 = arith.constant 0 : i32
    %dma_start3A_73 = tpu.memref_slice %arg1[%dma_start3A_70, %dma_start3A_71, %dma_start3A_72] : memref<35x256x512xf32, #tpu.memory_space<any>> -> memref<35x8x512xf32, #tpu.memory_space<any>>
    tpu.enqueue_dma source(%dma_start3A_73 : memref<35x8x512xf32, #tpu.memory_space<any>>) target(%dma_start3A_69 : memref<35x8x512xf32, #tpu.memory_space<vmem>>) target_semaphore(%dma_start3A_64 : memref<!tpu.dma_semaphore, #tpu.memory_space<semaphore_mem>>)
    %dma_start3A_74 = arith.constant 1 : i32
    %dma_start3A_75 = arith.constant 1 : i32
    %dma_start3A_76 = arith.constant 1 : i32
    %dma_start3A_77 = tpu.memref_slice %arg15[%dma_start3A_75, %dma_start3A_76] : memref<2x4x!tpu.dma_semaphore, #tpu.memory_space<semaphore_mem>> -> memref<1x1x!tpu.dma_semaphore, #tpu.memory_space<semaphore_mem>>
    %dma_start3A_78 = tpu.memref_squeeze %dma_start3A_77 : memref<1x1x!tpu.dma_semaphore, #tpu.memory_space<semaphore_mem>> -> memref<!tpu.dma_semaphore, #tpu.memory_space<semaphore_mem>>
    %dma_start3A_79 = arith.constant 0 : i32
    %dma_start3A_80 = arith.constant 0 : i32
    %dma_start3A_81 = arith.constant 0 : i32
    %dma_start3A_82 = tpu.memref_slice %arg11[%dma_start3A_74, %dma_start3A_79, %dma_start3A_80, %dma_start3A_81] : memref<2x35x8x512xf32, #tpu.memory_space<vmem>> -> memref<1x35x8x512xf32, #tpu.memory_space<vmem>>
    %dma_start3A_83 = tpu.memref_squeeze %dma_start3A_82 : memref<1x35x8x512xf32, #tpu.memory_space<vmem>> -> memref<35x8x512xf32, #tpu.memory_space<vmem>>
    %dma_start3A_84 = arith.constant 0 : i32
    %dma_start3A_85 = arith.constant 8 : i32
    %dma_start3A_86 = arith.constant 0 : i32
    %dma_start3A_87 = tpu.memref_slice %arg2[%dma_start3A_84, %dma_start3A_85, %dma_start3A_86] : memref<35x256x512xf32, #tpu.memory_space<any>> -> memref<35x8x512xf32, #tpu.memory_space<any>>
    tpu.enqueue_dma source(%dma_start3A_87 : memref<35x8x512xf32, #tpu.memory_space<any>>) target(%dma_start3A_83 : memref<35x8x512xf32, #tpu.memory_space<vmem>>) target_semaphore(%dma_start3A_78 : memref<!tpu.dma_semaphore, #tpu.memory_space<semaphore_mem>>)
    %dma_start3A_88 = arith.constant 1 : i32
    %dma_start3A_89 = arith.constant 1 : i32
    %dma_start3A_90 = arith.constant 2 : i32
    %dma_start3A_91 = tpu.memref_slice %arg15[%dma_start3A_89, %dma_start3A_90] : memref<2x4x!tpu.dma_semaphore, #tpu.memory_space<semaphore_mem>> -> memref<1x1x!tpu.dma_semaphore, #tpu.memory_space<semaphore_mem>>
    %dma_start3A_92 = tpu.memref_squeeze %dma_start3A_91 : memref<1x1x!tpu.dma_semaphore, #tpu.memory_space<semaphore_mem>> -> memref<!tpu.dma_semaphore, #tpu.memory_space<semaphore_mem>>
    %dma_start3A_93 = arith.constant 0 : i32
    %dma_start3A_94 = arith.constant 0 : i32
    %dma_start3A_95 = arith.constant 0 : i32
    %dma_start3A_96 = tpu.memref_slice %arg12[%dma_start3A_88, %dma_start3A_93, %dma_start3A_94, %dma_start3A_95] : memref<2x60x8x512xf32, #tpu.memory_space<vmem>> -> memref<1x60x8x512xf32, #tpu.memory_space<vmem>>
    %dma_start3A_97 = tpu.memref_squeeze %dma_start3A_96 : memref<1x60x8x512xf32, #tpu.memory_space<vmem>> -> memref<60x8x512xf32, #tpu.memory_space<vmem>>
    %dma_start3A_98 = arith.constant 0 : i32
    %dma_start3A_99 = arith.constant 8 : i32
    %dma_start3A_100 = arith.constant 0 : i32
    %dma_start3A_101 = tpu.memref_slice %arg3[%dma_start3A_98, %dma_start3A_99, %dma_start3A_100] : memref<60x256x512xf32, #tpu.memory_space<any>> -> memref<60x8x512xf32, #tpu.memory_space<any>>
    tpu.enqueue_dma source(%dma_start3A_101 : memref<60x8x512xf32, #tpu.memory_space<any>>) target(%dma_start3A_97 : memref<60x8x512xf32, #tpu.memory_space<vmem>>) target_semaphore(%dma_start3A_92 : memref<!tpu.dma_semaphore, #tpu.memory_space<semaphore_mem>>)
    %dma_start3A_102 = arith.constant 1 : i32
    %dma_start3A_103 = arith.constant 1 : i32
    %dma_start3A_104 = arith.constant 3 : i32
    %dma_start3A_105 = tpu.memref_slice %arg15[%dma_start3A_103, %dma_start3A_104] : memref<2x4x!tpu.dma_semaphore, #tpu.memory_space<semaphore_mem>> -> memref<1x1x!tpu.dma_semaphore, #tpu.memory_space<semaphore_mem>>
    %dma_start3A_106 = tpu.memref_squeeze %dma_start3A_105 : memref<1x1x!tpu.dma_semaphore, #tpu.memory_space<semaphore_mem>> -> memref<!tpu.dma_semaphore, #tpu.memory_space<semaphore_mem>>
    %dma_start3A_107 = arith.constant 0 : i32
    %dma_start3A_108 = arith.constant 0 : i32
    %dma_start3A_109 = arith.constant 0 : i32
    %dma_start3A_110 = tpu.memref_slice %arg13[%dma_start3A_102, %dma_start3A_107, %dma_start3A_108, %dma_start3A_109] : memref<2x60x8x512xf32, #tpu.memory_space<vmem>> -> memref<1x60x8x512xf32, #tpu.memory_space<vmem>>
    %dma_start3A_111 = tpu.memref_squeeze %dma_start3A_110 : memref<1x60x8x512xf32, #tpu.memory_space<vmem>> -> memref<60x8x512xf32, #tpu.memory_space<vmem>>
    %dma_start3A_112 = arith.constant 0 : i32
    %dma_start3A_113 = arith.constant 8 : i32
    %dma_start3A_114 = arith.constant 0 : i32
    %dma_start3A_115 = tpu.memref_slice %arg4[%dma_start3A_112, %dma_start3A_113, %dma_start3A_114] : memref<60x256x512xf32, #tpu.memory_space<any>> -> memref<60x8x512xf32, #tpu.memory_space<any>>
    tpu.enqueue_dma source(%dma_start3A_115 : memref<60x8x512xf32, #tpu.memory_space<any>>) target(%dma_start3A_111 : memref<60x8x512xf32, #tpu.memory_space<vmem>>) target_semaphore(%dma_start3A_106 : memref<!tpu.dma_semaphore, #tpu.memory_space<semaphore_mem>>)
    %dma_wait3A = arith.constant 0 : i32
    %dma_wait3A_116 = arith.constant 0 : i32
    %dma_wait3A_117 = arith.constant 0 : i32
    %dma_wait3A_118 = tpu.memref_slice %arg15[%dma_wait3A_116, %dma_wait3A_117] : memref<2x4x!tpu.dma_semaphore, #tpu.memory_space<semaphore_mem>> -> memref<1x1x!tpu.dma_semaphore, #tpu.memory_space<semaphore_mem>>
    %dma_wait3A_119 = tpu.memref_squeeze %dma_wait3A_118 : memref<1x1x!tpu.dma_semaphore, #tpu.memory_space<semaphore_mem>> -> memref<!tpu.dma_semaphore, #tpu.memory_space<semaphore_mem>>
    %dma_wait3A_120 = arith.constant 0 : i32
    %dma_wait3A_121 = arith.constant 0 : i32
    %dma_wait3A_122 = arith.constant 0 : i32
    %dma_wait3A_123 = tpu.memref_slice %arg10[%dma_wait3A, %dma_wait3A_120, %dma_wait3A_121, %dma_wait3A_122] : memref<2x35x8x512xf32, #tpu.memory_space<vmem>> -> memref<1x35x8x512xf32, #tpu.memory_space<vmem>>
    %dma_wait3A_124 = tpu.memref_squeeze %dma_wait3A_123 : memref<1x35x8x512xf32, #tpu.memory_space<vmem>> -> memref<35x8x512xf32, #tpu.memory_space<vmem>>
    %dma_wait3A_125 = arith.constant 0 : i32
    %dma_wait3A_126 = arith.constant 0 : i32
    %dma_wait3A_127 = arith.constant 0 : i32
    %dma_wait3A_128 = tpu.memref_slice %arg1[%dma_wait3A_125, %dma_wait3A_126, %dma_wait3A_127] : memref<35x256x512xf32, #tpu.memory_space<any>> -> memref<35x8x512xf32, #tpu.memory_space<any>>
    tpu.wait_dma2 semaphore(%dma_wait3A_119 : memref<!tpu.dma_semaphore, #tpu.memory_space<semaphore_mem>>) src(%dma_wait3A_128 : memref<35x8x512xf32, #tpu.memory_space<any>>) dst(%dma_wait3A_124 : memref<35x8x512xf32, #tpu.memory_space<vmem>>)
    %dma_wait3A_129 = arith.constant 0 : i32
    %dma_wait3A_130 = arith.constant 0 : i32
    %dma_wait3A_131 = arith.constant 1 : i32
    %dma_wait3A_132 = tpu.memref_slice %arg15[%dma_wait3A_130, %dma_wait3A_131] : memref<2x4x!tpu.dma_semaphore, #tpu.memory_space<semaphore_mem>> -> memref<1x1x!tpu.dma_semaphore, #tpu.memory_space<semaphore_mem>>
    %dma_wait3A_133 = tpu.memref_squeeze %dma_wait3A_132 : memref<1x1x!tpu.dma_semaphore, #tpu.memory_space<semaphore_mem>> -> memref<!tpu.dma_semaphore, #tpu.memory_space<semaphore_mem>>
    %dma_wait3A_134 = arith.constant 0 : i32
    %dma_wait3A_135 = arith.constant 0 : i32
    %dma_wait3A_136 = arith.constant 0 : i32
    %dma_wait3A_137 = tpu.memref_slice %arg11[%dma_wait3A_129, %dma_wait3A_134, %dma_wait3A_135, %dma_wait3A_136] : memref<2x35x8x512xf32, #tpu.memory_space<vmem>> -> memref<1x35x8x512xf32, #tpu.memory_space<vmem>>
    %dma_wait3A_138 = tpu.memref_squeeze %dma_wait3A_137 : memref<1x35x8x512xf32, #tpu.memory_space<vmem>> -> memref<35x8x512xf32, #tpu.memory_space<vmem>>
    %dma_wait3A_139 = arith.constant 0 : i32
    %dma_wait3A_140 = arith.constant 0 : i32
    %dma_wait3A_141 = arith.constant 0 : i32
    %dma_wait3A_142 = tpu.memref_slice %arg2[%dma_wait3A_139, %dma_wait3A_140, %dma_wait3A_141] : memref<35x256x512xf32, #tpu.memory_space<any>> -> memref<35x8x512xf32, #tpu.memory_space<any>>
    tpu.wait_dma2 semaphore(%dma_wait3A_133 : memref<!tpu.dma_semaphore, #tpu.memory_space<semaphore_mem>>) src(%dma_wait3A_142 : memref<35x8x512xf32, #tpu.memory_space<any>>) dst(%dma_wait3A_138 : memref<35x8x512xf32, #tpu.memory_space<vmem>>)
    %dma_wait3A_143 = arith.constant 0 : i32
    %dma_wait3A_144 = arith.constant 0 : i32
    %dma_wait3A_145 = arith.constant 2 : i32
    %dma_wait3A_146 = tpu.memref_slice %arg15[%dma_wait3A_144, %dma_wait3A_145] : memref<2x4x!tpu.dma_semaphore, #tpu.memory_space<semaphore_mem>> -> memref<1x1x!tpu.dma_semaphore, #tpu.memory_space<semaphore_mem>>
    %dma_wait3A_147 = tpu.memref_squeeze %dma_wait3A_146 : memref<1x1x!tpu.dma_semaphore, #tpu.memory_space<semaphore_mem>> -> memref<!tpu.dma_semaphore, #tpu.memory_space<semaphore_mem>>
    %dma_wait3A_148 = arith.constant 0 : i32
    %dma_wait3A_149 = arith.constant 0 : i32
    %dma_wait3A_150 = arith.constant 0 : i32
    %dma_wait3A_151 = tpu.memref_slice %arg12[%dma_wait3A_143, %dma_wait3A_148, %dma_wait3A_149, %dma_wait3A_150] : memref<2x60x8x512xf32, #tpu.memory_space<vmem>> -> memref<1x60x8x512xf32, #tpu.memory_space<vmem>>
    %dma_wait3A_152 = tpu.memref_squeeze %dma_wait3A_151 : memref<1x60x8x512xf32, #tpu.memory_space<vmem>> -> memref<60x8x512xf32, #tpu.memory_space<vmem>>
    %dma_wait3A_153 = arith.constant 0 : i32
    %dma_wait3A_154 = arith.constant 0 : i32
    %dma_wait3A_155 = arith.constant 0 : i32
    %dma_wait3A_156 = tpu.memref_slice %arg3[%dma_wait3A_153, %dma_wait3A_154, %dma_wait3A_155] : memref<60x256x512xf32, #tpu.memory_space<any>> -> memref<60x8x512xf32, #tpu.memory_space<any>>
    tpu.wait_dma2 semaphore(%dma_wait3A_147 : memref<!tpu.dma_semaphore, #tpu.memory_space<semaphore_mem>>) src(%dma_wait3A_156 : memref<60x8x512xf32, #tpu.memory_space<any>>) dst(%dma_wait3A_152 : memref<60x8x512xf32, #tpu.memory_space<vmem>>)
    %dma_wait3A_157 = arith.constant 0 : i32
    %dma_wait3A_158 = arith.constant 0 : i32
    %dma_wait3A_159 = arith.constant 3 : i32
    %dma_wait3A_160 = tpu.memref_slice %arg15[%dma_wait3A_158, %dma_wait3A_159] : memref<2x4x!tpu.dma_semaphore, #tpu.memory_space<semaphore_mem>> -> memref<1x1x!tpu.dma_semaphore, #tpu.memory_space<semaphore_mem>>
    %dma_wait3A_161 = tpu.memref_squeeze %dma_wait3A_160 : memref<1x1x!tpu.dma_semaphore, #tpu.memory_space<semaphore_mem>> -> memref<!tpu.dma_semaphore, #tpu.memory_space<semaphore_mem>>
    %dma_wait3A_162 = arith.constant 0 : i32
    %dma_wait3A_163 = arith.constant 0 : i32
    %dma_wait3A_164 = arith.constant 0 : i32
    %dma_wait3A_165 = tpu.memref_slice %arg13[%dma_wait3A_157, %dma_wait3A_162, %dma_wait3A_163, %dma_wait3A_164] : memref<2x60x8x512xf32, #tpu.memory_space<vmem>> -> memref<1x60x8x512xf32, #tpu.memory_space<vmem>>
    %dma_wait3A_166 = tpu.memref_squeeze %dma_wait3A_165 : memref<1x60x8x512xf32, #tpu.memory_space<vmem>> -> memref<60x8x512xf32, #tpu.memory_space<vmem>>
    %dma_wait3A_167 = arith.constant 0 : i32
    %dma_wait3A_168 = arith.constant 0 : i32
    %dma_wait3A_169 = arith.constant 0 : i32
    %dma_wait3A_170 = tpu.memref_slice %arg4[%dma_wait3A_167, %dma_wait3A_168, %dma_wait3A_169] : memref<60x256x512xf32, #tpu.memory_space<any>> -> memref<60x8x512xf32, #tpu.memory_space<any>>
    tpu.wait_dma2 semaphore(%dma_wait3A_161 : memref<!tpu.dma_semaphore, #tpu.memory_space<semaphore_mem>>) src(%dma_wait3A_170 : memref<60x8x512xf32, #tpu.memory_space<any>>) dst(%dma_wait3A_166 : memref<60x8x512xf32, #tpu.memory_space<vmem>>)
    tpu.wait_dma2 semaphore(%arg16 : memref<!tpu.dma_semaphore, #tpu.memory_space<semaphore_mem>>) src(%arg5 : memref<60x35x2x256xf32, #tpu.memory_space<any>>) dst(%arg14 : memref<60x35x2x256xf32, #tpu.memory_space<vmem>>)
    %get3A_171 = arith.constant 0 : index
    %get3A_172 = arith.constant 0 : index
    %get3A_173 = arith.constant 0 : index
    %get3A_174 = arith.constant 0 : index
    %get3A_175 = vector.load %arg10[%get3A_171, %get3A_172, %get3A_173, %get3A_174] : memref<2x35x8x512xf32, #tpu.memory_space<vmem>>, vector<1x35x8x512xf32>
    %get3A_176 = vector.shape_cast %get3A_175 : vector<1x35x8x512xf32> to vector<35x8x512xf32>
    %reshape3A = vector.shape_cast %get3A_176 : vector<35x8x512xf32> to vector<280x512xf32>
    %dot_general3A = arith.constant dense<0.000000e+00> : vector<280x512xf32>
    %dot_general3A_177 = tpu.matmul %reshape3A, %get3A_1, %dot_general3A {dimension_numbers = #tpu.dot_dimension_numbers<[1], [1], [0], [0], [0, 0, 1, 0], [], []>, transpose_lhs_hint = false} : vector<280x512xf32>, vector<512x512xf32>, vector<280x512xf32> -> vector<280x512xf32>
    %add3A = vector.broadcast %get3A_4 : vector<1x512xf32> to vector<280x512xf32>
    %add3A_178 = arith.addf %dot_general3A_177, %add3A : vector<280x512xf32>
    %mul3A = arith.mulf %add3A_178, %add3A_178 : vector<280x512xf32>
    %reduce_sum3A = arith.constant dense<0.000000e+00> : vector<280xf32>
    %reduce_sum3A_179 = vector.multi_reduction <add>, %mul3A, %reduce_sum3A [1] : vector<280x512xf32> to vector<280xf32>
    %broadcast_in_dim3A = vector.shape_cast %reduce_sum3A_179 : vector<280xf32> to vector<280x1xf32>
    %sqrt3A = math.sqrt %broadcast_in_dim3A : vector<280x1xf32>
    %add3A_180 = arith.constant 9.99999993E-9 : f32
    %add3A_181 = vector.broadcast %add3A_180 : f32 to vector<280x1xf32>
    %add3A_182 = arith.addf %sqrt3A, %add3A_181 : vector<280x1xf32>
    %div3A = arith.constant 1.000000e+00 : f32
    %div3A_183 = vector.broadcast %div3A : f32 to vector<280x1xf32>
    %div3A_184 = arith.divf %div3A_183, %add3A_182 : vector<280x1xf32>
    %mul3A_185 = vector.broadcast %div3A_184 : vector<280x1xf32> to vector<280x512xf32>
    %mul3A_186 = arith.mulf %add3A_178, %mul3A_185 : vector<280x512xf32>
    %reshape3A_187 = vector.shape_cast %mul3A_186 : vector<280x512xf32> to vector<35x8x512xf32>
    %get3A_188 = arith.constant 0 : index
    %get3A_189 = arith.constant 0 : index
    %get3A_190 = arith.constant 0 : index
    %get3A_191 = arith.constant 0 : index
    %get3A_192 = vector.load %arg12[%get3A_188, %get3A_189, %get3A_190, %get3A_191] : memref<2x60x8x512xf32, #tpu.memory_space<vmem>>, vector<1x60x8x512xf32>
    %get3A_193 = vector.shape_cast %get3A_192 : vector<1x60x8x512xf32> to vector<60x8x512xf32>
    %reshape3A_194 = vector.shape_cast %get3A_193 : vector<60x8x512xf32> to vector<480x512xf32>
    %mul3A_195 = arith.mulf %reshape3A_194, %reshape3A_194 : vector<480x512xf32>
    %reduce_sum3A_196 = arith.constant dense<0.000000e+00> : vector<480xf32>
    %reduce_sum3A_197 = vector.multi_reduction <add>, %mul3A_195, %reduce_sum3A_196 [1] : vector<480x512xf32> to vector<480xf32>
    %broadcast_in_dim3A_198 = vector.shape_cast %reduce_sum3A_197 : vector<480xf32> to vector<480x1xf32>
    %sqrt3A_199 = math.sqrt %broadcast_in_dim3A_198 : vector<480x1xf32>
    %add3A_200 = arith.constant 9.99999993E-9 : f32
    %add3A_201 = vector.broadcast %add3A_200 : f32 to vector<480x1xf32>
    %add3A_202 = arith.addf %sqrt3A_199, %add3A_201 : vector<480x1xf32>
    %div3A_203 = arith.constant 1.000000e+00 : f32
    %div3A_204 = vector.broadcast %div3A_203 : f32 to vector<480x1xf32>
    %div3A_205 = arith.divf %div3A_204, %add3A_202 : vector<480x1xf32>
    %mul3A_206 = vector.broadcast %div3A_205 : vector<480x1xf32> to vector<480x512xf32>
    %mul3A_207 = arith.mulf %reshape3A_194, %mul3A_206 : vector<480x512xf32>
    %reshape3A_208 = vector.shape_cast %mul3A_207 : vector<480x512xf32> to vector<60x8x512xf32>
    %transpose3A = tpu.transpose %reshape3A_187, [1, 0, 2] : vector<35x8x512xf32> -> vector<8x35x512xf32>
    %transpose3A_209 = tpu.transpose %reshape3A_208, [1, 0, 2] : vector<60x8x512xf32> -> vector<8x60x512xf32>
    %dot_general3A_210 = arith.constant dense<0.000000e+00> : vector<8x60x35xf32>
    %dot_general3A_211 = tpu.matmul %transpose3A_209, %transpose3A, %dot_general3A_210 {dimension_numbers = #tpu.dot_dimension_numbers<[2], [2], [1], [1], [0, 0, 0, 1, 1, 1], [0], [0]>, transpose_lhs_hint = false} : vector<8x60x512xf32>, vector<8x35x512xf32>, vector<8x60x35xf32> -> vector<8x60x35xf32>
    %reduce_max3A = arith.constant dense<0xFF800000> : vector<8x35xf32>
    %reduce_max3A_212 = vector.multi_reduction <maximumf>, %dot_general3A_211, %reduce_max3A [1] : vector<8x60x35xf32> to vector<8x35xf32>
    %broadcast_in_dim3A_213 = vector.shape_cast %reduce_max3A_212 : vector<8x35xf32> to vector<8x1x35xf32>
    %sub3A = vector.broadcast %broadcast_in_dim3A_213 : vector<8x1x35xf32> to vector<8x60x35xf32>
    %sub3A_214 = arith.subf %dot_general3A_211, %sub3A : vector<8x60x35xf32>
    %exp3A = math.exp %sub3A_214 : vector<8x60x35xf32>
    %reduce_sum3A_215 = arith.constant dense<0.000000e+00> : vector<8x35xf32>
    %reduce_sum3A_216 = vector.multi_reduction <add>, %exp3A, %reduce_sum3A_215 [1] : vector<8x60x35xf32> to vector<8x35xf32>
    %broadcast_in_dim3A_217 = vector.shape_cast %reduce_sum3A_216 : vector<8x35xf32> to vector<8x1x35xf32>
    %div3A_218 = arith.constant 1.000000e+00 : f32
    %div3A_219 = vector.broadcast %div3A_218 : f32 to vector<8x1x35xf32>
    %div3A_220 = arith.divf %div3A_219, %broadcast_in_dim3A_217 : vector<8x1x35xf32>
    %mul3A_221 = vector.broadcast %div3A_220 : vector<8x1x35xf32> to vector<8x60x35xf32>
    %mul3A_222 = arith.mulf %exp3A, %mul3A_221 : vector<8x60x35xf32>
    %get3A_223 = arith.constant 0 : index
    %get3A_224 = arith.constant 0 : index
    %get3A_225 = arith.constant 0 : index
    %get3A_226 = arith.constant 0 : index
    %get3A_227 = vector.load %arg14[%get3A_223, %get3A_224, %get3A_225, %get3A_226] : memref<60x35x2x256xf32, #tpu.memory_space<vmem>>, vector<60x35x1x8xf32>
    %get3A_228 = vector.shape_cast %get3A_227 : vector<60x35x1x8xf32> to vector<60x35x8xf32>
    %transpose3A_229 = tpu.transpose %get3A_228, [2, 0, 1] : vector<60x35x8xf32> -> vector<8x60x35xf32>
    %mul3A_230 = arith.mulf %mul3A_222, %transpose3A_229 : vector<8x60x35xf32>
    %reduce_sum3A_231 = arith.constant dense<0.000000e+00> : vector<8x35xf32>
    %reduce_sum3A_232 = vector.multi_reduction <add>, %mul3A_230, %reduce_sum3A_231 [1] : vector<8x60x35xf32> to vector<8x35xf32>
    %swap3A = arith.constant 0 : index
    %swap3A_233 = arith.constant 0 : index
    %swap3A_234 = vector.load %arg8[%swap3A, %swap3A_233] : memref<40x35xf32, #tpu.memory_space<vmem>>, vector<8x35xf32>
    tpu.vector_store %arg8[%swap3A, %swap3A_233], %reduce_sum3A_232 {strides = array<i32>} : memref<40x35xf32, #tpu.memory_space<vmem>>, vector<8x35xf32>,
    %get3A_235 = arith.constant 0 : index
    %get3A_236 = arith.constant 0 : index
    %get3A_237 = arith.constant 0 : index
    %get3A_238 = arith.constant 0 : index
    %get3A_239 = vector.load %arg11[%get3A_235, %get3A_236, %get3A_237, %get3A_238] : memref<2x35x8x512xf32, #tpu.memory_space<vmem>>, vector<1x35x8x512xf32>
    %get3A_240 = vector.shape_cast %get3A_239 : vector<1x35x8x512xf32> to vector<35x8x512xf32>
    %reshape3A_241 = vector.shape_cast %get3A_240 : vector<35x8x512xf32> to vector<280x512xf32>
    %dot_general3A_242 = arith.constant dense<0.000000e+00> : vector<280x512xf32>
    %dot_general3A_243 = tpu.matmul %reshape3A_241, %get3A_1, %dot_general3A_242 {dimension_numbers = #tpu.dot_dimension_numbers<[1], [1], [0], [0], [0, 0, 1, 0], [], []>, transpose_lhs_hint = false} : vector<280x512xf32>, vector<512x512xf32>, vector<280x512xf32> -> vector<280x512xf32>
    %add3A_244 = vector.broadcast %get3A_4 : vector<1x512xf32> to vector<280x512xf32>
    %add3A_245 = arith.addf %dot_general3A_243, %add3A_244 : vector<280x512xf32>
    %mul3A_246 = arith.mulf %add3A_245, %add3A_245 : vector<280x512xf32>
    %reduce_sum3A_247 = arith.constant dense<0.000000e+00> : vector<280xf32>
    %reduce_sum3A_248 = vector.multi_reduction <add>, %mul3A_246, %reduce_sum3A_247 [1] : vector<280x512xf32> to vector<280xf32>
    %broadcast_in_dim3A_249 = vector.shape_cast %reduce_sum3A_248 : vector<280xf32> to vector<280x1xf32>
    %sqrt3A_250 = math.sqrt %broadcast_in_dim3A_249 : vector<280x1xf32>
    %add3A_251 = arith.constant 9.99999993E-9 : f32
    %add3A_252 = vector.broadcast %add3A_251 : f32 to vector<280x1xf32>
    %add3A_253 = arith.addf %sqrt3A_250, %add3A_252 : vector<280x1xf32>
    %div3A_254 = arith.constant 1.000000e+00 : f32
    %div3A_255 = vector.broadcast %div3A_254 : f32 to vector<280x1xf32>
    %div3A_256 = arith.divf %div3A_255, %add3A_253 : vector<280x1xf32>
    %mul3A_257 = vector.broadcast %div3A_256 : vector<280x1xf32> to vector<280x512xf32>
    %mul3A_258 = arith.mulf %add3A_245, %mul3A_257 : vector<280x512xf32>
    %reshape3A_259 = vector.shape_cast %mul3A_258 : vector<280x512xf32> to vector<35x8x512xf32>
    %get3A_260 = arith.constant 0 : index
    %get3A_261 = arith.constant 0 : index
    %get3A_262 = arith.constant 0 : index
    %get3A_263 = arith.constant 0 : index
    %get3A_264 = vector.load %arg13[%get3A_260, %get3A_261, %get3A_262, %get3A_263] : memref<2x60x8x512xf32, #tpu.memory_space<vmem>>, vector<1x60x8x512xf32>
    %get3A_265 = vector.shape_cast %get3A_264 : vector<1x60x8x512xf32> to vector<60x8x512xf32>
    %reshape3A_266 = vector.shape_cast %get3A_265 : vector<60x8x512xf32> to vector<480x512xf32>
    %mul3A_267 = arith.mulf %reshape3A_266, %reshape3A_266 : vector<480x512xf32>
    %reduce_sum3A_268 = arith.constant dense<0.000000e+00> : vector<480xf32>
    %reduce_sum3A_269 = vector.multi_reduction <add>, %mul3A_267, %reduce_sum3A_268 [1] : vector<480x512xf32> to vector<480xf32>
    %broadcast_in_dim3A_270 = vector.shape_cast %reduce_sum3A_269 : vector<480xf32> to vector<480x1xf32>
    %sqrt3A_271 = math.sqrt %broadcast_in_dim3A_270 : vector<480x1xf32>
    %add3A_272 = arith.constant 9.99999993E-9 : f32
    %add3A_273 = vector.broadcast %add3A_272 : f32 to vector<480x1xf32>
    %add3A_274 = arith.addf %sqrt3A_271, %add3A_273 : vector<480x1xf32>
    %div3A_275 = arith.constant 1.000000e+00 : f32
    %div3A_276 = vector.broadcast %div3A_275 : f32 to vector<480x1xf32>
    %div3A_277 = arith.divf %div3A_276, %add3A_274 : vector<480x1xf32>
    %mul3A_278 = vector.broadcast %div3A_277 : vector<480x1xf32> to vector<480x512xf32>
    %mul3A_279 = arith.mulf %reshape3A_266, %mul3A_278 : vector<480x512xf32>
    %reshape3A_280 = vector.shape_cast %mul3A_279 : vector<480x512xf32> to vector<60x8x512xf32>
    %transpose3A_281 = tpu.transpose %reshape3A_259, [1, 0, 2] : vector<35x8x512xf32> -> vector<8x35x512xf32>
    %transpose3A_282 = tpu.transpose %reshape3A_280, [1, 0, 2] : vector<60x8x512xf32> -> vector<8x60x512xf32>
    %dot_general3A_283 = arith.constant dense<0.000000e+00> : vector<8x60x35xf32>
    %dot_general3A_284 = tpu.matmul %transpose3A_282, %transpose3A_281, %dot_general3A_283 {dimension_numbers = #tpu.dot_dimension_numbers<[2], [2], [1], [1], [0, 0, 0, 1, 1, 1], [0], [0]>, transpose_lhs_hint = false} : vector<8x60x512xf32>, vector<8x35x512xf32>, vector<8x60x35xf32> -> vector<8x60x35xf32>
    %reduce_max3A_285 = arith.constant dense<0xFF800000> : vector<8x35xf32>
    %reduce_max3A_286 = vector.multi_reduction <maximumf>, %dot_general3A_284, %reduce_max3A_285 [1] : vector<8x60x35xf32> to vector<8x35xf32>
    %broadcast_in_dim3A_287 = vector.shape_cast %reduce_max3A_286 : vector<8x35xf32> to vector<8x1x35xf32>
    %sub3A_288 = vector.broadcast %broadcast_in_dim3A_287 : vector<8x1x35xf32> to vector<8x60x35xf32>
    %sub3A_289 = arith.subf %dot_general3A_284, %sub3A_288 : vector<8x60x35xf32>
    %exp3A_290 = math.exp %sub3A_289 : vector<8x60x35xf32>
    %reduce_sum3A_291 = arith.constant dense<0.000000e+00> : vector<8x35xf32>
    %reduce_sum3A_292 = vector.multi_reduction <add>, %exp3A_290, %reduce_sum3A_291 [1] : vector<8x60x35xf32> to vector<8x35xf32>
    %broadcast_in_dim3A_293 = vector.shape_cast %reduce_sum3A_292 : vector<8x35xf32> to vector<8x1x35xf32>
    %div3A_294 = arith.constant 1.000000e+00 : f32
    %div3A_295 = vector.broadcast %div3A_294 : f32 to vector<8x1x35xf32>
    %div3A_296 = arith.divf %div3A_295, %broadcast_in_dim3A_293 : vector<8x1x35xf32>
    %mul3A_297 = vector.broadcast %div3A_296 : vector<8x1x35xf32> to vector<8x60x35xf32>
    %mul3A_298 = arith.mulf %exp3A_290, %mul3A_297 : vector<8x60x35xf32>
    %get3A_299 = arith.constant 0 : index
    %get3A_300 = arith.constant 0 : index
    %get3A_301 = arith.constant 1 : index
    %get3A_302 = arith.constant 0 : index
    %get3A_303 = vector.load %arg14[%get3A_299, %get3A_300, %get3A_301, %get3A_302] : memref<60x35x2x256xf32, #tpu.memory_space<vmem>>, vector<60x35x1x8xf32>
    %get3A_304 = vector.shape_cast %get3A_303 : vector<60x35x1x8xf32> to vector<60x35x8xf32>
    %transpose3A_305 = tpu.transpose %get3A_304, [2, 0, 1] : vector<60x35x8xf32> -> vector<8x60x35xf32>
    %mul3A_306 = arith.mulf %mul3A_298, %transpose3A_305 : vector<8x60x35xf32>
    %reduce_sum3A_307 = arith.constant dense<0.000000e+00> : vector<8x35xf32>
    %reduce_sum3A_308 = vector.multi_reduction <add>, %mul3A_306, %reduce_sum3A_307 [1] : vector<8x60x35xf32> to vector<8x35xf32>
    %swap3A_309 = arith.constant 0 : index
    %swap3A_310 = arith.constant 0 : index
    %swap3A_311 = vector.load %arg9[%swap3A_309, %swap3A_310] : memref<40x35xf32, #tpu.memory_space<vmem>>, vector<8x35xf32>
    tpu.vector_store %arg9[%swap3A_309, %swap3A_310], %reduce_sum3A_308 {strides = array<i32>} : memref<40x35xf32, #tpu.memory_space<vmem>>, vector<8x35xf32>,
    %dma_start3A_312 = arith.constant 0 : i32
    %dma_start3A_313 = arith.constant 0 : i32
    %dma_start3A_314 = arith.constant 0 : i32
    %dma_start3A_315 = tpu.memref_slice %arg15[%dma_start3A_313, %dma_start3A_314] : memref<2x4x!tpu.dma_semaphore, #tpu.memory_space<semaphore_mem>> -> memref<1x1x!tpu.dma_semaphore, #tpu.memory_space<semaphore_mem>>
    %dma_start3A_316 = tpu.memref_squeeze %dma_start3A_315 : memref<1x1x!tpu.dma_semaphore, #tpu.memory_space<semaphore_mem>> -> memref<!tpu.dma_semaphore, #tpu.memory_space<semaphore_mem>>
    %dma_start3A_317 = arith.constant 0 : i32
    %dma_start3A_318 = arith.constant 0 : i32
    %dma_start3A_319 = arith.constant 0 : i32
    %dma_start3A_320 = tpu.memref_slice %arg10[%dma_start3A_312, %dma_start3A_317, %dma_start3A_318, %dma_start3A_319] : memref<2x35x8x512xf32, #tpu.memory_space<vmem>> -> memref<1x35x8x512xf32, #tpu.memory_space<vmem>>
    %dma_start3A_321 = tpu.memref_squeeze %dma_start3A_320 : memref<1x35x8x512xf32, #tpu.memory_space<vmem>> -> memref<35x8x512xf32, #tpu.memory_space<vmem>>
    %dma_start3A_322 = arith.constant 0 : i32
    %dma_start3A_323 = arith.constant 16 : i32
    %dma_start3A_324 = arith.constant 0 : i32
    %dma_start3A_325 = tpu.memref_slice %arg1[%dma_start3A_322, %dma_start3A_323, %dma_start3A_324] : memref<35x256x512xf32, #tpu.memory_space<any>> -> memref<35x8x512xf32, #tpu.memory_space<any>>
    tpu.enqueue_dma source(%dma_start3A_325 : memref<35x8x512xf32, #tpu.memory_space<any>>) target(%dma_start3A_321 : memref<35x8x512xf32, #tpu.memory_space<vmem>>) target_semaphore(%dma_start3A_316 : memref<!tpu.dma_semaphore, #tpu.memory_space<semaphore_mem>>)
    %dma_start3A_326 = arith.constant 0 : i32
    %dma_start3A_327 = arith.constant 0 : i32
    %dma_start3A_328 = arith.constant 1 : i32
    %dma_start3A_329 = tpu.memref_slice %arg15[%dma_start3A_327, %dma_start3A_328] : memref<2x4x!tpu.dma_semaphore, #tpu.memory_space<semaphore_mem>> -> memref<1x1x!tpu.dma_semaphore, #tpu.memory_space<semaphore_mem>>
    %dma_start3A_330 = tpu.memref_squeeze %dma_start3A_329 : memref<1x1x!tpu.dma_semaphore, #tpu.memory_space<semaphore_mem>> -> memref<!tpu.dma_semaphore, #tpu.memory_space<semaphore_mem>>
    %dma_start3A_331 = arith.constant 0 : i32
    %dma_start3A_332 = arith.constant 0 : i32
    %dma_start3A_333 = arith.constant 0 : i32
    %dma_start3A_334 = tpu.memref_slice %arg11[%dma_start3A_326, %dma_start3A_331, %dma_start3A_332, %dma_start3A_333] : memref<2x35x8x512xf32, #tpu.memory_space<vmem>> -> memref<1x35x8x512xf32, #tpu.memory_space<vmem>>
    %dma_start3A_335 = tpu.memref_squeeze %dma_start3A_334 : memref<1x35x8x512xf32, #tpu.memory_space<vmem>> -> memref<35x8x512xf32, #tpu.memory_space<vmem>>
    %dma_start3A_336 = arith.constant 0 : i32
    %dma_start3A_337 = arith.constant 16 : i32
    %dma_start3A_338 = arith.constant 0 : i32
    %dma_start3A_339 = tpu.memref_slice %arg2[%dma_start3A_336, %dma_start3A_337, %dma_start3A_338] : memref<35x256x512xf32, #tpu.memory_space<any>> -> memref<35x8x512xf32, #tpu.memory_space<any>>
    tpu.enqueue_dma source(%dma_start3A_339 : memref<35x8x512xf32, #tpu.memory_space<any>>) target(%dma_start3A_335 : memref<35x8x512xf32, #tpu.memory_space<vmem>>) target_semaphore(%dma_start3A_330 : memref<!tpu.dma_semaphore, #tpu.memory_space<semaphore_mem>>)
    %dma_start3A_340 = arith.constant 0 : i32
    %dma_start3A_341 = arith.constant 0 : i32
    %dma_start3A_342 = arith.constant 2 : i32
    %dma_start3A_343 = tpu.memref_slice %arg15[%dma_start3A_341, %dma_start3A_342] : memref<2x4x!tpu.dma_semaphore, #tpu.memory_space<semaphore_mem>> -> memref<1x1x!tpu.dma_semaphore, #tpu.memory_space<semaphore_mem>>
    %dma_start3A_344 = tpu.memref_squeeze %dma_start3A_343 : memref<1x1x!tpu.dma_semaphore, #tpu.memory_space<semaphore_mem>> -> memref<!tpu.dma_semaphore, #tpu.memory_space<semaphore_mem>>
    %dma_start3A_345 = arith.constant 0 : i32
    %dma_start3A_346 = arith.constant 0 : i32
    %dma_start3A_347 = arith.constant 0 : i32
    %dma_start3A_348 = tpu.memref_slice %arg12[%dma_start3A_340, %dma_start3A_345, %dma_start3A_346, %dma_start3A_347] : memref<2x60x8x512xf32, #tpu.memory_space<vmem>> -> memref<1x60x8x512xf32, #tpu.memory_space<vmem>>
    %dma_start3A_349 = tpu.memref_squeeze %dma_start3A_348 : memref<1x60x8x512xf32, #tpu.memory_space<vmem>> -> memref<60x8x512xf32, #tpu.memory_space<vmem>>
    %dma_start3A_350 = arith.constant 0 : i32
    %dma_start3A_351 = arith.constant 16 : i32
    %dma_start3A_352 = arith.constant 0 : i32
    %dma_start3A_353 = tpu.memref_slice %arg3[%dma_start3A_350, %dma_start3A_351, %dma_start3A_352] : memref<60x256x512xf32, #tpu.memory_space<any>> -> memref<60x8x512xf32, #tpu.memory_space<any>>
    tpu.enqueue_dma source(%dma_start3A_353 : memref<60x8x512xf32, #tpu.memory_space<any>>) target(%dma_start3A_349 : memref<60x8x512xf32, #tpu.memory_space<vmem>>) target_semaphore(%dma_start3A_344 : memref<!tpu.dma_semaphore, #tpu.memory_space<semaphore_mem>>)
    %dma_start3A_354 = arith.constant 0 : i32
    %dma_start3A_355 = arith.constant 0 : i32
    %dma_start3A_356 = arith.constant 3 : i32
    %dma_start3A_357 = tpu.memref_slice %arg15[%dma_start3A_355, %dma_start3A_356] : memref<2x4x!tpu.dma_semaphore, #tpu.memory_space<semaphore_mem>> -> memref<1x1x!tpu.dma_semaphore, #tpu.memory_space<semaphore_mem>>
    %dma_start3A_358 = tpu.memref_squeeze %dma_start3A_357 : memref<1x1x!tpu.dma_semaphore, #tpu.memory_space<semaphore_mem>> -> memref<!tpu.dma_semaphore, #tpu.memory_space<semaphore_mem>>
    %dma_start3A_359 = arith.constant 0 : i32
    %dma_start3A_360 = arith.constant 0 : i32
    %dma_start3A_361 = arith.constant 0 : i32
    %dma_start3A_362 = tpu.memref_slice %arg13[%dma_start3A_354, %dma_start3A_359, %dma_start3A_360, %dma_start3A_361] : memref<2x60x8x512xf32, #tpu.memory_space<vmem>> -> memref<1x60x8x512xf32, #tpu.memory_space<vmem>>
    %dma_start3A_363 = tpu.memref_squeeze %dma_start3A_362 : memref<1x60x8x512xf32, #tpu.memory_space<vmem>> -> memref<60x8x512xf32, #tpu.memory_space<vmem>>
    %dma_start3A_364 = arith.constant 0 : i32
    %dma_start3A_365 = arith.constant 16 : i32
    %dma_start3A_366 = arith.constant 0 : i32
    %dma_start3A_367 = tpu.memref_slice %arg4[%dma_start3A_364, %dma_start3A_365, %dma_start3A_366] : memref<60x256x512xf32, #tpu.memory_space<any>> -> memref<60x8x512xf32, #tpu.memory_space<any>>
    tpu.enqueue_dma source(%dma_start3A_367 : memref<60x8x512xf32, #tpu.memory_space<any>>) target(%dma_start3A_363 : memref<60x8x512xf32, #tpu.memory_space<vmem>>) target_semaphore(%dma_start3A_358 : memref<!tpu.dma_semaphore, #tpu.memory_space<semaphore_mem>>)
    %dma_wait3A_368 = arith.constant 1 : i32
    %dma_wait3A_369 = arith.constant 1 : i32
    %dma_wait3A_370 = arith.constant 0 : i32
    %dma_wait3A_371 = tpu.memref_slice %arg15[%dma_wait3A_369, %dma_wait3A_370] : memref<2x4x!tpu.dma_semaphore, #tpu.memory_space<semaphore_mem>> -> memref<1x1x!tpu.dma_semaphore, #tpu.memory_space<semaphore_mem>>
    %dma_wait3A_372 = tpu.memref_squeeze %dma_wait3A_371 : memref<1x1x!tpu.dma_semaphore, #tpu.memory_space<semaphore_mem>> -> memref<!tpu.dma_semaphore, #tpu.memory_space<semaphore_mem>>
    %dma_wait3A_373 = arith.constant 0 : i32
    %dma_wait3A_374 = arith.constant 0 : i32
    %dma_wait3A_375 = arith.constant 0 : i32
    %dma_wait3A_376 = tpu.memref_slice %arg10[%dma_wait3A_368, %dma_wait3A_373, %dma_wait3A_374, %dma_wait3A_375] : memref<2x35x8x512xf32, #tpu.memory_space<vmem>> -> memref<1x35x8x512xf32, #tpu.memory_space<vmem>>
    %dma_wait3A_377 = tpu.memref_squeeze %dma_wait3A_376 : memref<1x35x8x512xf32, #tpu.memory_space<vmem>> -> memref<35x8x512xf32, #tpu.memory_space<vmem>>
    %dma_wait3A_378 = arith.constant 0 : i32
    %dma_wait3A_379 = arith.constant 8 : i32
    %dma_wait3A_380 = arith.constant 0 : i32
    %dma_wait3A_381 = tpu.memref_slice %arg1[%dma_wait3A_378, %dma_wait3A_379, %dma_wait3A_380] : memref<35x256x512xf32, #tpu.memory_space<any>> -> memref<35x8x512xf32, #tpu.memory_space<any>>
    tpu.wait_dma2 semaphore(%dma_wait3A_372 : memref<!tpu.dma_semaphore, #tpu.memory_space<semaphore_mem>>) src(%dma_wait3A_381 : memref<35x8x512xf32, #tpu.memory_space<any>>) dst(%dma_wait3A_377 : memref<35x8x512xf32, #tpu.memory_space<vmem>>)
    %dma_wait3A_382 = arith.constant 1 : i32
    %dma_wait3A_383 = arith.constant 1 : i32
    %dma_wait3A_384 = arith.constant 1 : i32
    %dma_wait3A_385 = tpu.memref_slice %arg15[%dma_wait3A_383, %dma_wait3A_384] : memref<2x4x!tpu.dma_semaphore, #tpu.memory_space<semaphore_mem>> -> memref<1x1x!tpu.dma_semaphore, #tpu.memory_space<semaphore_mem>>
    %dma_wait3A_386 = tpu.memref_squeeze %dma_wait3A_385 : memref<1x1x!tpu.dma_semaphore, #tpu.memory_space<semaphore_mem>> -> memref<!tpu.dma_semaphore, #tpu.memory_space<semaphore_mem>>
    %dma_wait3A_387 = arith.constant 0 : i32
    %dma_wait3A_388 = arith.constant 0 : i32
    %dma_wait3A_389 = arith.constant 0 : i32
    %dma_wait3A_390 = tpu.memref_slice %arg11[%dma_wait3A_382, %dma_wait3A_387, %dma_wait3A_388, %dma_wait3A_389] : memref<2x35x8x512xf32, #tpu.memory_space<vmem>> -> memref<1x35x8x512xf32, #tpu.memory_space<vmem>>
    %dma_wait3A_391 = tpu.memref_squeeze %dma_wait3A_390 : memref<1x35x8x512xf32, #tpu.memory_space<vmem>> -> memref<35x8x512xf32, #tpu.memory_space<vmem>>
    %dma_wait3A_392 = arith.constant 0 : i32
    %dma_wait3A_393 = arith.constant 8 : i32
    %dma_wait3A_394 = arith.constant 0 : i32
    %dma_wait3A_395 = tpu.memref_slice %arg2[%dma_wait3A_392, %dma_wait3A_393, %dma_wait3A_394] : memref<35x256x512xf32, #tpu.memory_space<any>> -> memref<35x8x512xf32, #tpu.memory_space<any>>
    tpu.wait_dma2 semaphore(%dma_wait3A_386 : memref<!tpu.dma_semaphore, #tpu.memory_space<semaphore_mem>>) src(%dma_wait3A_395 : memref<35x8x512xf32, #tpu.memory_space<any>>) dst(%dma_wait3A_391 : memref<35x8x512xf32, #tpu.memory_space<vmem>>)
    %dma_wait3A_396 = arith.constant 1 : i32
    %dma_wait3A_397 = arith.constant 1 : i32
    %dma_wait3A_398 = arith.constant 2 : i32
    %dma_wait3A_399 = tpu.memref_slice %arg15[%dma_wait3A_397, %dma_wait3A_398] : memref<2x4x!tpu.dma_semaphore, #tpu.memory_space<semaphore_mem>> -> memref<1x1x!tpu.dma_semaphore, #tpu.memory_space<semaphore_mem>>
    %dma_wait3A_400 = tpu.memref_squeeze %dma_wait3A_399 : memref<1x1x!tpu.dma_semaphore, #tpu.memory_space<semaphore_mem>> -> memref<!tpu.dma_semaphore, #tpu.memory_space<semaphore_mem>>
    %dma_wait3A_401 = arith.constant 0 : i32
    %dma_wait3A_402 = arith.constant 0 : i32
    %dma_wait3A_403 = arith.constant 0 : i32
    %dma_wait3A_404 = tpu.memref_slice %arg12[%dma_wait3A_396, %dma_wait3A_401, %dma_wait3A_402, %dma_wait3A_403] : memref<2x60x8x512xf32, #tpu.memory_space<vmem>> -> memref<1x60x8x512xf32, #tpu.memory_space<vmem>>
    %dma_wait3A_405 = tpu.memref_squeeze %dma_wait3A_404 : memref<1x60x8x512xf32, #tpu.memory_space<vmem>> -> memref<60x8x512xf32, #tpu.memory_space<vmem>>
    %dma_wait3A_406 = arith.constant 0 : i32
    %dma_wait3A_407 = arith.constant 8 : i32
    %dma_wait3A_408 = arith.constant 0 : i32
    %dma_wait3A_409 = tpu.memref_slice %arg3[%dma_wait3A_406, %dma_wait3A_407, %dma_wait3A_408] : memref<60x256x512xf32, #tpu.memory_space<any>> -> memref<60x8x512xf32, #tpu.memory_space<any>>
    tpu.wait_dma2 semaphore(%dma_wait3A_400 : memref<!tpu.dma_semaphore, #tpu.memory_space<semaphore_mem>>) src(%dma_wait3A_409 : memref<60x8x512xf32, #tpu.memory_space<any>>) dst(%dma_wait3A_405 : memref<60x8x512xf32, #tpu.memory_space<vmem>>)
    %dma_wait3A_410 = arith.constant 1 : i32
    %dma_wait3A_411 = arith.constant 1 : i32
    %dma_wait3A_412 = arith.constant 3 : i32
    %dma_wait3A_413 = tpu.memref_slice %arg15[%dma_wait3A_411, %dma_wait3A_412] : memref<2x4x!tpu.dma_semaphore, #tpu.memory_space<semaphore_mem>> -> memref<1x1x!tpu.dma_semaphore, #tpu.memory_space<semaphore_mem>>
    %dma_wait3A_414 = tpu.memref_squeeze %dma_wait3A_413 : memref<1x1x!tpu.dma_semaphore, #tpu.memory_space<semaphore_mem>> -> memref<!tpu.dma_semaphore, #tpu.memory_space<semaphore_mem>>
    %dma_wait3A_415 = arith.constant 0 : i32
    %dma_wait3A_416 = arith.constant 0 : i32
    %dma_wait3A_417 = arith.constant 0 : i32
    %dma_wait3A_418 = tpu.memref_slice %arg13[%dma_wait3A_410, %dma_wait3A_415, %dma_wait3A_416, %dma_wait3A_417] : memref<2x60x8x512xf32, #tpu.memory_space<vmem>> -> memref<1x60x8x512xf32, #tpu.memory_space<vmem>>
    %dma_wait3A_419 = tpu.memref_squeeze %dma_wait3A_418 : memref<1x60x8x512xf32, #tpu.memory_space<vmem>> -> memref<60x8x512xf32, #tpu.memory_space<vmem>>
    %dma_wait3A_420 = arith.constant 0 : i32
    %dma_wait3A_421 = arith.constant 8 : i32
    %dma_wait3A_422 = arith.constant 0 : i32
    %dma_wait3A_423 = tpu.memref_slice %arg4[%dma_wait3A_420, %dma_wait3A_421, %dma_wait3A_422] : memref<60x256x512xf32, #tpu.memory_space<any>> -> memref<60x8x512xf32, #tpu.memory_space<any>>
    tpu.wait_dma2 semaphore(%dma_wait3A_414 : memref<!tpu.dma_semaphore, #tpu.memory_space<semaphore_mem>>) src(%dma_wait3A_423 : memref<60x8x512xf32, #tpu.memory_space<any>>) dst(%dma_wait3A_419 : memref<60x8x512xf32, #tpu.memory_space<vmem>>)
    %get3A_424 = arith.constant 1 : index
    %get3A_425 = arith.constant 0 : index
    %get3A_426 = arith.constant 0 : index
    %get3A_427 = arith.constant 0 : index
    %get3A_428 = vector.load %arg10[%get3A_424, %get3A_425, %get3A_426, %get3A_427] : memref<2x35x8x512xf32, #tpu.memory_space<vmem>>, vector<1x35x8x512xf32>
    %get3A_429 = vector.shape_cast %get3A_428 : vector<1x35x8x512xf32> to vector<35x8x512xf32>
    %reshape3A_430 = vector.shape_cast %get3A_429 : vector<35x8x512xf32> to vector<280x512xf32>
    %dot_general3A_431 = arith.constant dense<0.000000e+00> : vector<280x512xf32>
    %dot_general3A_432 = tpu.matmul %reshape3A_430, %get3A_1, %dot_general3A_431 {dimension_numbers = #tpu.dot_dimension_numbers<[1], [1], [0], [0], [0, 0, 1, 0], [], []>, transpose_lhs_hint = false} : vector<280x512xf32>, vector<512x512xf32>, vector<280x512xf32> -> vector<280x512xf32>
    %add3A_433 = vector.broadcast %get3A_4 : vector<1x512xf32> to vector<280x512xf32>
    %add3A_434 = arith.addf %dot_general3A_432, %add3A_433 : vector<280x512xf32>
    %mul3A_435 = arith.mulf %add3A_434, %add3A_434 : vector<280x512xf32>
    %reduce_sum3A_436 = arith.constant dense<0.000000e+00> : vector<280xf32>
    %reduce_sum3A_437 = vector.multi_reduction <add>, %mul3A_435, %reduce_sum3A_436 [1] : vector<280x512xf32> to vector<280xf32>
    %broadcast_in_dim3A_438 = vector.shape_cast %reduce_sum3A_437 : vector<280xf32> to vector<280x1xf32>
    %sqrt3A_439 = math.sqrt %broadcast_in_dim3A_438 : vector<280x1xf32>
    %add3A_440 = arith.constant 9.99999993E-9 : f32
    %add3A_441 = vector.broadcast %add3A_440 : f32 to vector<280x1xf32>
    %add3A_442 = arith.addf %sqrt3A_439, %add3A_441 : vector<280x1xf32>
    %div3A_443 = arith.constant 1.000000e+00 : f32
    %div3A_444 = vector.broadcast %div3A_443 : f32 to vector<280x1xf32>
    %div3A_445 = arith.divf %div3A_444, %add3A_442 : vector<280x1xf32>
    %mul3A_446 = vector.broadcast %div3A_445 : vector<280x1xf32> to vector<280x512xf32>
    %mul3A_447 = arith.mulf %add3A_434, %mul3A_446 : vector<280x512xf32>
    %reshape3A_448 = vector.shape_cast %mul3A_447 : vector<280x512xf32> to vector<35x8x512xf32>
    %get3A_449 = arith.constant 1 : index
    %get3A_450 = arith.constant 0 : index
    %get3A_451 = arith.constant 0 : index
    %get3A_452 = arith.constant 0 : index
    %get3A_453 = vector.load %arg12[%get3A_449, %get3A_450, %get3A_451, %get3A_452] : memref<2x60x8x512xf32, #tpu.memory_space<vmem>>, vector<1x60x8x512xf32>
    %get3A_454 = vector.shape_cast %get3A_453 : vector<1x60x8x512xf32> to vector<60x8x512xf32>
    %reshape3A_455 = vector.shape_cast %get3A_454 : vector<60x8x512xf32> to vector<480x512xf32>
    %mul3A_456 = arith.mulf %reshape3A_455, %reshape3A_455 : vector<480x512xf32>
    %reduce_sum3A_457 = arith.constant dense<0.000000e+00> : vector<480xf32>
    %reduce_sum3A_458 = vector.multi_reduction <add>, %mul3A_456, %reduce_sum3A_457 [1] : vector<480x512xf32> to vector<480xf32>
    %broadcast_in_dim3A_459 = vector.shape_cast %reduce_sum3A_458 : vector<480xf32> to vector<480x1xf32>
    %sqrt3A_460 = math.sqrt %broadcast_in_dim3A_459 : vector<480x1xf32>
    %add3A_461 = arith.constant 9.99999993E-9 : f32
    %add3A_462 = vector.broadcast %add3A_461 : f32 to vector<480x1xf32>
    %add3A_463 = arith.addf %sqrt3A_460, %add3A_462 : vector<480x1xf32>
    %div3A_464 = arith.constant 1.000000e+00 : f32
    %div3A_465 = vector.broadcast %div3A_464 : f32 to vector<480x1xf32>
    %div3A_466 = arith.divf %div3A_465, %add3A_463 : vector<480x1xf32>
    %mul3A_467 = vector.broadcast %div3A_466 : vector<480x1xf32> to vector<480x512xf32>
    %mul3A_468 = arith.mulf %reshape3A_455, %mul3A_467 : vector<480x512xf32>
    %reshape3A_469 = vector.shape_cast %mul3A_468 : vector<480x512xf32> to vector<60x8x512xf32>
    %transpose3A_470 = tpu.transpose %reshape3A_448, [1, 0, 2] : vector<35x8x512xf32> -> vector<8x35x512xf32>
    %transpose3A_471 = tpu.transpose %reshape3A_469, [1, 0, 2] : vector<60x8x512xf32> -> vector<8x60x512xf32>
    %dot_general3A_472 = arith.constant dense<0.000000e+00> : vector<8x60x35xf32>
    %dot_general3A_473 = tpu.matmul %transpose3A_471, %transpose3A_470, %dot_general3A_472 {dimension_numbers = #tpu.dot_dimension_numbers<[2], [2], [1], [1], [0, 0, 0, 1, 1, 1], [0], [0]>, transpose_lhs_hint = false} : vector<8x60x512xf32>, vector<8x35x512xf32>, vector<8x60x35xf32> -> vector<8x60x35xf32>
    %reduce_max3A_474 = arith.constant dense<0xFF800000> : vector<8x35xf32>
    %reduce_max3A_475 = vector.multi_reduction <maximumf>, %dot_general3A_473, %reduce_max3A_474 [1] : vector<8x60x35xf32> to vector<8x35xf32>
    %broadcast_in_dim3A_476 = vector.shape_cast %reduce_max3A_475 : vector<8x35xf32> to vector<8x1x35xf32>
    %sub3A_477 = vector.broadcast %broadcast_in_dim3A_476 : vector<8x1x35xf32> to vector<8x60x35xf32>
    %sub3A_478 = arith.subf %dot_general3A_473, %sub3A_477 : vector<8x60x35xf32>
    %exp3A_479 = math.exp %sub3A_478 : vector<8x60x35xf32>
    %reduce_sum3A_480 = arith.constant dense<0.000000e+00> : vector<8x35xf32>
    %reduce_sum3A_481 = vector.multi_reduction <add>, %exp3A_479, %reduce_sum3A_480 [1] : vector<8x60x35xf32> to vector<8x35xf32>
    %broadcast_in_dim3A_482 = vector.shape_cast %reduce_sum3A_481 : vector<8x35xf32> to vector<8x1x35xf32>
    %div3A_483 = arith.constant 1.000000e+00 : f32
    %div3A_484 = vector.broadcast %div3A_483 : f32 to vector<8x1x35xf32>
    %div3A_485 = arith.divf %div3A_484, %broadcast_in_dim3A_482 : vector<8x1x35xf32>
    %mul3A_486 = vector.broadcast %div3A_485 : vector<8x1x35xf32> to vector<8x60x35xf32>
    %mul3A_487 = arith.mulf %exp3A_479, %mul3A_486 : vector<8x60x35xf32>
    %get3A_488 = arith.constant 0 : index
    %get3A_489 = arith.constant 0 : index
    %get3A_490 = arith.constant 0 : index
    %get3A_491 = arith.constant 8 : index
    %get3A_492 = vector.load %arg14[%get3A_488, %get3A_489, %get3A_490, %get3A_491] : memref<60x35x2x256xf32, #tpu.memory_space<vmem>>, vector<60x35x1x8xf32>
    %get3A_493 = vector.shape_cast %get3A_492 : vector<60x35x1x8xf32> to vector<60x35x8xf32>
    %transpose3A_494 = tpu.transpose %get3A_493, [2, 0, 1] : vector<60x35x8xf32> -> vector<8x60x35xf32>
    %mul3A_495 = arith.mulf %mul3A_487, %transpose3A_494 : vector<8x60x35xf32>
    %reduce_sum3A_496 = arith.constant dense<0.000000e+00> : vector<8x35xf32>
    %reduce_sum3A_497 = vector.multi_reduction <add>, %mul3A_495, %reduce_sum3A_496 [1] : vector<8x60x35xf32> to vector<8x35xf32>
    %swap3A_498 = arith.constant 8 : index
    %swap3A_499 = arith.constant 0 : index
    %swap3A_500 = vector.load %arg8[%swap3A_498, %swap3A_499] : memref<40x35xf32, #tpu.memory_space<vmem>>, vector<8x35xf32>
    tpu.vector_store %arg8[%swap3A_498, %swap3A_499], %reduce_sum3A_497 {strides = array<i32>} : memref<40x35xf32, #tpu.memory_space<vmem>>, vector<8x35xf32>,
    %get3A_501 = arith.constant 1 : index
    %get3A_502 = arith.constant 0 : index
    %get3A_503 = arith.constant 0 : index
    %get3A_504 = arith.constant 0 : index
    %get3A_505 = vector.load %arg11[%get3A_501, %get3A_502, %get3A_503, %get3A_504] : memref<2x35x8x512xf32, #tpu.memory_space<vmem>>, vector<1x35x8x512xf32>
    %get3A_506 = vector.shape_cast %get3A_505 : vector<1x35x8x512xf32> to vector<35x8x512xf32>
    %reshape3A_507 = vector.shape_cast %get3A_506 : vector<35x8x512xf32> to vector<280x512xf32>
    %dot_general3A_508 = arith.constant dense<0.000000e+00> : vector<280x512xf32>
    %dot_general3A_509 = tpu.matmul %reshape3A_507, %get3A_1, %dot_general3A_508 {dimension_numbers = #tpu.dot_dimension_numbers<[1], [1], [0], [0], [0, 0, 1, 0], [], []>, transpose_lhs_hint = false} : vector<280x512xf32>, vector<512x512xf32>, vector<280x512xf32> -> vector<280x512xf32>
    %add3A_510 = vector.broadcast %get3A_4 : vector<1x512xf32> to vector<280x512xf32>
    %add3A_511 = arith.addf %dot_general3A_509, %add3A_510 : vector<280x512xf32>
    %mul3A_512 = arith.mulf %add3A_511, %add3A_511 : vector<280x512xf32>
    %reduce_sum3A_513 = arith.constant dense<0.000000e+00> : vector<280xf32>
    %reduce_sum3A_514 = vector.multi_reduction <add>, %mul3A_512, %reduce_sum3A_513 [1] : vector<280x512xf32> to vector<280xf32>
    %broadcast_in_dim3A_515 = vector.shape_cast %reduce_sum3A_514 : vector<280xf32> to vector<280x1xf32>
    %sqrt3A_516 = math.sqrt %broadcast_in_dim3A_515 : vector<280x1xf32>
    %add3A_517 = arith.constant 9.99999993E-9 : f32
    %add3A_518 = vector.broadcast %add3A_517 : f32 to vector<280x1xf32>
    %add3A_519 = arith.addf %sqrt3A_516, %add3A_518 : vector<280x1xf32>
    %div3A_520 = arith.constant 1.000000e+00 : f32
    %div3A_521 = vector.broadcast %div3A_520 : f32 to vector<280x1xf32>
    %div3A_522 = arith.divf %div3A_521, %add3A_519 : vector<280x1xf32>
    %mul3A_523 = vector.broadcast %div3A_522 : vector<280x1xf32> to vector<280x512xf32>
    %mul3A_524 = arith.mulf %add3A_511, %mul3A_523 : vector<280x512xf32>
    %reshape3A_525 = vector.shape_cast %mul3A_524 : vector<280x512xf32> to vector<35x8x512xf32>
    %get3A_526 = arith.constant 1 : index
    %get3A_527 = arith.constant 0 : index
    %get3A_528 = arith.constant 0 : index
    %get3A_529 = arith.constant 0 : index
    %get3A_530 = vector.load %arg13[%get3A_526, %get3A_527, %get3A_528, %get3A_529] : memref<2x60x8x512xf32, #tpu.memory_space<vmem>>, vector<1x60x8x512xf32>
    %get3A_531 = vector.shape_cast %get3A_530 : vector<1x60x8x512xf32> to vector<60x8x512xf32>
    %reshape3A_532 = vector.shape_cast %get3A_531 : vector<60x8x512xf32> to vector<480x512xf32>
    %mul3A_533 = arith.mulf %reshape3A_532, %reshape3A_532 : vector<480x512xf32>
    %reduce_sum3A_534 = arith.constant dense<0.000000e+00> : vector<480xf32>
    %reduce_sum3A_535 = vector.multi_reduction <add>, %mul3A_533, %reduce_sum3A_534 [1] : vector<480x512xf32> to vector<480xf32>
    %broadcast_in_dim3A_536 = vector.shape_cast %reduce_sum3A_535 : vector<480xf32> to vector<480x1xf32>
    %sqrt3A_537 = math.sqrt %broadcast_in_dim3A_536 : vector<480x1xf32>
    %add3A_538 = arith.constant 9.99999993E-9 : f32
    %add3A_539 = vector.broadcast %add3A_538 : f32 to vector<480x1xf32>
    %add3A_540 = arith.addf %sqrt3A_537, %add3A_539 : vector<480x1xf32>
    %div3A_541 = arith.constant 1.000000e+00 : f32
    %div3A_542 = vector.broadcast %div3A_541 : f32 to vector<480x1xf32>
    %div3A_543 = arith.divf %div3A_542, %add3A_540 : vector<480x1xf32>
    %mul3A_544 = vector.broadcast %div3A_543 : vector<480x1xf32> to vector<480x512xf32>
    %mul3A_545 = arith.mulf %reshape3A_532, %mul3A_544 : vector<480x512xf32>
    %reshape3A_546 = vector.shape_cast %mul3A_545 : vector<480x512xf32> to vector<60x8x512xf32>
    %transpose3A_547 = tpu.transpose %reshape3A_525, [1, 0, 2] : vector<35x8x512xf32> -> vector<8x35x512xf32>
    %transpose3A_548 = tpu.transpose %reshape3A_546, [1, 0, 2] : vector<60x8x512xf32> -> vector<8x60x512xf32>
    %dot_general3A_549 = arith.constant dense<0.000000e+00> : vector<8x60x35xf32>
    %dot_general3A_550 = tpu.matmul %transpose3A_548, %transpose3A_547, %dot_general3A_549 {dimension_numbers = #tpu.dot_dimension_numbers<[2], [2], [1], [1], [0, 0, 0, 1, 1, 1], [0], [0]>, transpose_lhs_hint = false} : vector<8x60x512xf32>, vector<8x35x512xf32>, vector<8x60x35xf32> -> vector<8x60x35xf32>
    %reduce_max3A_551 = arith.constant dense<0xFF800000> : vector<8x35xf32>
    %reduce_max3A_552 = vector.multi_reduction <maximumf>, %dot_general3A_550, %reduce_max3A_551 [1] : vector<8x60x35xf32> to vector<8x35xf32>
    %broadcast_in_dim3A_553 = vector.shape_cast %reduce_max3A_552 : vector<8x35xf32> to vector<8x1x35xf32>
    %sub3A_554 = vector.broadcast %broadcast_in_dim3A_553 : vector<8x1x35xf32> to vector<8x60x35xf32>
    %sub3A_555 = arith.subf %dot_general3A_550, %sub3A_554 : vector<8x60x35xf32>
    %exp3A_556 = math.exp %sub3A_555 : vector<8x60x35xf32>
    %reduce_sum3A_557 = arith.constant dense<0.000000e+00> : vector<8x35xf32>
    %reduce_sum3A_558 = vector.multi_reduction <add>, %exp3A_556, %reduce_sum3A_557 [1] : vector<8x60x35xf32> to vector<8x35xf32>
    %broadcast_in_dim3A_559 = vector.shape_cast %reduce_sum3A_558 : vector<8x35xf32> to vector<8x1x35xf32>
    %div3A_560 = arith.constant 1.000000e+00 : f32
    %div3A_561 = vector.broadcast %div3A_560 : f32 to vector<8x1x35xf32>
    %div3A_562 = arith.divf %div3A_561, %broadcast_in_dim3A_559 : vector<8x1x35xf32>
    %mul3A_563 = vector.broadcast %div3A_562 : vector<8x1x35xf32> to vector<8x60x35xf32>
    %mul3A_564 = arith.mulf %exp3A_556, %mul3A_563 : vector<8x60x35xf32>
    %get3A_565 = arith.constant 0 : index
    %get3A_566 = arith.constant 0 : index
    %get3A_567 = arith.constant 1 : index
    %get3A_568 = arith.constant 8 : index
    %get3A_569 = vector.load %arg14[%get3A_565, %get3A_566, %get3A_567, %get3A_568] : memref<60x35x2x256xf32, #tpu.memory_space<vmem>>, vector<60x35x1x8xf32>
    %get3A_570 = vector.shape_cast %get3A_569 : vector<60x35x1x8xf32> to vector<60x35x8xf32>
    %transpose3A_571 = tpu.transpose %get3A_570, [2, 0, 1] : vector<60x35x8xf32> -> vector<8x60x35xf32>
    %mul3A_572 = arith.mulf %mul3A_564, %transpose3A_571 : vector<8x60x35xf32>
    %reduce_sum3A_573 = arith.constant dense<0.000000e+00> : vector<8x35xf32>
    %reduce_sum3A_574 = vector.multi_reduction <add>, %mul3A_572, %reduce_sum3A_573 [1] : vector<8x60x35xf32> to vector<8x35xf32>
    %swap3A_575 = arith.constant 8 : index
    %swap3A_576 = arith.constant 0 : index
    %swap3A_577 = vector.load %arg9[%swap3A_575, %swap3A_576] : memref<40x35xf32, #tpu.memory_space<vmem>>, vector<8x35xf32>
    tpu.vector_store %arg9[%swap3A_575, %swap3A_576], %reduce_sum3A_574 {strides = array<i32>} : memref<40x35xf32, #tpu.memory_space<vmem>>, vector<8x35xf32>,
    %dma_start3A_578 = arith.constant 1 : i32
    %dma_start3A_579 = arith.constant 1 : i32
    %dma_start3A_580 = arith.constant 0 : i32
    %dma_start3A_581 = tpu.memref_slice %arg15[%dma_start3A_579, %dma_start3A_580] : memref<2x4x!tpu.dma_semaphore, #tpu.memory_space<semaphore_mem>> -> memref<1x1x!tpu.dma_semaphore, #tpu.memory_space<semaphore_mem>>
    %dma_start3A_582 = tpu.memref_squeeze %dma_start3A_581 : memref<1x1x!tpu.dma_semaphore, #tpu.memory_space<semaphore_mem>> -> memref<!tpu.dma_semaphore, #tpu.memory_space<semaphore_mem>>
    %dma_start3A_583 = arith.constant 0 : i32
    %dma_start3A_584 = arith.constant 0 : i32
    %dma_start3A_585 = arith.constant 0 : i32
    %dma_start3A_586 = tpu.memref_slice %arg10[%dma_start3A_578, %dma_start3A_583, %dma_start3A_584, %dma_start3A_585] : memref<2x35x8x512xf32, #tpu.memory_space<vmem>> -> memref<1x35x8x512xf32, #tpu.memory_space<vmem>>
    %dma_start3A_587 = tpu.memref_squeeze %dma_start3A_586 : memref<1x35x8x512xf32, #tpu.memory_space<vmem>> -> memref<35x8x512xf32, #tpu.memory_space<vmem>>
    %dma_start3A_588 = arith.constant 0 : i32
    %dma_start3A_589 = arith.constant 24 : i32
    %dma_start3A_590 = arith.constant 0 : i32
    %dma_start3A_591 = tpu.memref_slice %arg1[%dma_start3A_588, %dma_start3A_589, %dma_start3A_590] : memref<35x256x512xf32, #tpu.memory_space<any>> -> memref<35x8x512xf32, #tpu.memory_space<any>>
    tpu.enqueue_dma source(%dma_start3A_591 : memref<35x8x512xf32, #tpu.memory_space<any>>) target(%dma_start3A_587 : memref<35x8x512xf32, #tpu.memory_space<vmem>>) target_semaphore(%dma_start3A_582 : memref<!tpu.dma_semaphore, #tpu.memory_space<semaphore_mem>>)
    %dma_start3A_592 = arith.constant 1 : i32
    %dma_start3A_593 = arith.constant 1 : i32
    %dma_start3A_594 = arith.constant 1 : i32
    %dma_start3A_595 = tpu.memref_slice %arg15[%dma_start3A_593, %dma_start3A_594] : memref<2x4x!tpu.dma_semaphore, #tpu.memory_space<semaphore_mem>> -> memref<1x1x!tpu.dma_semaphore, #tpu.memory_space<semaphore_mem>>
    %dma_start3A_596 = tpu.memref_squeeze %dma_start3A_595 : memref<1x1x!tpu.dma_semaphore, #tpu.memory_space<semaphore_mem>> -> memref<!tpu.dma_semaphore, #tpu.memory_space<semaphore_mem>>
    %dma_start3A_597 = arith.constant 0 : i32
    %dma_start3A_598 = arith.constant 0 : i32
    %dma_start3A_599 = arith.constant 0 : i32
    %dma_start3A_600 = tpu.memref_slice %arg11[%dma_start3A_592, %dma_start3A_597, %dma_start3A_598, %dma_start3A_599] : memref<2x35x8x512xf32, #tpu.memory_space<vmem>> -> memref<1x35x8x512xf32, #tpu.memory_space<vmem>>
    %dma_start3A_601 = tpu.memref_squeeze %dma_start3A_600 : memref<1x35x8x512xf32, #tpu.memory_space<vmem>> -> memref<35x8x512xf32, #tpu.memory_space<vmem>>
    %dma_start3A_602 = arith.constant 0 : i32
    %dma_start3A_603 = arith.constant 24 : i32
    %dma_start3A_604 = arith.constant 0 : i32
    %dma_start3A_605 = tpu.memref_slice %arg2[%dma_start3A_602, %dma_start3A_603, %dma_start3A_604] : memref<35x256x512xf32, #tpu.memory_space<any>> -> memref<35x8x512xf32, #tpu.memory_space<any>>
    tpu.enqueue_dma source(%dma_start3A_605 : memref<35x8x512xf32, #tpu.memory_space<any>>) target(%dma_start3A_601 : memref<35x8x512xf32, #tpu.memory_space<vmem>>) target_semaphore(%dma_start3A_596 : memref<!tpu.dma_semaphore, #tpu.memory_space<semaphore_mem>>)
    %dma_start3A_606 = arith.constant 1 : i32
    %dma_start3A_607 = arith.constant 1 : i32
    %dma_start3A_608 = arith.constant 2 : i32
    %dma_start3A_609 = tpu.memref_slice %arg15[%dma_start3A_607, %dma_start3A_608] : memref<2x4x!tpu.dma_semaphore, #tpu.memory_space<semaphore_mem>> -> memref<1x1x!tpu.dma_semaphore, #tpu.memory_space<semaphore_mem>>
    %dma_start3A_610 = tpu.memref_squeeze %dma_start3A_609 : memref<1x1x!tpu.dma_semaphore, #tpu.memory_space<semaphore_mem>> -> memref<!tpu.dma_semaphore, #tpu.memory_space<semaphore_mem>>
    %dma_start3A_611 = arith.constant 0 : i32
    %dma_start3A_612 = arith.constant 0 : i32
    %dma_start3A_613 = arith.constant 0 : i32
    %dma_start3A_614 = tpu.memref_slice %arg12[%dma_start3A_606, %dma_start3A_611, %dma_start3A_612, %dma_start3A_613] : memref<2x60x8x512xf32, #tpu.memory_space<vmem>> -> memref<1x60x8x512xf32, #tpu.memory_space<vmem>>
    %dma_start3A_615 = tpu.memref_squeeze %dma_start3A_614 : memref<1x60x8x512xf32, #tpu.memory_space<vmem>> -> memref<60x8x512xf32, #tpu.memory_space<vmem>>
    %dma_start3A_616 = arith.constant 0 : i32
    %dma_start3A_617 = arith.constant 24 : i32
    %dma_start3A_618 = arith.constant 0 : i32
    %dma_start3A_619 = tpu.memref_slice %arg3[%dma_start3A_616, %dma_start3A_617, %dma_start3A_618] : memref<60x256x512xf32, #tpu.memory_space<any>> -> memref<60x8x512xf32, #tpu.memory_space<any>>
    tpu.enqueue_dma source(%dma_start3A_619 : memref<60x8x512xf32, #tpu.memory_space<any>>) target(%dma_start3A_615 : memref<60x8x512xf32, #tpu.memory_space<vmem>>) target_semaphore(%dma_start3A_610 : memref<!tpu.dma_semaphore, #tpu.memory_space<semaphore_mem>>)
    %dma_start3A_620 = arith.constant 1 : i32
    %dma_start3A_621 = arith.constant 1 : i32
    %dma_start3A_622 = arith.constant 3 : i32
    %dma_start3A_623 = tpu.memref_slice %arg15[%dma_start3A_621, %dma_start3A_622] : memref<2x4x!tpu.dma_semaphore, #tpu.memory_space<semaphore_mem>> -> memref<1x1x!tpu.dma_semaphore, #tpu.memory_space<semaphore_mem>>
    %dma_start3A_624 = tpu.memref_squeeze %dma_start3A_623 : memref<1x1x!tpu.dma_semaphore, #tpu.memory_space<semaphore_mem>> -> memref<!tpu.dma_semaphore, #tpu.memory_space<semaphore_mem>>
    %dma_start3A_625 = arith.constant 0 : i32
    %dma_start3A_626 = arith.constant 0 : i32
    %dma_start3A_627 = arith.constant 0 : i32
    %dma_start3A_628 = tpu.memref_slice %arg13[%dma_start3A_620, %dma_start3A_625, %dma_start3A_626, %dma_start3A_627] : memref<2x60x8x512xf32, #tpu.memory_space<vmem>> -> memref<1x60x8x512xf32, #tpu.memory_space<vmem>>
    %dma_start3A_629 = tpu.memref_squeeze %dma_start3A_628 : memref<1x60x8x512xf32, #tpu.memory_space<vmem>> -> memref<60x8x512xf32, #tpu.memory_space<vmem>>
    %dma_start3A_630 = arith.constant 0 : i32
    %dma_start3A_631 = arith.constant 24 : i32
    %dma_start3A_632 = arith.constant 0 : i32
    %dma_start3A_633 = tpu.memref_slice %arg4[%dma_start3A_630, %dma_start3A_631, %dma_start3A_632] : memref<60x256x512xf32, #tpu.memory_space<any>> -> memref<60x8x512xf32, #tpu.memory_space<any>>
    tpu.enqueue_dma source(%dma_start3A_633 : memref<60x8x512xf32, #tpu.memory_space<any>>) target(%dma_start3A_629 : memref<60x8x512xf32, #tpu.memory_space<vmem>>) target_semaphore(%dma_start3A_624 : memref<!tpu.dma_semaphore, #tpu.memory_space<semaphore_mem>>)
    %dma_wait3A_634 = arith.constant 0 : i32
    %dma_wait3A_635 = arith.constant 0 : i32
    %dma_wait3A_636 = arith.constant 0 : i32
    %dma_wait3A_637 = tpu.memref_slice %arg15[%dma_wait3A_635, %dma_wait3A_636] : memref<2x4x!tpu.dma_semaphore, #tpu.memory_space<semaphore_mem>> -> memref<1x1x!tpu.dma_semaphore, #tpu.memory_space<semaphore_mem>>
    %dma_wait3A_638 = tpu.memref_squeeze %dma_wait3A_637 : memref<1x1x!tpu.dma_semaphore, #tpu.memory_space<semaphore_mem>> -> memref<!tpu.dma_semaphore, #tpu.memory_space<semaphore_mem>>
    %dma_wait3A_639 = arith.constant 0 : i32
    %dma_wait3A_640 = arith.constant 0 : i32
    %dma_wait3A_641 = arith.constant 0 : i32
    %dma_wait3A_642 = tpu.memref_slice %arg10[%dma_wait3A_634, %dma_wait3A_639, %dma_wait3A_640, %dma_wait3A_641] : memref<2x35x8x512xf32, #tpu.memory_space<vmem>> -> memref<1x35x8x512xf32, #tpu.memory_space<vmem>>
    %dma_wait3A_643 = tpu.memref_squeeze %dma_wait3A_642 : memref<1x35x8x512xf32, #tpu.memory_space<vmem>> -> memref<35x8x512xf32, #tpu.memory_space<vmem>>
    %dma_wait3A_644 = arith.constant 0 : i32
    %dma_wait3A_645 = arith.constant 16 : i32
    %dma_wait3A_646 = arith.constant 0 : i32
    %dma_wait3A_647 = tpu.memref_slice %arg1[%dma_wait3A_644, %dma_wait3A_645, %dma_wait3A_646] : memref<35x256x512xf32, #tpu.memory_space<any>> -> memref<35x8x512xf32, #tpu.memory_space<any>>
    tpu.wait_dma2 semaphore(%dma_wait3A_638 : memref<!tpu.dma_semaphore, #tpu.memory_space<semaphore_mem>>) src(%dma_wait3A_647 : memref<35x8x512xf32, #tpu.memory_space<any>>) dst(%dma_wait3A_643 : memref<35x8x512xf32, #tpu.memory_space<vmem>>)
    %dma_wait3A_648 = arith.constant 0 : i32
    %dma_wait3A_649 = arith.constant 0 : i32
    %dma_wait3A_650 = arith.constant 1 : i32
    %dma_wait3A_651 = tpu.memref_slice %arg15[%dma_wait3A_649, %dma_wait3A_650] : memref<2x4x!tpu.dma_semaphore, #tpu.memory_space<semaphore_mem>> -> memref<1x1x!tpu.dma_semaphore, #tpu.memory_space<semaphore_mem>>
    %dma_wait3A_652 = tpu.memref_squeeze %dma_wait3A_651 : memref<1x1x!tpu.dma_semaphore, #tpu.memory_space<semaphore_mem>> -> memref<!tpu.dma_semaphore, #tpu.memory_space<semaphore_mem>>
    %dma_wait3A_653 = arith.constant 0 : i32
    %dma_wait3A_654 = arith.constant 0 : i32
    %dma_wait3A_655 = arith.constant 0 : i32
    %dma_wait3A_656 = tpu.memref_slice %arg11[%dma_wait3A_648, %dma_wait3A_653, %dma_wait3A_654, %dma_wait3A_655] : memref<2x35x8x512xf32, #tpu.memory_space<vmem>> -> memref<1x35x8x512xf32, #tpu.memory_space<vmem>>
    %dma_wait3A_657 = tpu.memref_squeeze %dma_wait3A_656 : memref<1x35x8x512xf32, #tpu.memory_space<vmem>> -> memref<35x8x512xf32, #tpu.memory_space<vmem>>
    %dma_wait3A_658 = arith.constant 0 : i32
    %dma_wait3A_659 = arith.constant 16 : i32
    %dma_wait3A_660 = arith.constant 0 : i32
    %dma_wait3A_661 = tpu.memref_slice %arg2[%dma_wait3A_658, %dma_wait3A_659, %dma_wait3A_660] : memref<35x256x512xf32, #tpu.memory_space<any>> -> memref<35x8x512xf32, #tpu.memory_space<any>>
    tpu.wait_dma2 semaphore(%dma_wait3A_652 : memref<!tpu.dma_semaphore, #tpu.memory_space<semaphore_mem>>) src(%dma_wait3A_661 : memref<35x8x512xf32, #tpu.memory_space<any>>) dst(%dma_wait3A_657 : memref<35x8x512xf32, #tpu.memory_space<vmem>>)
    %dma_wait3A_662 = arith.constant 0 : i32
    %dma_wait3A_663 = arith.constant 0 : i32
    %dma_wait3A_664 = arith.constant 2 : i32
    %dma_wait3A_665 = tpu.memref_slice %arg15[%dma_wait3A_663, %dma_wait3A_664] : memref<2x4x!tpu.dma_semaphore, #tpu.memory_space<semaphore_mem>> -> memref<1x1x!tpu.dma_semaphore, #tpu.memory_space<semaphore_mem>>
    %dma_wait3A_666 = tpu.memref_squeeze %dma_wait3A_665 : memref<1x1x!tpu.dma_semaphore, #tpu.memory_space<semaphore_mem>> -> memref<!tpu.dma_semaphore, #tpu.memory_space<semaphore_mem>>
    %dma_wait3A_667 = arith.constant 0 : i32
    %dma_wait3A_668 = arith.constant 0 : i32
    %dma_wait3A_669 = arith.constant 0 : i32
    %dma_wait3A_670 = tpu.memref_slice %arg12[%dma_wait3A_662, %dma_wait3A_667, %dma_wait3A_668, %dma_wait3A_669] : memref<2x60x8x512xf32, #tpu.memory_space<vmem>> -> memref<1x60x8x512xf32, #tpu.memory_space<vmem>>
    %dma_wait3A_671 = tpu.memref_squeeze %dma_wait3A_670 : memref<1x60x8x512xf32, #tpu.memory_space<vmem>> -> memref<60x8x512xf32, #tpu.memory_space<vmem>>
    %dma_wait3A_672 = arith.constant 0 : i32
    %dma_wait3A_673 = arith.constant 16 : i32
    %dma_wait3A_674 = arith.constant 0 : i32
    %dma_wait3A_675 = tpu.memref_slice %arg3[%dma_wait3A_672, %dma_wait3A_673, %dma_wait3A_674] : memref<60x256x512xf32, #tpu.memory_space<any>> -> memref<60x8x512xf32, #tpu.memory_space<any>>
    tpu.wait_dma2 semaphore(%dma_wait3A_666 : memref<!tpu.dma_semaphore, #tpu.memory_space<semaphore_mem>>) src(%dma_wait3A_675 : memref<60x8x512xf32, #tpu.memory_space<any>>) dst(%dma_wait3A_671 : memref<60x8x512xf32, #tpu.memory_space<vmem>>)
    %dma_wait3A_676 = arith.constant 0 : i32
    %dma_wait3A_677 = arith.constant 0 : i32
    %dma_wait3A_678 = arith.constant 3 : i32
    %dma_wait3A_679 = tpu.memref_slice %arg15[%dma_wait3A_677, %dma_wait3A_678] : memref<2x4x!tpu.dma_semaphore, #tpu.memory_space<semaphore_mem>> -> memref<1x1x!tpu.dma_semaphore, #tpu.memory_space<semaphore_mem>>
    %dma_wait3A_680 = tpu.memref_squeeze %dma_wait3A_679 : memref<1x1x!tpu.dma_semaphore, #tpu.memory_space<semaphore_mem>> -> memref<!tpu.dma_semaphore, #tpu.memory_space<semaphore_mem>>
    %dma_wait3A_681 = arith.constant 0 : i32
    %dma_wait3A_682 = arith.constant 0 : i32
    %dma_wait3A_683 = arith.constant 0 : i32
    %dma_wait3A_684 = tpu.memref_slice %arg13[%dma_wait3A_676, %dma_wait3A_681, %dma_wait3A_682, %dma_wait3A_683] : memref<2x60x8x512xf32, #tpu.memory_space<vmem>> -> memref<1x60x8x512xf32, #tpu.memory_space<vmem>>
    %dma_wait3A_685 = tpu.memref_squeeze %dma_wait3A_684 : memref<1x60x8x512xf32, #tpu.memory_space<vmem>> -> memref<60x8x512xf32, #tpu.memory_space<vmem>>
    %dma_wait3A_686 = arith.constant 0 : i32
    %dma_wait3A_687 = arith.constant 16 : i32
    %dma_wait3A_688 = arith.constant 0 : i32
    %dma_wait3A_689 = tpu.memref_slice %arg4[%dma_wait3A_686, %dma_wait3A_687, %dma_wait3A_688] : memref<60x256x512xf32, #tpu.memory_space<any>> -> memref<60x8x512xf32, #tpu.memory_space<any>>
    tpu.wait_dma2 semaphore(%dma_wait3A_680 : memref<!tpu.dma_semaphore, #tpu.memory_space<semaphore_mem>>) src(%dma_wait3A_689 : memref<60x8x512xf32, #tpu.memory_space<any>>) dst(%dma_wait3A_685 : memref<60x8x512xf32, #tpu.memory_space<vmem>>)
    %get3A_690 = arith.constant 0 : index
    %get3A_691 = arith.constant 0 : index
    %get3A_692 = arith.constant 0 : index
    %get3A_693 = arith.constant 0 : index
    %get3A_694 = vector.load %arg10[%get3A_690, %get3A_691, %get3A_692, %get3A_693] : memref<2x35x8x512xf32, #tpu.memory_space<vmem>>, vector<1x35x8x512xf32>
    %get3A_695 = vector.shape_cast %get3A_694 : vector<1x35x8x512xf32> to vector<35x8x512xf32>
    %reshape3A_696 = vector.shape_cast %get3A_695 : vector<35x8x512xf32> to vector<280x512xf32>
    %dot_general3A_697 = arith.constant dense<0.000000e+00> : vector<280x512xf32>
    %dot_general3A_698 = tpu.matmul %reshape3A_696, %get3A_1, %dot_general3A_697 {dimension_numbers = #tpu.dot_dimension_numbers<[1], [1], [0], [0], [0, 0, 1, 0], [], []>, transpose_lhs_hint = false} : vector<280x512xf32>, vector<512x512xf32>, vector<280x512xf32> -> vector<280x512xf32>
    %add3A_699 = vector.broadcast %get3A_4 : vector<1x512xf32> to vector<280x512xf32>
    %add3A_700 = arith.addf %dot_general3A_698, %add3A_699 : vector<280x512xf32>
    %mul3A_701 = arith.mulf %add3A_700, %add3A_700 : vector<280x512xf32>
    %reduce_sum3A_702 = arith.constant dense<0.000000e+00> : vector<280xf32>
    %reduce_sum3A_703 = vector.multi_reduction <add>, %mul3A_701, %reduce_sum3A_702 [1] : vector<280x512xf32> to vector<280xf32>
    %broadcast_in_dim3A_704 = vector.shape_cast %reduce_sum3A_703 : vector<280xf32> to vector<280x1xf32>
    %sqrt3A_705 = math.sqrt %broadcast_in_dim3A_704 : vector<280x1xf32>
    %add3A_706 = arith.constant 9.99999993E-9 : f32
    %add3A_707 = vector.broadcast %add3A_706 : f32 to vector<280x1xf32>
    %add3A_708 = arith.addf %sqrt3A_705, %add3A_707 : vector<280x1xf32>
    %div3A_709 = arith.constant 1.000000e+00 : f32
    %div3A_710 = vector.broadcast %div3A_709 : f32 to vector<280x1xf32>
    %div3A_711 = arith.divf %div3A_710, %add3A_708 : vector<280x1xf32>
    %mul3A_712 = vector.broadcast %div3A_711 : vector<280x1xf32> to vector<280x512xf32>
    %mul3A_713 = arith.mulf %add3A_700, %mul3A_712 : vector<280x512xf32>
    %reshape3A_714 = vector.shape_cast %mul3A_713 : vector<280x512xf32> to vector<35x8x512xf32>
    %get3A_715 = arith.constant 0 : index
    %get3A_716 = arith.constant 0 : index
    %get3A_717 = arith.constant 0 : index
    %get3A_718 = arith.constant 0 : index
    %get3A_719 = vector.load %arg12[%get3A_715, %get3A_716, %get3A_717, %get3A_718] : memref<2x60x8x512xf32, #tpu.memory_space<vmem>>, vector<1x60x8x512xf32>
    %get3A_720 = vector.shape_cast %get3A_719 : vector<1x60x8x512xf32> to vector<60x8x512xf32>
    %reshape3A_721 = vector.shape_cast %get3A_720 : vector<60x8x512xf32> to vector<480x512xf32>
    %mul3A_722 = arith.mulf %reshape3A_721, %reshape3A_721 : vector<480x512xf32>
    %reduce_sum3A_723 = arith.constant dense<0.000000e+00> : vector<480xf32>
    %reduce_sum3A_724 = vector.multi_reduction <add>, %mul3A_722, %reduce_sum3A_723 [1] : vector<480x512xf32> to vector<480xf32>
    %broadcast_in_dim3A_725 = vector.shape_cast %reduce_sum3A_724 : vector<480xf32> to vector<480x1xf32>
    %sqrt3A_726 = math.sqrt %broadcast_in_dim3A_725 : vector<480x1xf32>
    %add3A_727 = arith.constant 9.99999993E-9 : f32
    %add3A_728 = vector.broadcast %add3A_727 : f32 to vector<480x1xf32>
    %add3A_729 = arith.addf %sqrt3A_726, %add3A_728 : vector<480x1xf32>
    %div3A_730 = arith.constant 1.000000e+00 : f32
    %div3A_731 = vector.broadcast %div3A_730 : f32 to vector<480x1xf32>
    %div3A_732 = arith.divf %div3A_731, %add3A_729 : vector<480x1xf32>
    %mul3A_733 = vector.broadcast %div3A_732 : vector<480x1xf32> to vector<480x512xf32>
    %mul3A_734 = arith.mulf %reshape3A_721, %mul3A_733 : vector<480x512xf32>
    %reshape3A_735 = vector.shape_cast %mul3A_734 : vector<480x512xf32> to vector<60x8x512xf32>
    %transpose3A_736 = tpu.transpose %reshape3A_714, [1, 0, 2] : vector<35x8x512xf32> -> vector<8x35x512xf32>
    %transpose3A_737 = tpu.transpose %reshape3A_735, [1, 0, 2] : vector<60x8x512xf32> -> vector<8x60x512xf32>
    %dot_general3A_738 = arith.constant dense<0.000000e+00> : vector<8x60x35xf32>
    %dot_general3A_739 = tpu.matmul %transpose3A_737, %transpose3A_736, %dot_general3A_738 {dimension_numbers = #tpu.dot_dimension_numbers<[2], [2], [1], [1], [0, 0, 0, 1, 1, 1], [0], [0]>, transpose_lhs_hint = false} : vector<8x60x512xf32>, vector<8x35x512xf32>, vector<8x60x35xf32> -> vector<8x60x35xf32>
    %reduce_max3A_740 = arith.constant dense<0xFF800000> : vector<8x35xf32>
    %reduce_max3A_741 = vector.multi_reduction <maximumf>, %dot_general3A_739, %reduce_max3A_740 [1] : vector<8x60x35xf32> to vector<8x35xf32>
    %broadcast_in_dim3A_742 = vector.shape_cast %reduce_max3A_741 : vector<8x35xf32> to vector<8x1x35xf32>
    %sub3A_743 = vector.broadcast %broadcast_in_dim3A_742 : vector<8x1x35xf32> to vector<8x60x35xf32>
    %sub3A_744 = arith.subf %dot_general3A_739, %sub3A_743 : vector<8x60x35xf32>
    %exp3A_745 = math.exp %sub3A_744 : vector<8x60x35xf32>
    %reduce_sum3A_746 = arith.constant dense<0.000000e+00> : vector<8x35xf32>
    %reduce_sum3A_747 = vector.multi_reduction <add>, %exp3A_745, %reduce_sum3A_746 [1] : vector<8x60x35xf32> to vector<8x35xf32>
    %broadcast_in_dim3A_748 = vector.shape_cast %reduce_sum3A_747 : vector<8x35xf32> to vector<8x1x35xf32>
    %div3A_749 = arith.constant 1.000000e+00 : f32
    %div3A_750 = vector.broadcast %div3A_749 : f32 to vector<8x1x35xf32>
    %div3A_751 = arith.divf %div3A_750, %broadcast_in_dim3A_748 : vector<8x1x35xf32>
    %mul3A_752 = vector.broadcast %div3A_751 : vector<8x1x35xf32> to vector<8x60x35xf32>
    %mul3A_753 = arith.mulf %exp3A_745, %mul3A_752 : vector<8x60x35xf32>
    %get3A_754 = arith.constant 0 : index
    %get3A_755 = arith.constant 0 : index
    %get3A_756 = arith.constant 0 : index
    %get3A_757 = arith.constant 16 : index
    %get3A_758 = vector.load %arg14[%get3A_754, %get3A_755, %get3A_756, %get3A_757] : memref<60x35x2x256xf32, #tpu.memory_space<vmem>>, vector<60x35x1x8xf32>
    %get3A_759 = vector.shape_cast %get3A_758 : vector<60x35x1x8xf32> to vector<60x35x8xf32>
    %transpose3A_760 = tpu.transpose %get3A_759, [2, 0, 1] : vector<60x35x8xf32> -> vector<8x60x35xf32>
    %mul3A_761 = arith.mulf %mul3A_753, %transpose3A_760 : vector<8x60x35xf32>
    %reduce_sum3A_762 = arith.constant dense<0.000000e+00> : vector<8x35xf32>
    %reduce_sum3A_763 = vector.multi_reduction <add>, %mul3A_761, %reduce_sum3A_762 [1] : vector<8x60x35xf32> to vector<8x35xf32>
    %swap3A_764 = arith.constant 16 : index
    %swap3A_765 = arith.constant 0 : index
    %swap3A_766 = vector.load %arg8[%swap3A_764, %swap3A_765] : memref<40x35xf32, #tpu.memory_space<vmem>>, vector<8x35xf32>
    tpu.vector_store %arg8[%swap3A_764, %swap3A_765], %reduce_sum3A_763 {strides = array<i32>} : memref<40x35xf32, #tpu.memory_space<vmem>>, vector<8x35xf32>,
    %get3A_767 = arith.constant 0 : index
    %get3A_768 = arith.constant 0 : index
    %get3A_769 = arith.constant 0 : index
    %get3A_770 = arith.constant 0 : index
    %get3A_771 = vector.load %arg11[%get3A_767, %get3A_768, %get3A_769, %get3A_770] : memref<2x35x8x512xf32, #tpu.memory_space<vmem>>, vector<1x35x8x512xf32>
    %get3A_772 = vector.shape_cast %get3A_771 : vector<1x35x8x512xf32> to vector<35x8x512xf32>
    %reshape3A_773 = vector.shape_cast %get3A_772 : vector<35x8x512xf32> to vector<280x512xf32>
    %dot_general3A_774 = arith.constant dense<0.000000e+00> : vector<280x512xf32>
    %dot_general3A_775 = tpu.matmul %reshape3A_773, %get3A_1, %dot_general3A_774 {dimension_numbers = #tpu.dot_dimension_numbers<[1], [1], [0], [0], [0, 0, 1, 0], [], []>, transpose_lhs_hint = false} : vector<280x512xf32>, vector<512x512xf32>, vector<280x512xf32> -> vector<280x512xf32>
    %add3A_776 = vector.broadcast %get3A_4 : vector<1x512xf32> to vector<280x512xf32>
    %add3A_777 = arith.addf %dot_general3A_775, %add3A_776 : vector<280x512xf32>
    %mul3A_778 = arith.mulf %add3A_777, %add3A_777 : vector<280x512xf32>
    %reduce_sum3A_779 = arith.constant dense<0.000000e+00> : vector<280xf32>
    %reduce_sum3A_780 = vector.multi_reduction <add>, %mul3A_778, %reduce_sum3A_779 [1] : vector<280x512xf32> to vector<280xf32>
    %broadcast_in_dim3A_781 = vector.shape_cast %reduce_sum3A_780 : vector<280xf32> to vector<280x1xf32>
    %sqrt3A_782 = math.sqrt %broadcast_in_dim3A_781 : vector<280x1xf32>
    %add3A_783 = arith.constant 9.99999993E-9 : f32
    %add3A_784 = vector.broadcast %add3A_783 : f32 to vector<280x1xf32>
    %add3A_785 = arith.addf %sqrt3A_782, %add3A_784 : vector<280x1xf32>
    %div3A_786 = arith.constant 1.000000e+00 : f32
    %div3A_787 = vector.broadcast %div3A_786 : f32 to vector<280x1xf32>
    %div3A_788 = arith.divf %div3A_787, %add3A_785 : vector<280x1xf32>
    %mul3A_789 = vector.broadcast %div3A_788 : vector<280x1xf32> to vector<280x512xf32>
    %mul3A_790 = arith.mulf %add3A_777, %mul3A_789 : vector<280x512xf32>
    %reshape3A_791 = vector.shape_cast %mul3A_790 : vector<280x512xf32> to vector<35x8x512xf32>
    %get3A_792 = arith.constant 0 : index
    %get3A_793 = arith.constant 0 : index
    %get3A_794 = arith.constant 0 : index
    %get3A_795 = arith.constant 0 : index
    %get3A_796 = vector.load %arg13[%get3A_792, %get3A_793, %get3A_794, %get3A_795] : memref<2x60x8x512xf32, #tpu.memory_space<vmem>>, vector<1x60x8x512xf32>
    %get3A_797 = vector.shape_cast %get3A_796 : vector<1x60x8x512xf32> to vector<60x8x512xf32>
    %reshape3A_798 = vector.shape_cast %get3A_797 : vector<60x8x512xf32> to vector<480x512xf32>
    %mul3A_799 = arith.mulf %reshape3A_798, %reshape3A_798 : vector<480x512xf32>
    %reduce_sum3A_800 = arith.constant dense<0.000000e+00> : vector<480xf32>
    %reduce_sum3A_801 = vector.multi_reduction <add>, %mul3A_799, %reduce_sum3A_800 [1] : vector<480x512xf32> to vector<480xf32>
    %broadcast_in_dim3A_802 = vector.shape_cast %reduce_sum3A_801 : vector<480xf32> to vector<480x1xf32>
    %sqrt3A_803 = math.sqrt %broadcast_in_dim3A_802 : vector<480x1xf32>
    %add3A_804 = arith.constant 9.99999993E-9 : f32
    %add3A_805 = vector.broadcast %add3A_804 : f32 to vector<480x1xf32>
    %add3A_806 = arith.addf %sqrt3A_803, %add3A_805 : vector<480x1xf32>
    %div3A_807 = arith.constant 1.000000e+00 : f32
    %div3A_808 = vector.broadcast %div3A_807 : f32 to vector<480x1xf32>
    %div3A_809 = arith.divf %div3A_808, %add3A_806 : vector<480x1xf32>
    %mul3A_810 = vector.broadcast %div3A_809 : vector<480x1xf32> to vector<480x512xf32>
    %mul3A_811 = arith.mulf %reshape3A_798, %mul3A_810 : vector<480x512xf32>
    %reshape3A_812 = vector.shape_cast %mul3A_811 : vector<480x512xf32> to vector<60x8x512xf32>
    %transpose3A_813 = tpu.transpose %reshape3A_791, [1, 0, 2] : vector<35x8x512xf32> -> vector<8x35x512xf32>
    %transpose3A_814 = tpu.transpose %reshape3A_812, [1, 0, 2] : vector<60x8x512xf32> -> vector<8x60x512xf32>
    %dot_general3A_815 = arith.constant dense<0.000000e+00> : vector<8x60x35xf32>
    %dot_general3A_816 = tpu.matmul %transpose3A_814, %transpose3A_813, %dot_general3A_815 {dimension_numbers = #tpu.dot_dimension_numbers<[2], [2], [1], [1], [0, 0, 0, 1, 1, 1], [0], [0]>, transpose_lhs_hint = false} : vector<8x60x512xf32>, vector<8x35x512xf32>, vector<8x60x35xf32> -> vector<8x60x35xf32>
    %reduce_max3A_817 = arith.constant dense<0xFF800000> : vector<8x35xf32>
    %reduce_max3A_818 = vector.multi_reduction <maximumf>, %dot_general3A_816, %reduce_max3A_817 [1] : vector<8x60x35xf32> to vector<8x35xf32>
    %broadcast_in_dim3A_819 = vector.shape_cast %reduce_max3A_818 : vector<8x35xf32> to vector<8x1x35xf32>
    %sub3A_820 = vector.broadcast %broadcast_in_dim3A_819 : vector<8x1x35xf32> to vector<8x60x35xf32>
    %sub3A_821 = arith.subf %dot_general3A_816, %sub3A_820 : vector<8x60x35xf32>
    %exp3A_822 = math.exp %sub3A_821 : vector<8x60x35xf32>
    %reduce_sum3A_823 = arith.constant dense<0.000000e+00> : vector<8x35xf32>
    %reduce_sum3A_824 = vector.multi_reduction <add>, %exp3A_822, %reduce_sum3A_823 [1] : vector<8x60x35xf32> to vector<8x35xf32>
    %broadcast_in_dim3A_825 = vector.shape_cast %reduce_sum3A_824 : vector<8x35xf32> to vector<8x1x35xf32>
    %div3A_826 = arith.constant 1.000000e+00 : f32
    %div3A_827 = vector.broadcast %div3A_826 : f32 to vector<8x1x35xf32>
    %div3A_828 = arith.divf %div3A_827, %broadcast_in_dim3A_825 : vector<8x1x35xf32>
    %mul3A_829 = vector.broadcast %div3A_828 : vector<8x1x35xf32> to vector<8x60x35xf32>
    %mul3A_830 = arith.mulf %exp3A_822, %mul3A_829 : vector<8x60x35xf32>
    %get3A_831 = arith.constant 0 : index
    %get3A_832 = arith.constant 0 : index
    %get3A_833 = arith.constant 1 : index
    %get3A_834 = arith.constant 16 : index
    %get3A_835 = vector.load %arg14[%get3A_831, %get3A_832, %get3A_833, %get3A_834] : memref<60x35x2x256xf32, #tpu.memory_space<vmem>>, vector<60x35x1x8xf32>
    %get3A_836 = vector.shape_cast %get3A_835 : vector<60x35x1x8xf32> to vector<60x35x8xf32>
    %transpose3A_837 = tpu.transpose %get3A_836, [2, 0, 1] : vector<60x35x8xf32> -> vector<8x60x35xf32>
    %mul3A_838 = arith.mulf %mul3A_830, %transpose3A_837 : vector<8x60x35xf32>
    %reduce_sum3A_839 = arith.constant dense<0.000000e+00> : vector<8x35xf32>
    %reduce_sum3A_840 = vector.multi_reduction <add>, %mul3A_838, %reduce_sum3A_839 [1] : vector<8x60x35xf32> to vector<8x35xf32>
    %swap3A_841 = arith.constant 16 : index
    %swap3A_842 = arith.constant 0 : index
    %swap3A_843 = vector.load %arg9[%swap3A_841, %swap3A_842] : memref<40x35xf32, #tpu.memory_space<vmem>>, vector<8x35xf32>
    tpu.vector_store %arg9[%swap3A_841, %swap3A_842], %reduce_sum3A_840 {strides = array<i32>} : memref<40x35xf32, #tpu.memory_space<vmem>>, vector<8x35xf32>,
    %dma_start3A_844 = arith.constant 0 : i32
    %dma_start3A_845 = arith.constant 0 : i32
    %dma_start3A_846 = arith.constant 0 : i32
    %dma_start3A_847 = tpu.memref_slice %arg15[%dma_start3A_845, %dma_start3A_846] : memref<2x4x!tpu.dma_semaphore, #tpu.memory_space<semaphore_mem>> -> memref<1x1x!tpu.dma_semaphore, #tpu.memory_space<semaphore_mem>>
    %dma_start3A_848 = tpu.memref_squeeze %dma_start3A_847 : memref<1x1x!tpu.dma_semaphore, #tpu.memory_space<semaphore_mem>> -> memref<!tpu.dma_semaphore, #tpu.memory_space<semaphore_mem>>
    %dma_start3A_849 = arith.constant 0 : i32
    %dma_start3A_850 = arith.constant 0 : i32
    %dma_start3A_851 = arith.constant 0 : i32
    %dma_start3A_852 = tpu.memref_slice %arg10[%dma_start3A_844, %dma_start3A_849, %dma_start3A_850, %dma_start3A_851] : memref<2x35x8x512xf32, #tpu.memory_space<vmem>> -> memref<1x35x8x512xf32, #tpu.memory_space<vmem>>
    %dma_start3A_853 = tpu.memref_squeeze %dma_start3A_852 : memref<1x35x8x512xf32, #tpu.memory_space<vmem>> -> memref<35x8x512xf32, #tpu.memory_space<vmem>>
    %dma_start3A_854 = arith.constant 0 : i32
    %dma_start3A_855 = arith.constant 32 : i32
    %dma_start3A_856 = arith.constant 0 : i32
    %dma_start3A_857 = tpu.memref_slice %arg1[%dma_start3A_854, %dma_start3A_855, %dma_start3A_856] : memref<35x256x512xf32, #tpu.memory_space<any>> -> memref<35x8x512xf32, #tpu.memory_space<any>>
    tpu.enqueue_dma source(%dma_start3A_857 : memref<35x8x512xf32, #tpu.memory_space<any>>) target(%dma_start3A_853 : memref<35x8x512xf32, #tpu.memory_space<vmem>>) target_semaphore(%dma_start3A_848 : memref<!tpu.dma_semaphore, #tpu.memory_space<semaphore_mem>>)
    %dma_start3A_858 = arith.constant 0 : i32
    %dma_start3A_859 = arith.constant 0 : i32
    %dma_start3A_860 = arith.constant 1 : i32
    %dma_start3A_861 = tpu.memref_slice %arg15[%dma_start3A_859, %dma_start3A_860] : memref<2x4x!tpu.dma_semaphore, #tpu.memory_space<semaphore_mem>> -> memref<1x1x!tpu.dma_semaphore, #tpu.memory_space<semaphore_mem>>
    %dma_start3A_862 = tpu.memref_squeeze %dma_start3A_861 : memref<1x1x!tpu.dma_semaphore, #tpu.memory_space<semaphore_mem>> -> memref<!tpu.dma_semaphore, #tpu.memory_space<semaphore_mem>>
    %dma_start3A_863 = arith.constant 0 : i32
    %dma_start3A_864 = arith.constant 0 : i32
    %dma_start3A_865 = arith.constant 0 : i32
    %dma_start3A_866 = tpu.memref_slice %arg11[%dma_start3A_858, %dma_start3A_863, %dma_start3A_864, %dma_start3A_865] : memref<2x35x8x512xf32, #tpu.memory_space<vmem>> -> memref<1x35x8x512xf32, #tpu.memory_space<vmem>>
    %dma_start3A_867 = tpu.memref_squeeze %dma_start3A_866 : memref<1x35x8x512xf32, #tpu.memory_space<vmem>> -> memref<35x8x512xf32, #tpu.memory_space<vmem>>
    %dma_start3A_868 = arith.constant 0 : i32
    %dma_start3A_869 = arith.constant 32 : i32
    %dma_start3A_870 = arith.constant 0 : i32
    %dma_start3A_871 = tpu.memref_slice %arg2[%dma_start3A_868, %dma_start3A_869, %dma_start3A_870] : memref<35x256x512xf32, #tpu.memory_space<any>> -> memref<35x8x512xf32, #tpu.memory_space<any>>
    tpu.enqueue_dma source(%dma_start3A_871 : memref<35x8x512xf32, #tpu.memory_space<any>>) target(%dma_start3A_867 : memref<35x8x512xf32, #tpu.memory_space<vmem>>) target_semaphore(%dma_start3A_862 : memref<!tpu.dma_semaphore, #tpu.memory_space<semaphore_mem>>)
    %dma_start3A_872 = arith.constant 0 : i32
    %dma_start3A_873 = arith.constant 0 : i32
    %dma_start3A_874 = arith.constant 2 : i32
    %dma_start3A_875 = tpu.memref_slice %arg15[%dma_start3A_873, %dma_start3A_874] : memref<2x4x!tpu.dma_semaphore, #tpu.memory_space<semaphore_mem>> -> memref<1x1x!tpu.dma_semaphore, #tpu.memory_space<semaphore_mem>>
    %dma_start3A_876 = tpu.memref_squeeze %dma_start3A_875 : memref<1x1x!tpu.dma_semaphore, #tpu.memory_space<semaphore_mem>> -> memref<!tpu.dma_semaphore, #tpu.memory_space<semaphore_mem>>
    %dma_start3A_877 = arith.constant 0 : i32
    %dma_start3A_878 = arith.constant 0 : i32
    %dma_start3A_879 = arith.constant 0 : i32
    %dma_start3A_880 = tpu.memref_slice %arg12[%dma_start3A_872, %dma_start3A_877, %dma_start3A_878, %dma_start3A_879] : memref<2x60x8x512xf32, #tpu.memory_space<vmem>> -> memref<1x60x8x512xf32, #tpu.memory_space<vmem>>
    %dma_start3A_881 = tpu.memref_squeeze %dma_start3A_880 : memref<1x60x8x512xf32, #tpu.memory_space<vmem>> -> memref<60x8x512xf32, #tpu.memory_space<vmem>>
    %dma_start3A_882 = arith.constant 0 : i32
    %dma_start3A_883 = arith.constant 32 : i32
    %dma_start3A_884 = arith.constant 0 : i32
    %dma_start3A_885 = tpu.memref_slice %arg3[%dma_start3A_882, %dma_start3A_883, %dma_start3A_884] : memref<60x256x512xf32, #tpu.memory_space<any>> -> memref<60x8x512xf32, #tpu.memory_space<any>>
    tpu.enqueue_dma source(%dma_start3A_885 : memref<60x8x512xf32, #tpu.memory_space<any>>) target(%dma_start3A_881 : memref<60x8x512xf32, #tpu.memory_space<vmem>>) target_semaphore(%dma_start3A_876 : memref<!tpu.dma_semaphore, #tpu.memory_space<semaphore_mem>>)
    %dma_start3A_886 = arith.constant 0 : i32
    %dma_start3A_887 = arith.constant 0 : i32
    %dma_start3A_888 = arith.constant 3 : i32
    %dma_start3A_889 = tpu.memref_slice %arg15[%dma_start3A_887, %dma_start3A_888] : memref<2x4x!tpu.dma_semaphore, #tpu.memory_space<semaphore_mem>> -> memref<1x1x!tpu.dma_semaphore, #tpu.memory_space<semaphore_mem>>
    %dma_start3A_890 = tpu.memref_squeeze %dma_start3A_889 : memref<1x1x!tpu.dma_semaphore, #tpu.memory_space<semaphore_mem>> -> memref<!tpu.dma_semaphore, #tpu.memory_space<semaphore_mem>>
    %dma_start3A_891 = arith.constant 0 : i32
    %dma_start3A_892 = arith.constant 0 : i32
    %dma_start3A_893 = arith.constant 0 : i32
    %dma_start3A_894 = tpu.memref_slice %arg13[%dma_start3A_886, %dma_start3A_891, %dma_start3A_892, %dma_start3A_893] : memref<2x60x8x512xf32, #tpu.memory_space<vmem>> -> memref<1x60x8x512xf32, #tpu.memory_space<vmem>>
    %dma_start3A_895 = tpu.memref_squeeze %dma_start3A_894 : memref<1x60x8x512xf32, #tpu.memory_space<vmem>> -> memref<60x8x512xf32, #tpu.memory_space<vmem>>
    %dma_start3A_896 = arith.constant 0 : i32
    %dma_start3A_897 = arith.constant 32 : i32
    %dma_start3A_898 = arith.constant 0 : i32
    %dma_start3A_899 = tpu.memref_slice %arg4[%dma_start3A_896, %dma_start3A_897, %dma_start3A_898] : memref<60x256x512xf32, #tpu.memory_space<any>> -> memref<60x8x512xf32, #tpu.memory_space<any>>
    tpu.enqueue_dma source(%dma_start3A_899 : memref<60x8x512xf32, #tpu.memory_space<any>>) target(%dma_start3A_895 : memref<60x8x512xf32, #tpu.memory_space<vmem>>) target_semaphore(%dma_start3A_890 : memref<!tpu.dma_semaphore, #tpu.memory_space<semaphore_mem>>)
    %dma_wait3A_900 = arith.constant 1 : i32
    %dma_wait3A_901 = arith.constant 1 : i32
    %dma_wait3A_902 = arith.constant 0 : i32
    %dma_wait3A_903 = tpu.memref_slice %arg15[%dma_wait3A_901, %dma_wait3A_902] : memref<2x4x!tpu.dma_semaphore, #tpu.memory_space<semaphore_mem>> -> memref<1x1x!tpu.dma_semaphore, #tpu.memory_space<semaphore_mem>>
    %dma_wait3A_904 = tpu.memref_squeeze %dma_wait3A_903 : memref<1x1x!tpu.dma_semaphore, #tpu.memory_space<semaphore_mem>> -> memref<!tpu.dma_semaphore, #tpu.memory_space<semaphore_mem>>
    %dma_wait3A_905 = arith.constant 0 : i32
    %dma_wait3A_906 = arith.constant 0 : i32
    %dma_wait3A_907 = arith.constant 0 : i32
    %dma_wait3A_908 = tpu.memref_slice %arg10[%dma_wait3A_900, %dma_wait3A_905, %dma_wait3A_906, %dma_wait3A_907] : memref<2x35x8x512xf32, #tpu.memory_space<vmem>> -> memref<1x35x8x512xf32, #tpu.memory_space<vmem>>
    %dma_wait3A_909 = tpu.memref_squeeze %dma_wait3A_908 : memref<1x35x8x512xf32, #tpu.memory_space<vmem>> -> memref<35x8x512xf32, #tpu.memory_space<vmem>>
    %dma_wait3A_910 = arith.constant 0 : i32
    %dma_wait3A_911 = arith.constant 24 : i32
    %dma_wait3A_912 = arith.constant 0 : i32
    %dma_wait3A_913 = tpu.memref_slice %arg1[%dma_wait3A_910, %dma_wait3A_911, %dma_wait3A_912] : memref<35x256x512xf32, #tpu.memory_space<any>> -> memref<35x8x512xf32, #tpu.memory_space<any>>
    tpu.wait_dma2 semaphore(%dma_wait3A_904 : memref<!tpu.dma_semaphore, #tpu.memory_space<semaphore_mem>>) src(%dma_wait3A_913 : memref<35x8x512xf32, #tpu.memory_space<any>>) dst(%dma_wait3A_909 : memref<35x8x512xf32, #tpu.memory_space<vmem>>)
    %dma_wait3A_914 = arith.constant 1 : i32
    %dma_wait3A_915 = arith.constant 1 : i32
    %dma_wait3A_916 = arith.constant 1 : i32
    %dma_wait3A_917 = tpu.memref_slice %arg15[%dma_wait3A_915, %dma_wait3A_916] : memref<2x4x!tpu.dma_semaphore, #tpu.memory_space<semaphore_mem>> -> memref<1x1x!tpu.dma_semaphore, #tpu.memory_space<semaphore_mem>>
    %dma_wait3A_918 = tpu.memref_squeeze %dma_wait3A_917 : memref<1x1x!tpu.dma_semaphore, #tpu.memory_space<semaphore_mem>> -> memref<!tpu.dma_semaphore, #tpu.memory_space<semaphore_mem>>
    %dma_wait3A_919 = arith.constant 0 : i32
    %dma_wait3A_920 = arith.constant 0 : i32
    %dma_wait3A_921 = arith.constant 0 : i32
    %dma_wait3A_922 = tpu.memref_slice %arg11[%dma_wait3A_914, %dma_wait3A_919, %dma_wait3A_920, %dma_wait3A_921] : memref<2x35x8x512xf32, #tpu.memory_space<vmem>> -> memref<1x35x8x512xf32, #tpu.memory_space<vmem>>
    %dma_wait3A_923 = tpu.memref_squeeze %dma_wait3A_922 : memref<1x35x8x512xf32, #tpu.memory_space<vmem>> -> memref<35x8x512xf32, #tpu.memory_space<vmem>>
    %dma_wait3A_924 = arith.constant 0 : i32
    %dma_wait3A_925 = arith.constant 24 : i32
    %dma_wait3A_926 = arith.constant 0 : i32
    %dma_wait3A_927 = tpu.memref_slice %arg2[%dma_wait3A_924, %dma_wait3A_925, %dma_wait3A_926] : memref<35x256x512xf32, #tpu.memory_space<any>> -> memref<35x8x512xf32, #tpu.memory_space<any>>
    tpu.wait_dma2 semaphore(%dma_wait3A_918 : memref<!tpu.dma_semaphore, #tpu.memory_space<semaphore_mem>>) src(%dma_wait3A_927 : memref<35x8x512xf32, #tpu.memory_space<any>>) dst(%dma_wait3A_923 : memref<35x8x512xf32, #tpu.memory_space<vmem>>)
    %dma_wait3A_928 = arith.constant 1 : i32
    %dma_wait3A_929 = arith.constant 1 : i32
    %dma_wait3A_930 = arith.constant 2 : i32
    %dma_wait3A_931 = tpu.memref_slice %arg15[%dma_wait3A_929, %dma_wait3A_930] : memref<2x4x!tpu.dma_semaphore, #tpu.memory_space<semaphore_mem>> -> memref<1x1x!tpu.dma_semaphore, #tpu.memory_space<semaphore_mem>>
    %dma_wait3A_932 = tpu.memref_squeeze %dma_wait3A_931 : memref<1x1x!tpu.dma_semaphore, #tpu.memory_space<semaphore_mem>> -> memref<!tpu.dma_semaphore, #tpu.memory_space<semaphore_mem>>
    %dma_wait3A_933 = arith.constant 0 : i32
    %dma_wait3A_934 = arith.constant 0 : i32
    %dma_wait3A_935 = arith.constant 0 : i32
    %dma_wait3A_936 = tpu.memref_slice %arg12[%dma_wait3A_928, %dma_wait3A_933, %dma_wait3A_934, %dma_wait3A_935] : memref<2x60x8x512xf32, #tpu.memory_space<vmem>> -> memref<1x60x8x512xf32, #tpu.memory_space<vmem>>
    %dma_wait3A_937 = tpu.memref_squeeze %dma_wait3A_936 : memref<1x60x8x512xf32, #tpu.memory_space<vmem>> -> memref<60x8x512xf32, #tpu.memory_space<vmem>>
    %dma_wait3A_938 = arith.constant 0 : i32
    %dma_wait3A_939 = arith.constant 24 : i32
    %dma_wait3A_940 = arith.constant 0 : i32
    %dma_wait3A_941 = tpu.memref_slice %arg3[%dma_wait3A_938, %dma_wait3A_939, %dma_wait3A_940] : memref<60x256x512xf32, #tpu.memory_space<any>> -> memref<60x8x512xf32, #tpu.memory_space<any>>
    tpu.wait_dma2 semaphore(%dma_wait3A_932 : memref<!tpu.dma_semaphore, #tpu.memory_space<semaphore_mem>>) src(%dma_wait3A_941 : memref<60x8x512xf32, #tpu.memory_space<any>>) dst(%dma_wait3A_937 : memref<60x8x512xf32, #tpu.memory_space<vmem>>)
    %dma_wait3A_942 = arith.constant 1 : i32
    %dma_wait3A_943 = arith.constant 1 : i32
    %dma_wait3A_944 = arith.constant 3 : i32
    %dma_wait3A_945 = tpu.memref_slice %arg15[%dma_wait3A_943, %dma_wait3A_944] : memref<2x4x!tpu.dma_semaphore, #tpu.memory_space<semaphore_mem>> -> memref<1x1x!tpu.dma_semaphore, #tpu.memory_space<semaphore_mem>>
    %dma_wait3A_946 = tpu.memref_squeeze %dma_wait3A_945 : memref<1x1x!tpu.dma_semaphore, #tpu.memory_space<semaphore_mem>> -> memref<!tpu.dma_semaphore, #tpu.memory_space<semaphore_mem>>
    %dma_wait3A_947 = arith.constant 0 : i32
    %dma_wait3A_948 = arith.constant 0 : i32
    %dma_wait3A_949 = arith.constant 0 : i32
    %dma_wait3A_950 = tpu.memref_slice %arg13[%dma_wait3A_942, %dma_wait3A_947, %dma_wait3A_948, %dma_wait3A_949] : memref<2x60x8x512xf32, #tpu.memory_space<vmem>> -> memref<1x60x8x512xf32, #tpu.memory_space<vmem>>
    %dma_wait3A_951 = tpu.memref_squeeze %dma_wait3A_950 : memref<1x60x8x512xf32, #tpu.memory_space<vmem>> -> memref<60x8x512xf32, #tpu.memory_space<vmem>>
    %dma_wait3A_952 = arith.constant 0 : i32
    %dma_wait3A_953 = arith.constant 24 : i32
    %dma_wait3A_954 = arith.constant 0 : i32
    %dma_wait3A_955 = tpu.memref_slice %arg4[%dma_wait3A_952, %dma_wait3A_953, %dma_wait3A_954] : memref<60x256x512xf32, #tpu.memory_space<any>> -> memref<60x8x512xf32, #tpu.memory_space<any>>
    tpu.wait_dma2 semaphore(%dma_wait3A_946 : memref<!tpu.dma_semaphore, #tpu.memory_space<semaphore_mem>>) src(%dma_wait3A_955 : memref<60x8x512xf32, #tpu.memory_space<any>>) dst(%dma_wait3A_951 : memref<60x8x512xf32, #tpu.memory_space<vmem>>)
    %get3A_956 = arith.constant 1 : index
    %get3A_957 = arith.constant 0 : index
    %get3A_958 = arith.constant 0 : index
    %get3A_959 = arith.constant 0 : index
    %get3A_960 = vector.load %arg10[%get3A_956, %get3A_957, %get3A_958, %get3A_959] : memref<2x35x8x512xf32, #tpu.memory_space<vmem>>, vector<1x35x8x512xf32>
    %get3A_961 = vector.shape_cast %get3A_960 : vector<1x35x8x512xf32> to vector<35x8x512xf32>
    %reshape3A_962 = vector.shape_cast %get3A_961 : vector<35x8x512xf32> to vector<280x512xf32>
    %dot_general3A_963 = arith.constant dense<0.000000e+00> : vector<280x512xf32>
    %dot_general3A_964 = tpu.matmul %reshape3A_962, %get3A_1, %dot_general3A_963 {dimension_numbers = #tpu.dot_dimension_numbers<[1], [1], [0], [0], [0, 0, 1, 0], [], []>, transpose_lhs_hint = false} : vector<280x512xf32>, vector<512x512xf32>, vector<280x512xf32> -> vector<280x512xf32>
    %add3A_965 = vector.broadcast %get3A_4 : vector<1x512xf32> to vector<280x512xf32>
    %add3A_966 = arith.addf %dot_general3A_964, %add3A_965 : vector<280x512xf32>
    %mul3A_967 = arith.mulf %add3A_966, %add3A_966 : vector<280x512xf32>
    %reduce_sum3A_968 = arith.constant dense<0.000000e+00> : vector<280xf32>
    %reduce_sum3A_969 = vector.multi_reduction <add>, %mul3A_967, %reduce_sum3A_968 [1] : vector<280x512xf32> to vector<280xf32>
    %broadcast_in_dim3A_970 = vector.shape_cast %reduce_sum3A_969 : vector<280xf32> to vector<280x1xf32>
    %sqrt3A_971 = math.sqrt %broadcast_in_dim3A_970 : vector<280x1xf32>
    %add3A_972 = arith.constant 9.99999993E-9 : f32
    %add3A_973 = vector.broadcast %add3A_972 : f32 to vector<280x1xf32>
    %add3A_974 = arith.addf %sqrt3A_971, %add3A_973 : vector<280x1xf32>
    %div3A_975 = arith.constant 1.000000e+00 : f32
    %div3A_976 = vector.broadcast %div3A_975 : f32 to vector<280x1xf32>
    %div3A_977 = arith.divf %div3A_976, %add3A_974 : vector<280x1xf32>
    %mul3A_978 = vector.broadcast %div3A_977 : vector<280x1xf32> to vector<280x512xf32>
    %mul3A_979 = arith.mulf %add3A_966, %mul3A_978 : vector<280x512xf32>
    %reshape3A_980 = vector.shape_cast %mul3A_979 : vector<280x512xf32> to vector<35x8x512xf32>
    %get3A_981 = arith.constant 1 : index
    %get3A_982 = arith.constant 0 : index
    %get3A_983 = arith.constant 0 : index
    %get3A_984 = arith.constant 0 : index
    %get3A_985 = vector.load %arg12[%get3A_981, %get3A_982, %get3A_983, %get3A_984] : memref<2x60x8x512xf32, #tpu.memory_space<vmem>>, vector<1x60x8x512xf32>
    %get3A_986 = vector.shape_cast %get3A_985 : vector<1x60x8x512xf32> to vector<60x8x512xf32>
    %reshape3A_987 = vector.shape_cast %get3A_986 : vector<60x8x512xf32> to vector<480x512xf32>
    %mul3A_988 = arith.mulf %reshape3A_987, %reshape3A_987 : vector<480x512xf32>
    %reduce_sum3A_989 = arith.constant dense<0.000000e+00> : vector<480xf32>
    %reduce_sum3A_990 = vector.multi_reduction <add>, %mul3A_988, %reduce_sum3A_989 [1] : vector<480x512xf32> to vector<480xf32>
    %broadcast_in_dim3A_991 = vector.shape_cast %reduce_sum3A_990 : vector<480xf32> to vector<480x1xf32>
    %sqrt3A_992 = math.sqrt %broadcast_in_dim3A_991 : vector<480x1xf32>
    %add3A_993 = arith.constant 9.99999993E-9 : f32
    %add3A_994 = vector.broadcast %add3A_993 : f32 to vector<480x1xf32>
    %add3A_995 = arith.addf %sqrt3A_992, %add3A_994 : vector<480x1xf32>
    %div3A_996 = arith.constant 1.000000e+00 : f32
    %div3A_997 = vector.broadcast %div3A_996 : f32 to vector<480x1xf32>
    %div3A_998 = arith.divf %div3A_997, %add3A_995 : vector<480x1xf32>
    %mul3A_999 = vector.broadcast %div3A_998 : vector<480x1xf32> to vector<480x512xf32>
    %mul3A_1000 = arith.mulf %reshape3A_987, %mul3A_999 : vector<480x512xf32>
    %reshape3A_1001 = vector.shape_cast %mul3A_1000 : vector<480x512xf32> to vector<60x8x512xf32>
    %transpose3A_1002 = tpu.transpose %reshape3A_980, [1, 0, 2] : vector<35x8x512xf32> -> vector<8x35x512xf32>
    %transpose3A_1003 = tpu.transpose %reshape3A_1001, [1, 0, 2] : vector<60x8x512xf32> -> vector<8x60x512xf32>
    %dot_general3A_1004 = arith.constant dense<0.000000e+00> : vector<8x60x35xf32>
    %dot_general3A_1005 = tpu.matmul %transpose3A_1003, %transpose3A_1002, %dot_general3A_1004 {dimension_numbers = #tpu.dot_dimension_numbers<[2], [2], [1], [1], [0, 0, 0, 1, 1, 1], [0], [0]>, transpose_lhs_hint = false} : vector<8x60x512xf32>, vector<8x35x512xf32>, vector<8x60x35xf32> -> vector<8x60x35xf32>
    %reduce_max3A_1006 = arith.constant dense<0xFF800000> : vector<8x35xf32>
    %reduce_max3A_1007 = vector.multi_reduction <maximumf>, %dot_general3A_1005, %reduce_max3A_1006 [1] : vector<8x60x35xf32> to vector<8x35xf32>
    %broadcast_in_dim3A_1008 = vector.shape_cast %reduce_max3A_1007 : vector<8x35xf32> to vector<8x1x35xf32>
    %sub3A_1009 = vector.broadcast %broadcast_in_dim3A_1008 : vector<8x1x35xf32> to vector<8x60x35xf32>
    %sub3A_1010 = arith.subf %dot_general3A_1005, %sub3A_1009 : vector<8x60x35xf32>
    %exp3A_1011 = math.exp %sub3A_1010 : vector<8x60x35xf32>
    %reduce_sum3A_1012 = arith.constant dense<0.000000e+00> : vector<8x35xf32>
    %reduce_sum3A_1013 = vector.multi_reduction <add>, %exp3A_1011, %reduce_sum3A_1012 [1] : vector<8x60x35xf32> to vector<8x35xf32>
    %broadcast_in_dim3A_1014 = vector.shape_cast %reduce_sum3A_1013 : vector<8x35xf32> to vector<8x1x35xf32>
    %div3A_1015 = arith.constant 1.000000e+00 : f32
    %div3A_1016 = vector.broadcast %div3A_1015 : f32 to vector<8x1x35xf32>
    %div3A_1017 = arith.divf %div3A_1016, %broadcast_in_dim3A_1014 : vector<8x1x35xf32>
    %mul3A_1018 = vector.broadcast %div3A_1017 : vector<8x1x35xf32> to vector<8x60x35xf32>
    %mul3A_1019 = arith.mulf %exp3A_1011, %mul3A_1018 : vector<8x60x35xf32>
    %get3A_1020 = arith.constant 0 : index
    %get3A_1021 = arith.constant 0 : index
    %get3A_1022 = arith.constant 0 : index
    %get3A_1023 = arith.constant 24 : index
    %get3A_1024 = vector.load %arg14[%get3A_1020, %get3A_1021, %get3A_1022, %get3A_1023] : memref<60x35x2x256xf32, #tpu.memory_space<vmem>>, vector<60x35x1x8xf32>
    %get3A_1025 = vector.shape_cast %get3A_1024 : vector<60x35x1x8xf32> to vector<60x35x8xf32>
    %transpose3A_1026 = tpu.transpose %get3A_1025, [2, 0, 1] : vector<60x35x8xf32> -> vector<8x60x35xf32>
    %mul3A_1027 = arith.mulf %mul3A_1019, %transpose3A_1026 : vector<8x60x35xf32>
    %reduce_sum3A_1028 = arith.constant dense<0.000000e+00> : vector<8x35xf32>
    %reduce_sum3A_1029 = vector.multi_reduction <add>, %mul3A_1027, %reduce_sum3A_1028 [1] : vector<8x60x35xf32> to vector<8x35xf32>
    %swap3A_1030 = arith.constant 24 : index
    %swap3A_1031 = arith.constant 0 : index
    %swap3A_1032 = vector.load %arg8[%swap3A_1030, %swap3A_1031] : memref<40x35xf32, #tpu.memory_space<vmem>>, vector<8x35xf32>
    tpu.vector_store %arg8[%swap3A_1030, %swap3A_1031], %reduce_sum3A_1029 {strides = array<i32>} : memref<40x35xf32, #tpu.memory_space<vmem>>, vector<8x35xf32>,
    %get3A_1033 = arith.constant 1 : index
    %get3A_1034 = arith.constant 0 : index
    %get3A_1035 = arith.constant 0 : index
    %get3A_1036 = arith.constant 0 : index
    %get3A_1037 = vector.load %arg11[%get3A_1033, %get3A_1034, %get3A_1035, %get3A_1036] : memref<2x35x8x512xf32, #tpu.memory_space<vmem>>, vector<1x35x8x512xf32>
    %get3A_1038 = vector.shape_cast %get3A_1037 : vector<1x35x8x512xf32> to vector<35x8x512xf32>
    %reshape3A_1039 = vector.shape_cast %get3A_1038 : vector<35x8x512xf32> to vector<280x512xf32>
    %dot_general3A_1040 = arith.constant dense<0.000000e+00> : vector<280x512xf32>
    %dot_general3A_1041 = tpu.matmul %reshape3A_1039, %get3A_1, %dot_general3A_1040 {dimension_numbers = #tpu.dot_dimension_numbers<[1], [1], [0], [0], [0, 0, 1, 0], [], []>, transpose_lhs_hint = false} : vector<280x512xf32>, vector<512x512xf32>, vector<280x512xf32> -> vector<280x512xf32>
    %add3A_1042 = vector.broadcast %get3A_4 : vector<1x512xf32> to vector<280x512xf32>
    %add3A_1043 = arith.addf %dot_general3A_1041, %add3A_1042 : vector<280x512xf32>
    %mul3A_1044 = arith.mulf %add3A_1043, %add3A_1043 : vector<280x512xf32>
    %reduce_sum3A_1045 = arith.constant dense<0.000000e+00> : vector<280xf32>
    %reduce_sum3A_1046 = vector.multi_reduction <add>, %mul3A_1044, %reduce_sum3A_1045 [1] : vector<280x512xf32> to vector<280xf32>
    %broadcast_in_dim3A_1047 = vector.shape_cast %reduce_sum3A_1046 : vector<280xf32> to vector<280x1xf32>
    %sqrt3A_1048 = math.sqrt %broadcast_in_dim3A_1047 : vector<280x1xf32>
    %add3A_1049 = arith.constant 9.99999993E-9 : f32
    %add3A_1050 = vector.broadcast %add3A_1049 : f32 to vector<280x1xf32>
    %add3A_1051 = arith.addf %sqrt3A_1048, %add3A_1050 : vector<280x1xf32>
    %div3A_1052 = arith.constant 1.000000e+00 : f32
    %div3A_1053 = vector.broadcast %div3A_1052 : f32 to vector<280x1xf32>
    %div3A_1054 = arith.divf %div3A_1053, %add3A_1051 : vector<280x1xf32>
    %mul3A_1055 = vector.broadcast %div3A_1054 : vector<280x1xf32> to vector<280x512xf32>
    %mul3A_1056 = arith.mulf %add3A_1043, %mul3A_1055 : vector<280x512xf32>
    %reshape3A_1057 = vector.shape_cast %mul3A_1056 : vector<280x512xf32> to vector<35x8x512xf32>
    %get3A_1058 = arith.constant 1 : index
    %get3A_1059 = arith.constant 0 : index
    %get3A_1060 = arith.constant 0 : index
    %get3A_1061 = arith.constant 0 : index
    %get3A_1062 = vector.load %arg13[%get3A_1058, %get3A_1059, %get3A_1060, %get3A_1061] : memref<2x60x8x512xf32, #tpu.memory_space<vmem>>, vector<1x60x8x512xf32>
    %get3A_1063 = vector.shape_cast %get3A_1062 : vector<1x60x8x512xf32> to vector<60x8x512xf32>
    %reshape3A_1064 = vector.shape_cast %get3A_1063 : vector<60x8x512xf32> to vector<480x512xf32>
    %mul3A_1065 = arith.mulf %reshape3A_1064, %reshape3A_1064 : vector<480x512xf32>
    %reduce_sum3A_1066 = arith.constant dense<0.000000e+00> : vector<480xf32>
    %reduce_sum3A_1067 = vector.multi_reduction <add>, %mul3A_1065, %reduce_sum3A_1066 [1] : vector<480x512xf32> to vector<480xf32>
    %broadcast_in_dim3A_1068 = vector.shape_cast %reduce_sum3A_1067 : vector<480xf32> to vector<480x1xf32>
    %sqrt3A_1069 = math.sqrt %broadcast_in_dim3A_1068 : vector<480x1xf32>
    %add3A_1070 = arith.constant 9.99999993E-9 : f32
    %add3A_1071 = vector.broadcast %add3A_1070 : f32 to vector<480x1xf32>
    %add3A_1072 = arith.addf %sqrt3A_1069, %add3A_1071 : vector<480x1xf32>
    %div3A_1073 = arith.constant 1.000000e+00 : f32
    %div3A_1074 = vector.broadcast %div3A_1073 : f32 to vector<480x1xf32>
    %div3A_1075 = arith.divf %div3A_1074, %add3A_1072 : vector<480x1xf32>
    %mul3A_1076 = vector.broadcast %div3A_1075 : vector<480x1xf32> to vector<480x512xf32>
    %mul3A_1077 = arith.mulf %reshape3A_1064, %mul3A_1076 : vector<480x512xf32>
    %reshape3A_1078 = vector.shape_cast %mul3A_1077 : vector<480x512xf32> to vector<60x8x512xf32>
    %transpose3A_1079 = tpu.transpose %reshape3A_1057, [1, 0, 2] : vector<35x8x512xf32> -> vector<8x35x512xf32>
    %transpose3A_1080 = tpu.transpose %reshape3A_1078, [1, 0, 2] : vector<60x8x512xf32> -> vector<8x60x512xf32>
    %dot_general3A_1081 = arith.constant dense<0.000000e+00> : vector<8x60x35xf32>
    %dot_general3A_1082 = tpu.matmul %transpose3A_1080, %transpose3A_1079, %dot_general3A_1081 {dimension_numbers = #tpu.dot_dimension_numbers<[2], [2], [1], [1], [0, 0, 0, 1, 1, 1], [0], [0]>, transpose_lhs_hint = false} : vector<8x60x512xf32>, vector<8x35x512xf32>, vector<8x60x35xf32> -> vector<8x60x35xf32>
    %reduce_max3A_1083 = arith.constant dense<0xFF800000> : vector<8x35xf32>
    %reduce_max3A_1084 = vector.multi_reduction <maximumf>, %dot_general3A_1082, %reduce_max3A_1083 [1] : vector<8x60x35xf32> to vector<8x35xf32>
    %broadcast_in_dim3A_1085 = vector.shape_cast %reduce_max3A_1084 : vector<8x35xf32> to vector<8x1x35xf32>
    %sub3A_1086 = vector.broadcast %broadcast_in_dim3A_1085 : vector<8x1x35xf32> to vector<8x60x35xf32>
    %sub3A_1087 = arith.subf %dot_general3A_1082, %sub3A_1086 : vector<8x60x35xf32>
    %exp3A_1088 = math.exp %sub3A_1087 : vector<8x60x35xf32>
    %reduce_sum3A_1089 = arith.constant dense<0.000000e+00> : vector<8x35xf32>
    %reduce_sum3A_1090 = vector.multi_reduction <add>, %exp3A_1088, %reduce_sum3A_1089 [1] : vector<8x60x35xf32> to vector<8x35xf32>
    %broadcast_in_dim3A_1091 = vector.shape_cast %reduce_sum3A_1090 : vector<8x35xf32> to vector<8x1x35xf32>
    %div3A_1092 = arith.constant 1.000000e+00 : f32
    %div3A_1093 = vector.broadcast %div3A_1092 : f32 to vector<8x1x35xf32>
    %div3A_1094 = arith.divf %div3A_1093, %broadcast_in_dim3A_1091 : vector<8x1x35xf32>
    %mul3A_1095 = vector.broadcast %div3A_1094 : vector<8x1x35xf32> to vector<8x60x35xf32>
    %mul3A_1096 = arith.mulf %exp3A_1088, %mul3A_1095 : vector<8x60x35xf32>
    %get3A_1097 = arith.constant 0 : index
    %get3A_1098 = arith.constant 0 : index
    %get3A_1099 = arith.constant 1 : index
    %get3A_1100 = arith.constant 24 : index
    %get3A_1101 = vector.load %arg14[%get3A_1097, %get3A_1098, %get3A_1099, %get3A_1100] : memref<60x35x2x256xf32, #tpu.memory_space<vmem>>, vector<60x35x1x8xf32>
    %get3A_1102 = vector.shape_cast %get3A_1101 : vector<60x35x1x8xf32> to vector<60x35x8xf32>
    %transpose3A_1103 = tpu.transpose %get3A_1102, [2, 0, 1] : vector<60x35x8xf32> -> vector<8x60x35xf32>
    %mul3A_1104 = arith.mulf %mul3A_1096, %transpose3A_1103 : vector<8x60x35xf32>
    %reduce_sum3A_1105 = arith.constant dense<0.000000e+00> : vector<8x35xf32>
    %reduce_sum3A_1106 = vector.multi_reduction <add>, %mul3A_1104, %reduce_sum3A_1105 [1] : vector<8x60x35xf32> to vector<8x35xf32>
    %swap3A_1107 = arith.constant 24 : index
    %swap3A_1108 = arith.constant 0 : index
    %swap3A_1109 = vector.load %arg9[%swap3A_1107, %swap3A_1108] : memref<40x35xf32, #tpu.memory_space<vmem>>, vector<8x35xf32>
    tpu.vector_store %arg9[%swap3A_1107, %swap3A_1108], %reduce_sum3A_1106 {strides = array<i32>} : memref<40x35xf32, #tpu.memory_space<vmem>>, vector<8x35xf32>,
    %dma_wait3A_1110 = arith.constant 0 : i32
    %dma_wait3A_1111 = arith.constant 0 : i32
    %dma_wait3A_1112 = arith.constant 0 : i32
    %dma_wait3A_1113 = tpu.memref_slice %arg15[%dma_wait3A_1111, %dma_wait3A_1112] : memref<2x4x!tpu.dma_semaphore, #tpu.memory_space<semaphore_mem>> -> memref<1x1x!tpu.dma_semaphore, #tpu.memory_space<semaphore_mem>>
    %dma_wait3A_1114 = tpu.memref_squeeze %dma_wait3A_1113 : memref<1x1x!tpu.dma_semaphore, #tpu.memory_space<semaphore_mem>> -> memref<!tpu.dma_semaphore, #tpu.memory_space<semaphore_mem>>
    %dma_wait3A_1115 = arith.constant 0 : i32
    %dma_wait3A_1116 = arith.constant 0 : i32
    %dma_wait3A_1117 = arith.constant 0 : i32
    %dma_wait3A_1118 = tpu.memref_slice %arg10[%dma_wait3A_1110, %dma_wait3A_1115, %dma_wait3A_1116, %dma_wait3A_1117] : memref<2x35x8x512xf32, #tpu.memory_space<vmem>> -> memref<1x35x8x512xf32, #tpu.memory_space<vmem>>
    %dma_wait3A_1119 = tpu.memref_squeeze %dma_wait3A_1118 : memref<1x35x8x512xf32, #tpu.memory_space<vmem>> -> memref<35x8x512xf32, #tpu.memory_space<vmem>>
    %dma_wait3A_1120 = arith.constant 0 : i32
    %dma_wait3A_1121 = arith.constant 32 : i32
    %dma_wait3A_1122 = arith.constant 0 : i32
    %dma_wait3A_1123 = tpu.memref_slice %arg1[%dma_wait3A_1120, %dma_wait3A_1121, %dma_wait3A_1122] : memref<35x256x512xf32, #tpu.memory_space<any>> -> memref<35x8x512xf32, #tpu.memory_space<any>>
    tpu.wait_dma2 semaphore(%dma_wait3A_1114 : memref<!tpu.dma_semaphore, #tpu.memory_space<semaphore_mem>>) src(%dma_wait3A_1123 : memref<35x8x512xf32, #tpu.memory_space<any>>) dst(%dma_wait3A_1119 : memref<35x8x512xf32, #tpu.memory_space<vmem>>)
    %dma_wait3A_1124 = arith.constant 0 : i32
    %dma_wait3A_1125 = arith.constant 0 : i32
    %dma_wait3A_1126 = arith.constant 1 : i32
    %dma_wait3A_1127 = tpu.memref_slice %arg15[%dma_wait3A_1125, %dma_wait3A_1126] : memref<2x4x!tpu.dma_semaphore, #tpu.memory_space<semaphore_mem>> -> memref<1x1x!tpu.dma_semaphore, #tpu.memory_space<semaphore_mem>>
    %dma_wait3A_1128 = tpu.memref_squeeze %dma_wait3A_1127 : memref<1x1x!tpu.dma_semaphore, #tpu.memory_space<semaphore_mem>> -> memref<!tpu.dma_semaphore, #tpu.memory_space<semaphore_mem>>
    %dma_wait3A_1129 = arith.constant 0 : i32
    %dma_wait3A_1130 = arith.constant 0 : i32
    %dma_wait3A_1131 = arith.constant 0 : i32
    %dma_wait3A_1132 = tpu.memref_slice %arg11[%dma_wait3A_1124, %dma_wait3A_1129, %dma_wait3A_1130, %dma_wait3A_1131] : memref<2x35x8x512xf32, #tpu.memory_space<vmem>> -> memref<1x35x8x512xf32, #tpu.memory_space<vmem>>
    %dma_wait3A_1133 = tpu.memref_squeeze %dma_wait3A_1132 : memref<1x35x8x512xf32, #tpu.memory_space<vmem>> -> memref<35x8x512xf32, #tpu.memory_space<vmem>>
    %dma_wait3A_1134 = arith.constant 0 : i32
    %dma_wait3A_1135 = arith.constant 32 : i32
    %dma_wait3A_1136 = arith.constant 0 : i32
    %dma_wait3A_1137 = tpu.memref_slice %arg2[%dma_wait3A_1134, %dma_wait3A_1135, %dma_wait3A_1136] : memref<35x256x512xf32, #tpu.memory_space<any>> -> memref<35x8x512xf32, #tpu.memory_space<any>>
    tpu.wait_dma2 semaphore(%dma_wait3A_1128 : memref<!tpu.dma_semaphore, #tpu.memory_space<semaphore_mem>>) src(%dma_wait3A_1137 : memref<35x8x512xf32, #tpu.memory_space<any>>) dst(%dma_wait3A_1133 : memref<35x8x512xf32, #tpu.memory_space<vmem>>)
    %dma_wait3A_1138 = arith.constant 0 : i32
    %dma_wait3A_1139 = arith.constant 0 : i32
    %dma_wait3A_1140 = arith.constant 2 : i32
    %dma_wait3A_1141 = tpu.memref_slice %arg15[%dma_wait3A_1139, %dma_wait3A_1140] : memref<2x4x!tpu.dma_semaphore, #tpu.memory_space<semaphore_mem>> -> memref<1x1x!tpu.dma_semaphore, #tpu.memory_space<semaphore_mem>>
    %dma_wait3A_1142 = tpu.memref_squeeze %dma_wait3A_1141 : memref<1x1x!tpu.dma_semaphore, #tpu.memory_space<semaphore_mem>> -> memref<!tpu.dma_semaphore, #tpu.memory_space<semaphore_mem>>
    %dma_wait3A_1143 = arith.constant 0 : i32
    %dma_wait3A_1144 = arith.constant 0 : i32
    %dma_wait3A_1145 = arith.constant 0 : i32
    %dma_wait3A_1146 = tpu.memref_slice %arg12[%dma_wait3A_1138, %dma_wait3A_1143, %dma_wait3A_1144, %dma_wait3A_1145] : memref<2x60x8x512xf32, #tpu.memory_space<vmem>> -> memref<1x60x8x512xf32, #tpu.memory_space<vmem>>
    %dma_wait3A_1147 = tpu.memref_squeeze %dma_wait3A_1146 : memref<1x60x8x512xf32, #tpu.memory_space<vmem>> -> memref<60x8x512xf32, #tpu.memory_space<vmem>>
    %dma_wait3A_1148 = arith.constant 0 : i32
    %dma_wait3A_1149 = arith.constant 32 : i32
    %dma_wait3A_1150 = arith.constant 0 : i32
    %dma_wait3A_1151 = tpu.memref_slice %arg3[%dma_wait3A_1148, %dma_wait3A_1149, %dma_wait3A_1150] : memref<60x256x512xf32, #tpu.memory_space<any>> -> memref<60x8x512xf32, #tpu.memory_space<any>>
    tpu.wait_dma2 semaphore(%dma_wait3A_1142 : memref<!tpu.dma_semaphore, #tpu.memory_space<semaphore_mem>>) src(%dma_wait3A_1151 : memref<60x8x512xf32, #tpu.memory_space<any>>) dst(%dma_wait3A_1147 : memref<60x8x512xf32, #tpu.memory_space<vmem>>)
    %dma_wait3A_1152 = arith.constant 0 : i32
    %dma_wait3A_1153 = arith.constant 0 : i32
    %dma_wait3A_1154 = arith.constant 3 : i32
    %dma_wait3A_1155 = tpu.memref_slice %arg15[%dma_wait3A_1153, %dma_wait3A_1154] : memref<2x4x!tpu.dma_semaphore, #tpu.memory_space<semaphore_mem>> -> memref<1x1x!tpu.dma_semaphore, #tpu.memory_space<semaphore_mem>>
    %dma_wait3A_1156 = tpu.memref_squeeze %dma_wait3A_1155 : memref<1x1x!tpu.dma_semaphore, #tpu.memory_space<semaphore_mem>> -> memref<!tpu.dma_semaphore, #tpu.memory_space<semaphore_mem>>
    %dma_wait3A_1157 = arith.constant 0 : i32
    %dma_wait3A_1158 = arith.constant 0 : i32
    %dma_wait3A_1159 = arith.constant 0 : i32
    %dma_wait3A_1160 = tpu.memref_slice %arg13[%dma_wait3A_1152, %dma_wait3A_1157, %dma_wait3A_1158, %dma_wait3A_1159] : memref<2x60x8x512xf32, #tpu.memory_space<vmem>> -> memref<1x60x8x512xf32, #tpu.memory_space<vmem>>
    %dma_wait3A_1161 = tpu.memref_squeeze %dma_wait3A_1160 : memref<1x60x8x512xf32, #tpu.memory_space<vmem>> -> memref<60x8x512xf32, #tpu.memory_space<vmem>>
    %dma_wait3A_1162 = arith.constant 0 : i32
    %dma_wait3A_1163 = arith.constant 32 : i32
    %dma_wait3A_1164 = arith.constant 0 : i32
    %dma_wait3A_1165 = tpu.memref_slice %arg4[%dma_wait3A_1162, %dma_wait3A_1163, %dma_wait3A_1164] : memref<60x256x512xf32, #tpu.memory_space<any>> -> memref<60x8x512xf32, #tpu.memory_space<any>>
    tpu.wait_dma2 semaphore(%dma_wait3A_1156 : memref<!tpu.dma_semaphore, #tpu.memory_space<semaphore_mem>>) src(%dma_wait3A_1165 : memref<60x8x512xf32, #tpu.memory_space<any>>) dst(%dma_wait3A_1161 : memref<60x8x512xf32, #tpu.memory_space<vmem>>)
    %get3A_1166 = arith.constant 0 : index
    %get3A_1167 = arith.constant 0 : index
    %get3A_1168 = arith.constant 0 : index
    %get3A_1169 = arith.constant 0 : index
    %get3A_1170 = vector.load %arg10[%get3A_1166, %get3A_1167, %get3A_1168, %get3A_1169] : memref<2x35x8x512xf32, #tpu.memory_space<vmem>>, vector<1x35x8x512xf32>
    %get3A_1171 = vector.shape_cast %get3A_1170 : vector<1x35x8x512xf32> to vector<35x8x512xf32>
    %reshape3A_1172 = vector.shape_cast %get3A_1171 : vector<35x8x512xf32> to vector<280x512xf32>
    %dot_general3A_1173 = arith.constant dense<0.000000e+00> : vector<280x512xf32>
    %dot_general3A_1174 = tpu.matmul %reshape3A_1172, %get3A_1, %dot_general3A_1173 {dimension_numbers = #tpu.dot_dimension_numbers<[1], [1], [0], [0], [0, 0, 1, 0], [], []>, transpose_lhs_hint = false} : vector<280x512xf32>, vector<512x512xf32>, vector<280x512xf32> -> vector<280x512xf32>
    %add3A_1175 = vector.broadcast %get3A_4 : vector<1x512xf32> to vector<280x512xf32>
    %add3A_1176 = arith.addf %dot_general3A_1174, %add3A_1175 : vector<280x512xf32>
    %mul3A_1177 = arith.mulf %add3A_1176, %add3A_1176 : vector<280x512xf32>
    %reduce_sum3A_1178 = arith.constant dense<0.000000e+00> : vector<280xf32>
    %reduce_sum3A_1179 = vector.multi_reduction <add>, %mul3A_1177, %reduce_sum3A_1178 [1] : vector<280x512xf32> to vector<280xf32>
    %broadcast_in_dim3A_1180 = vector.shape_cast %reduce_sum3A_1179 : vector<280xf32> to vector<280x1xf32>
    %sqrt3A_1181 = math.sqrt %broadcast_in_dim3A_1180 : vector<280x1xf32>
    %add3A_1182 = arith.constant 9.99999993E-9 : f32
    %add3A_1183 = vector.broadcast %add3A_1182 : f32 to vector<280x1xf32>
    %add3A_1184 = arith.addf %sqrt3A_1181, %add3A_1183 : vector<280x1xf32>
    %div3A_1185 = arith.constant 1.000000e+00 : f32
    %div3A_1186 = vector.broadcast %div3A_1185 : f32 to vector<280x1xf32>
    %div3A_1187 = arith.divf %div3A_1186, %add3A_1184 : vector<280x1xf32>
    %mul3A_1188 = vector.broadcast %div3A_1187 : vector<280x1xf32> to vector<280x512xf32>
    %mul3A_1189 = arith.mulf %add3A_1176, %mul3A_1188 : vector<280x512xf32>
    %reshape3A_1190 = vector.shape_cast %mul3A_1189 : vector<280x512xf32> to vector<35x8x512xf32>
    %get3A_1191 = arith.constant 0 : index
    %get3A_1192 = arith.constant 0 : index
    %get3A_1193 = arith.constant 0 : index
    %get3A_1194 = arith.constant 0 : index
    %get3A_1195 = vector.load %arg12[%get3A_1191, %get3A_1192, %get3A_1193, %get3A_1194] : memref<2x60x8x512xf32, #tpu.memory_space<vmem>>, vector<1x60x8x512xf32>
    %get3A_1196 = vector.shape_cast %get3A_1195 : vector<1x60x8x512xf32> to vector<60x8x512xf32>
    %reshape3A_1197 = vector.shape_cast %get3A_1196 : vector<60x8x512xf32> to vector<480x512xf32>
    %mul3A_1198 = arith.mulf %reshape3A_1197, %reshape3A_1197 : vector<480x512xf32>
    %reduce_sum3A_1199 = arith.constant dense<0.000000e+00> : vector<480xf32>
    %reduce_sum3A_1200 = vector.multi_reduction <add>, %mul3A_1198, %reduce_sum3A_1199 [1] : vector<480x512xf32> to vector<480xf32>
    %broadcast_in_dim3A_1201 = vector.shape_cast %reduce_sum3A_1200 : vector<480xf32> to vector<480x1xf32>
    %sqrt3A_1202 = math.sqrt %broadcast_in_dim3A_1201 : vector<480x1xf32>
    %add3A_1203 = arith.constant 9.99999993E-9 : f32
    %add3A_1204 = vector.broadcast %add3A_1203 : f32 to vector<480x1xf32>
    %add3A_1205 = arith.addf %sqrt3A_1202, %add3A_1204 : vector<480x1xf32>
    %div3A_1206 = arith.constant 1.000000e+00 : f32
    %div3A_1207 = vector.broadcast %div3A_1206 : f32 to vector<480x1xf32>
    %div3A_1208 = arith.divf %div3A_1207, %add3A_1205 : vector<480x1xf32>
    %mul3A_1209 = vector.broadcast %div3A_1208 : vector<480x1xf32> to vector<480x512xf32>
    %mul3A_1210 = arith.mulf %reshape3A_1197, %mul3A_1209 : vector<480x512xf32>
    %reshape3A_1211 = vector.shape_cast %mul3A_1210 : vector<480x512xf32> to vector<60x8x512xf32>
    %transpose3A_1212 = tpu.transpose %reshape3A_1190, [1, 0, 2] : vector<35x8x512xf32> -> vector<8x35x512xf32>
    %transpose3A_1213 = tpu.transpose %reshape3A_1211, [1, 0, 2] : vector<60x8x512xf32> -> vector<8x60x512xf32>
    %dot_general3A_1214 = arith.constant dense<0.000000e+00> : vector<8x60x35xf32>
    %dot_general3A_1215 = tpu.matmul %transpose3A_1213, %transpose3A_1212, %dot_general3A_1214 {dimension_numbers = #tpu.dot_dimension_numbers<[2], [2], [1], [1], [0, 0, 0, 1, 1, 1], [0], [0]>, transpose_lhs_hint = false} : vector<8x60x512xf32>, vector<8x35x512xf32>, vector<8x60x35xf32> -> vector<8x60x35xf32>
    %reduce_max3A_1216 = arith.constant dense<0xFF800000> : vector<8x35xf32>
    %reduce_max3A_1217 = vector.multi_reduction <maximumf>, %dot_general3A_1215, %reduce_max3A_1216 [1] : vector<8x60x35xf32> to vector<8x35xf32>
    %broadcast_in_dim3A_1218 = vector.shape_cast %reduce_max3A_1217 : vector<8x35xf32> to vector<8x1x35xf32>
    %sub3A_1219 = vector.broadcast %broadcast_in_dim3A_1218 : vector<8x1x35xf32> to vector<8x60x35xf32>
    %sub3A_1220 = arith.subf %dot_general3A_1215, %sub3A_1219 : vector<8x60x35xf32>
    %exp3A_1221 = math.exp %sub3A_1220 : vector<8x60x35xf32>
    %reduce_sum3A_1222 = arith.constant dense<0.000000e+00> : vector<8x35xf32>
    %reduce_sum3A_1223 = vector.multi_reduction <add>, %exp3A_1221, %reduce_sum3A_1222 [1] : vector<8x60x35xf32> to vector<8x35xf32>
    %broadcast_in_dim3A_1224 = vector.shape_cast %reduce_sum3A_1223 : vector<8x35xf32> to vector<8x1x35xf32>
    %div3A_1225 = arith.constant 1.000000e+00 : f32
    %div3A_1226 = vector.broadcast %div3A_1225 : f32 to vector<8x1x35xf32>
    %div3A_1227 = arith.divf %div3A_1226, %broadcast_in_dim3A_1224 : vector<8x1x35xf32>
    %mul3A_1228 = vector.broadcast %div3A_1227 : vector<8x1x35xf32> to vector<8x60x35xf32>
    %mul3A_1229 = arith.mulf %exp3A_1221, %mul3A_1228 : vector<8x60x35xf32>
    %get3A_1230 = arith.constant 0 : index
    %get3A_1231 = arith.constant 0 : index
    %get3A_1232 = arith.constant 0 : index
    %get3A_1233 = arith.constant 32 : index
    %get3A_1234 = vector.load %arg14[%get3A_1230, %get3A_1231, %get3A_1232, %get3A_1233] : memref<60x35x2x256xf32, #tpu.memory_space<vmem>>, vector<60x35x1x8xf32>
    %get3A_1235 = vector.shape_cast %get3A_1234 : vector<60x35x1x8xf32> to vector<60x35x8xf32>
    %transpose3A_1236 = tpu.transpose %get3A_1235, [2, 0, 1] : vector<60x35x8xf32> -> vector<8x60x35xf32>
    %mul3A_1237 = arith.mulf %mul3A_1229, %transpose3A_1236 : vector<8x60x35xf32>
    %reduce_sum3A_1238 = arith.constant dense<0.000000e+00> : vector<8x35xf32>
    %reduce_sum3A_1239 = vector.multi_reduction <add>, %mul3A_1237, %reduce_sum3A_1238 [1] : vector<8x60x35xf32> to vector<8x35xf32>
    %swap3A_1240 = arith.constant 32 : index
    %swap3A_1241 = arith.constant 0 : index
    %swap3A_1242 = vector.load %arg8[%swap3A_1240, %swap3A_1241] : memref<40x35xf32, #tpu.memory_space<vmem>>, vector<8x35xf32>
    tpu.vector_store %arg8[%swap3A_1240, %swap3A_1241], %reduce_sum3A_1239 {strides = array<i32>} : memref<40x35xf32, #tpu.memory_space<vmem>>, vector<8x35xf32>,
    %get3A_1243 = arith.constant 0 : index
    %get3A_1244 = arith.constant 0 : index
    %get3A_1245 = arith.constant 0 : index
    %get3A_1246 = arith.constant 0 : index
    %get3A_1247 = vector.load %arg11[%get3A_1243, %get3A_1244, %get3A_1245, %get3A_1246] : memref<2x35x8x512xf32, #tpu.memory_space<vmem>>, vector<1x35x8x512xf32>
    %get3A_1248 = vector.shape_cast %get3A_1247 : vector<1x35x8x512xf32> to vector<35x8x512xf32>
    %reshape3A_1249 = vector.shape_cast %get3A_1248 : vector<35x8x512xf32> to vector<280x512xf32>
    %dot_general3A_1250 = arith.constant dense<0.000000e+00> : vector<280x512xf32>
    %dot_general3A_1251 = tpu.matmul %reshape3A_1249, %get3A_1, %dot_general3A_1250 {dimension_numbers = #tpu.dot_dimension_numbers<[1], [1], [0], [0], [0, 0, 1, 0], [], []>, transpose_lhs_hint = false} : vector<280x512xf32>, vector<512x512xf32>, vector<280x512xf32> -> vector<280x512xf32>
    %add3A_1252 = vector.broadcast %get3A_4 : vector<1x512xf32> to vector<280x512xf32>
    %add3A_1253 = arith.addf %dot_general3A_1251, %add3A_1252 : vector<280x512xf32>
    %mul3A_1254 = arith.mulf %add3A_1253, %add3A_1253 : vector<280x512xf32>
    %reduce_sum3A_1255 = arith.constant dense<0.000000e+00> : vector<280xf32>
    %reduce_sum3A_1256 = vector.multi_reduction <add>, %mul3A_1254, %reduce_sum3A_1255 [1] : vector<280x512xf32> to vector<280xf32>
    %broadcast_in_dim3A_1257 = vector.shape_cast %reduce_sum3A_1256 : vector<280xf32> to vector<280x1xf32>
    %sqrt3A_1258 = math.sqrt %broadcast_in_dim3A_1257 : vector<280x1xf32>
    %add3A_1259 = arith.constant 9.99999993E-9 : f32
    %add3A_1260 = vector.broadcast %add3A_1259 : f32 to vector<280x1xf32>
    %add3A_1261 = arith.addf %sqrt3A_1258, %add3A_1260 : vector<280x1xf32>
    %div3A_1262 = arith.constant 1.000000e+00 : f32
    %div3A_1263 = vector.broadcast %div3A_1262 : f32 to vector<280x1xf32>
    %div3A_1264 = arith.divf %div3A_1263, %add3A_1261 : vector<280x1xf32>
    %mul3A_1265 = vector.broadcast %div3A_1264 : vector<280x1xf32> to vector<280x512xf32>
    %mul3A_1266 = arith.mulf %add3A_1253, %mul3A_1265 : vector<280x512xf32>
    %reshape3A_1267 = vector.shape_cast %mul3A_1266 : vector<280x512xf32> to vector<35x8x512xf32>
    %get3A_1268 = arith.constant 0 : index
    %get3A_1269 = arith.constant 0 : index
    %get3A_1270 = arith.constant 0 : index
    %get3A_1271 = arith.constant 0 : index
    %get3A_1272 = vector.load %arg13[%get3A_1268, %get3A_1269, %get3A_1270, %get3A_1271] : memref<2x60x8x512xf32, #tpu.memory_space<vmem>>, vector<1x60x8x512xf32>
    %get3A_1273 = vector.shape_cast %get3A_1272 : vector<1x60x8x512xf32> to vector<60x8x512xf32>
    %reshape3A_1274 = vector.shape_cast %get3A_1273 : vector<60x8x512xf32> to vector<480x512xf32>
    %mul3A_1275 = arith.mulf %reshape3A_1274, %reshape3A_1274 : vector<480x512xf32>
    %reduce_sum3A_1276 = arith.constant dense<0.000000e+00> : vector<480xf32>
    %reduce_sum3A_1277 = vector.multi_reduction <add>, %mul3A_1275, %reduce_sum3A_1276 [1] : vector<480x512xf32> to vector<480xf32>
    %broadcast_in_dim3A_1278 = vector.shape_cast %reduce_sum3A_1277 : vector<480xf32> to vector<480x1xf32>
    %sqrt3A_1279 = math.sqrt %broadcast_in_dim3A_1278 : vector<480x1xf32>
    %add3A_1280 = arith.constant 9.99999993E-9 : f32
    %add3A_1281 = vector.broadcast %add3A_1280 : f32 to vector<480x1xf32>
    %add3A_1282 = arith.addf %sqrt3A_1279, %add3A_1281 : vector<480x1xf32>
    %div3A_1283 = arith.constant 1.000000e+00 : f32
    %div3A_1284 = vector.broadcast %div3A_1283 : f32 to vector<480x1xf32>
    %div3A_1285 = arith.divf %div3A_1284, %add3A_1282 : vector<480x1xf32>
    %mul3A_1286 = vector.broadcast %div3A_1285 : vector<480x1xf32> to vector<480x512xf32>
    %mul3A_1287 = arith.mulf %reshape3A_1274, %mul3A_1286 : vector<480x512xf32>
    %reshape3A_1288 = vector.shape_cast %mul3A_1287 : vector<480x512xf32> to vector<60x8x512xf32>
    %transpose3A_1289 = tpu.transpose %reshape3A_1267, [1, 0, 2] : vector<35x8x512xf32> -> vector<8x35x512xf32>
    %transpose3A_1290 = tpu.transpose %reshape3A_1288, [1, 0, 2] : vector<60x8x512xf32> -> vector<8x60x512xf32>
    %dot_general3A_1291 = arith.constant dense<0.000000e+00> : vector<8x60x35xf32>
    %dot_general3A_1292 = tpu.matmul %transpose3A_1290, %transpose3A_1289, %dot_general3A_1291 {dimension_numbers = #tpu.dot_dimension_numbers<[2], [2], [1], [1], [0, 0, 0, 1, 1, 1], [0], [0]>, transpose_lhs_hint = false} : vector<8x60x512xf32>, vector<8x35x512xf32>, vector<8x60x35xf32> -> vector<8x60x35xf32>
    %reduce_max3A_1293 = arith.constant dense<0xFF800000> : vector<8x35xf32>
    %reduce_max3A_1294 = vector.multi_reduction <maximumf>, %dot_general3A_1292, %reduce_max3A_1293 [1] : vector<8x60x35xf32> to vector<8x35xf32>
    %broadcast_in_dim3A_1295 = vector.shape_cast %reduce_max3A_1294 : vector<8x35xf32> to vector<8x1x35xf32>
    %sub3A_1296 = vector.broadcast %broadcast_in_dim3A_1295 : vector<8x1x35xf32> to vector<8x60x35xf32>
    %sub3A_1297 = arith.subf %dot_general3A_1292, %sub3A_1296 : vector<8x60x35xf32>
    %exp3A_1298 = math.exp %sub3A_1297 : vector<8x60x35xf32>
    %reduce_sum3A_1299 = arith.constant dense<0.000000e+00> : vector<8x35xf32>
    %reduce_sum3A_1300 = vector.multi_reduction <add>, %exp3A_1298, %reduce_sum3A_1299 [1] : vector<8x60x35xf32> to vector<8x35xf32>
    %broadcast_in_dim3A_1301 = vector.shape_cast %reduce_sum3A_1300 : vector<8x35xf32> to vector<8x1x35xf32>
    %div3A_1302 = arith.constant 1.000000e+00 : f32
    %div3A_1303 = vector.broadcast %div3A_1302 : f32 to vector<8x1x35xf32>
    %div3A_1304 = arith.divf %div3A_1303, %broadcast_in_dim3A_1301 : vector<8x1x35xf32>
    %mul3A_1305 = vector.broadcast %div3A_1304 : vector<8x1x35xf32> to vector<8x60x35xf32>
    %mul3A_1306 = arith.mulf %exp3A_1298, %mul3A_1305 : vector<8x60x35xf32>
    %get3A_1307 = arith.constant 0 : index
    %get3A_1308 = arith.constant 0 : index
    %get3A_1309 = arith.constant 1 : index
    %get3A_1310 = arith.constant 32 : index
    %get3A_1311 = vector.load %arg14[%get3A_1307, %get3A_1308, %get3A_1309, %get3A_1310] : memref<60x35x2x256xf32, #tpu.memory_space<vmem>>, vector<60x35x1x8xf32>
    %get3A_1312 = vector.shape_cast %get3A_1311 : vector<60x35x1x8xf32> to vector<60x35x8xf32>
    %transpose3A_1313 = tpu.transpose %get3A_1312, [2, 0, 1] : vector<60x35x8xf32> -> vector<8x60x35xf32>
    %mul3A_1314 = arith.mulf %mul3A_1306, %transpose3A_1313 : vector<8x60x35xf32>
    %reduce_sum3A_1315 = arith.constant dense<0.000000e+00> : vector<8x35xf32>
    %reduce_sum3A_1316 = vector.multi_reduction <add>, %mul3A_1314, %reduce_sum3A_1315 [1] : vector<8x60x35xf32> to vector<8x35xf32>
    %swap3A_1317 = arith.constant 32 : index
    %swap3A_1318 = arith.constant 0 : index
    %swap3A_1319 = vector.load %arg9[%swap3A_1317, %swap3A_1318] : memref<40x35xf32, #tpu.memory_space<vmem>>, vector<8x35xf32>
    tpu.vector_store %arg9[%swap3A_1317, %swap3A_1318], %reduce_sum3A_1316 {strides = array<i32>} : memref<40x35xf32, #tpu.memory_space<vmem>>, vector<8x35xf32>,
    return
  }
  func.func @transform_5(%arg0: i32) -> (i32, i32) {
    %c0_i32 = arith.constant 0 : i32
    %c0_i32_0 = arith.constant 0 : i32
    %c0_i32_1 = arith.constant 0 : i32
    return %c0_i32, %c0_i32_0 : i32, i32
  }
  func.func @transform_6(%arg0: i32) -> (i32, i32) {
    %c0_i32 = arith.constant 0 : i32
    %c0_i32_0 = arith.constant 0 : i32
    %c0_i32_1 = arith.constant 0 : i32
    return %c0_i32, %c0_i32_0 : i32, i32
  }
  func.func @transform_7(%arg0: i32) -> (i32, i32) {
    %c0_i32 = arith.constant 0 : i32
    %c0_i32_0 = arith.constant 0 : i32
    %c0_i32_1 = arith.constant 0 : i32
    return %c0_i32, %c0_i32_0 : i32, i32
  }
  func.func @transform_8(%arg0: i32) -> (i32, i32) {
    %c0_i32 = arith.constant 0 : i32
    %c0_i32_0 = arith.constant 0 : i32
    %c0_i32_1 = arith.constant 0 : i32
    return %c0_i32, %c0_i32_0 : i32, i32
  }
}

</mosaic_0001>

<sc_bundles>
// kernel: kernel.4.cloned.1.call-start
scs
__scs_entry_jumppad:
0x0: {  	(pc) =	sbr.rel $0x88, $3  }
0x1: {  	(tag) =	ssettag $0x0;
	lr =	simm.s32 $0x1  }
0x2: {  	[smem:$0x3F96] =	sst lr;
	_ =	strace $0xD0000000  }
0x3: {  	_ = 	snop  }
0x4: {  	_ = 	snop  }
0x5: {  	_ = 	snop  }
0x6: {  	_ = 	snop  }
0x7: {  	_ = 	snop  }
__scs_overlays_trampoline_lowered:
0x8: {  	[smem:$0x3FA5] =	sst s0  }
0x9: {  	[smem:$0x3FA6] =	sst s1  }
0xa: {  	[smem:$0x3FA7] =	sst s2  }
0xb: {  	[smem:$0x3FA8] =	sst s3  }
0xc: {  	[smem:$0x3FA9] =	sst s4  }
0xd: {  	[smem:$0x3FAA] =	sst s5  }
0xe: {  	[smem:$0x3FAB] =	sst s6  }
0xf: {  	[smem:$0x3FAC] =	sst s7  }
0x10: {  	[smem:$0x3FAD] =	sst s8  }
0x11: {  	[smem:$0x3FAE] =	sst s9;
	s0 =	simm.s32 @!p0 $0x0  }
0x12: {  	s1 =	sld [smem:$0x3F94];
	s0 =	simm.s32 @p0 $0x1  }
0x13: {  	[smem:$0x3FAF] =	sst s0;
	s0 =	simm.s32 @!p1 $0x0  }
0x14: {  	s2 =	sld [smem:$0x3F93];
	s0 =	simm.s32 @p1 $0x1  }
0x15: {  	[smem:$0x3FB0] =	sst s0;
	s0 =	simm.s32 @!p2 $0x0  }
0x16: {  	s3 =	sld [smem:$0x3FDB];
	s0 =	simm.s32 @p2 $0x1  }
0x17: {  	s4 =	simm.s32 $0x1BF5;
	[smem:$0x3FB2] =	sst s0  }
0x18: {  	s0 =	sld [smem:$0x3F95];
	_ =	swait.ge [sflag:s4], $0x0  }
0x19: {  	s7 =	sld [smem:$0x3F96]  }
0x1a: {  	s8 =	sadd.s32 $0xFFFFE003, lr  }
0x1b: {  	s9 =	sadd.s32 $0xFFFFFEF7, lr;
	s5 =	simm.s32 $0xFFFFFFFF;
	p2 =	slt.u32 s8, $0xFFFFF086  }
0x1c: {  	p1 =	slt.u32 s9, $0xF7A;
	s5 =	simm.s32 @!p2 $0x0  }
0x1d: {  	s5 =	simm.s32 @p1 $0x1;
	p0 =	seq.s32 s7, s2  }
0x1e: {  	s7 =	smul.u32 @!p0 $0xF7A, s2;
	p2 =	seq.s32 @!p0 s5, $0x0  }
0x1f: {  	s9 =	smul.u32 $0xF7A, s1;
	s8 =	simm.s32 @!p0 $0x1BF5;
	p2 =	por !p2, p0  }
0x20: {  	[sflag:s8] =	ssyncset.s32 @!p0 $0xFFFFF086;
	s6 =	sadd.s32 @!p0 s3, s7;
	s7 =	simm.s32 @!p0 $0x108  }
0x21: {  	s3 =	sadd.s32 s3, s9;
	s6 =	sadd.s32 @!p0 $0x88, s6;
	s7 =	simm.s32 @p2 $0x1082  }
0x22: {  	[simem:s7], [sflag:s8] =	dma.local @!p0 [hbm:s6], $0xF7A  }
0x23: {  	s9 =	sor.u32 $0xD0000000, s2;
	s6 =	simm.s32 $0x108;
	_ =	swait.ge @!p0 [sflag:s8], $0x0  }
0x24: {  	s3 =	sadd.s32 $0x88, s3;
	s6 =	simm.s32 @!p1 $0x1082;
	[sflag:s4] =	ssyncset.s32 $0xFFFFF086  }
0x25: {  	[simem:s6], [sflag:s4] =	dma.local [hbm:s3], $0xF7A  }
0x26: {  	[smem:$0x3F96] =	sst s1;
	(tag) =	ssettag s2;
	_ =	strace s9  }
0x27: {  	s1 =	sld [smem:$0x3FA6]  }
0x28: {  	s2 =	sld [smem:$0x3FA7]  }
0x29: {  	s4 =	sld [smem:$0x3FA9]  }
0x2a: {  	p0 =	seq.s32 s5, $0x0;
	s5 =	sld [smem:$0x3FAA]  }
0x2b: {  	s6 =	sld [smem:$0x3FAB]  }
0x2c: {  	s7 =	sld [smem:$0x3FAC]  }
0x2d: {  	s3 =	simm.s32 $0x108;
	s8 =	sld [smem:$0x3FAD]  }
0x2e: {  	s3 =	simm.s32 @!p0 $0x1082;
	s9 =	sld [smem:$0x3FAE]  }
0x2f: {  	lr =	sadd.s32 s0, s3;
	s0 =	sld [smem:$0x3FA5]  }
0x30: {  	s3 =	sld [smem:$0x3FA8]  }
0x31: {  	[smem:$0x3FB1] =	sst s10  }
0x32: {  	s10 =	sld [smem:$0x3FAF];
	_ =	sdelay $0x3  }
0x33: {  	p0 =	seq.s32 s10, $0x1;
	s10 =	sld [smem:$0x3FB1];
	_ =	sdelay $0x3  }
0x34: {  	[smem:$0x3FB1] =	sst s10  }
0x35: {  	s10 =	sld [smem:$0x3FB0];
	_ =	sdelay $0x3  }
0x36: {  	p1 =	seq.s32 s10, $0x1;
	s10 =	sld [smem:$0x3FB1];
	_ =	sdelay $0x3  }
0x37: {  	[smem:$0x3FB1] =	sst s10  }
0x38: {  	s10 =	sld [smem:$0x3FB2]  }
0x39: {  	_ = 	snop;
	(pc) =	sbr.ind lr, $3  }
0x3a: {  	_ = 	snop  }
0x3b: {  	_ = 	snop  }
0x3c: {  	p2 =	seq.s32 s10, $0x1;
	s10 =	sld [smem:$0x3FB1]  }
0x3d: {  	_ =	shalt  }
0x3e: {  	_ =	shalt  }
0x3f: {  	_ =	shalt  }
0x40: {  	_ =	shalt  }
0x41: {  	_ =	shalt  }
0x42: {  	_ =	shalt  }
0x43: {  	_ =	shalt  }
0x44: {  	_ =	shalt  }
0x45: {  	_ =	shalt  }
0x46: {  	_ =	shalt  }
0x47: {  	_ =	shalt  }
0x48: {  	_ =	shalt  }
0x49: {  	_ =	shalt  }
0x4a: {  	_ =	shalt  }
0x4b: {  	_ =	shalt  }
0x4c: {  	_ =	shalt  }
0x4d: {  	_ =	shalt  }
0x4e: {  	_ =	shalt  }
0x4f: {  	_ =	shalt  }
0x50: {  	_ =	shalt  }
0x51: {  	_ =	shalt  }
0x52: {  	_ =	shalt  }
0x53: {  	_ =	shalt  }
0x54: {  	_ =	shalt  }
0x55: {  	_ =	shalt  }
0x56: {  	_ =	shalt  }
0x57: {  	_ =	shalt  }
0x58: {  	_ =	shalt  }
0x59: {  	_ =	shalt  }
0x5a: {  	_ =	shalt  }
0x5b: {  	_ =	shalt  }
0x5c: {  	_ =	shalt  }
0x5d: {  	_ =	shalt  }
0x5e: {  	_ =	shalt  }
0x5f: {  	_ =	shalt  }
0x60: {  	_ =	shalt  }
0x61: {  	_ =	shalt  }
0x62: {  	_ =	shalt  }
0x63: {  	_ =	shalt  }
0x64: {  	_ =	shalt  }
0x65: {  	_ =	shalt  }
0x66: {  	_ =	shalt  }
0x67: {  	_ =	shalt  }
0x68: {  	_ =	shalt  }
0x69: {  	_ =	shalt  }
0x6a: {  	_ =	shalt  }
0x6b: {  	_ =	shalt  }
0x6c: {  	_ =	shalt  }
0x6d: {  	_ =	shalt  }
0x6e: {  	_ =	shalt  }
0x6f: {  	_ =	shalt  }
0x70: {  	_ =	shalt  }
0x71: {  	_ =	shalt  }
0x72: {  	_ =	shalt  }
0x73: {  	_ =	shalt  }
0x74: {  	_ =	shalt  }
0x75: {  	_ =	shalt  }
0x76: {  	_ =	shalt  }
0x77: {  	_ =	shalt  }
0x78: {  	_ =	shalt  }
0x79: {  	_ =	shalt  }
0x7a: {  	_ =	shalt  }
0x7b: {  	_ =	shalt  }
0x7c: {  	_ =	shalt  }
0x7d: {  	_ =	shalt  }
0x7e: {  	_ =	shalt  }
0x7f: {  	_ =	shalt  }
0x80: {  	_ =	shalt  }
0x81: {  	_ =	shalt  }
0x82: {  	_ =	shalt  }
0x83: {  	_ =	shalt  }
0x84: {  	_ =	shalt  }
0x85: {  	_ =	shalt  }
0x86: {  	_ =	shalt  }
0x87: {  	_ =	shalt  }
.Lfunc_end0:
.L_simem_size_0:
called_computation_lowered:
.L_overlay_start_0:
0x88: {  	s2 =	sld [smem:$0x3FD9]  }
0x89: {  	s3 =	sld [smem:$0x3FFE];
	_ =	sdelay $0x1  }
0x8a: {  	s1 =	srdreg.scid  }
0x8b: {  	s0 =	sand.u32 $0x1, s1  }
0x8c: {  	s14 =	sshll.u32 s0, $0xA;
	s2 =	sadd.s32 s3, s2  }
0x8d: {  	s2 =	sadd.s32 s2, s14  }
0x8e: {  	[smem:$0x3FBD] =	sst s2  }
0x8f: {  	_ = 	snop  }
0x90: {  	s2 =	sld [smem:$0x3FC7]  }
0x91: {  	s15 =	sld [smem:$0x3FD0]  }
0x92: {  	s4 =	sld [smem:$0x3FC6]  }
0x93: {  	s5 =	sld [smem:$0x3FC5]  }
0x94: {  	s7 =	simm.s32 $0xA;
	s8 =	simm.s32 $0x10;
	s6 =	sld [smem:$0x3FC4]  }
0x95: {  	[smem:s8], [sflag:s7] =	dma.local [hbm:s15], $0x1  }
0x96: {  	_ =	swait.eq [sflag:s7], $0x1  }
0x97: {  	[sflag:s7] =	ssyncset.done $0x0  }
0x98: {  	s16 =	sld [smem:$0x10];
	[sflag:s7] =	ssyncadd.s32 $0xFFFFFFFF  }
0x99: {  	s17 =	sld [smem:$0x11];
	(tm) =	ssettm $0x1  }
0x9a: {  	s18 =	sld [smem:$0x3FFB];
	_ =	sdelay $0x3  }
0x9b: {  	_ =	strace s18  }
0x9c: {  	s8 =	sld [smem:$0x3FFC];
	_ =	sdelay $0x3  }
0x9d: {  	_ =	strace s8  }
0x9e: {  	s8 =	sld [smem:$0x3FFD];
	_ =	sdelay $0x3  }
0x9f: {  	_ =	strace s8  }
0xa0: {  	_ =	strace $0x8FFFFFFF  }
0xa1: {  	s19 =	sld [smem:$0x3FDB];
	_ =	sdelay $0x1  }
0xa2: {  	s9 =	simm.s32 $_scs_section_size  }
0xa3: {  	s10 =	simm.s32 $_size__tile_overlayer_lowered;
	s11 =	simm.s32 $_tile_overlayer_lowered  }
0xa4: {  	s22 =	simm.s32 $0x1BFF;
	s21 =	sshll.u32 s11, $0x1;
	s8 =	sadd.s32 s9, s19  }
0xa5: {  	s12 =	simm.s32 $0x0;
	s20 =	sshll.u32 s10, $0x1;
	s10 =	sadd.s32 s21, s8  }
0xa6: {  	[timem:s12], [sflag:s22] =	dma.local [hbm:s10], s20  }
0xa7: {  	_ =	swait.ge [sflag:s22], s20  }
0xa8: {  	s9 =	ssub.s32 $0x0, s20;
	[sflag:s22] =	ssyncset.done $0x0  }
0xa9: {  	[sflag:s22] =	ssyncadd.s32 s9;
	_ =	sdelay $0x1  }
0xaa: {  	s23 =	simm.s32 $0x1B8B  }
0xab: {  	_ =	swait.ge [sflag:s23], $0x1  }
0xac: {  	[sflag:s23] =	ssyncset.done $0x0  }
0xad: {  	s25 =	simm.s32 $0x1B8E;
	s24 =	sld [smem:$0x3FFE];
	[sflag:s23] =	ssyncadd.s32 $0xFFFFFFFF  }
0xae: {  	s26 =	simm.s32 $execute0_lowered;
	[smem:$0x3FD2] =	sst s25  }
0xaf: {  	s10 =	sshll.u32 s26, $0x1;
	_ =	strace $0x80000046;
	[dreg:$0x1] =	wrdreg $0xFFFFFFFF  }
0xb0: {  	s28 =	simm.s32 $_size_execute0_lowered;
	s8 =	sadd.s32 s8, s10;
	[dreg:$0x0] =	wrdreg $0x0  }
0xb1: {  	s10 =	sshll.u32 s28, $0x1;
	[dreg:$0x2] =	wrdreg s8  }
0xb2: {  	[dreg:$0x3] =	wrdreg s10  }
0xb3: {  	[dreg:$0x4] =	wrdreg $0xC0  }
0xb4: {  	_ =	task [dreg:s12], $0x5FFFF  }
0xb5: {  	[dreg:$0x1] =	wrdreg $0xFFFFFFFF  }
0xb6: {  	[dreg:$0x0] =	wrdreg $0x60  }
0xb7: {  	[dreg:$0x2] =	wrdreg s24  }
0xb8: {  	[dreg:$0x3] =	wrdreg s5  }
0xb9: {  	[dreg:$0x4] =	wrdreg s6  }
0xba: {  	[dreg:$0x5] =	wrdreg s2  }
0xbb: {  	[dreg:$0x6] =	wrdreg s4  }
0xbc: {  	[dreg:$0x7] =	wrdreg s16  }
0xbd: {  	[dreg:$0x8] =	wrdreg s17  }
0xbe: {  	[dreg:$0x9] =	wrdreg $0x9  }
0xbf: {  	_ =	task.clear_ibuf [dreg:s12], $0xAFFFF;
	_ =	strace $0x90000046  }
0xc0: {  	s29 =	simm.s32 $0x9;
	_ =	strace $0x80000048  }
0xc1: {  	_ =	swait.ge [sflag:s29], $0x1  }
0xc2: {  	[sflag:s29] =	ssyncadd.s32 $0xFFFFFFFF  }
0xc3: {  	_ =	strace $0x90000048  }
0xc4: {  	_ =	sfence  }
0xc5: {  	s30 =	sld [smem:$0x0];
	_ =	sdelay $0x2  }
0xc6: {  	s31 =	sshll.u32 s1, $0xD;
	s1 =	sshrl.u32 s1, $0x2  }
0xc7: {  	s3 =	sand.u32 $0x4000, s31;
	s1 =	sadd.s32 s1, s30  }
0xc8: {  	s0 =	sor.u32 s3, s0;
	s1 =	sshll.u32 s1, $0x11  }
0xc9: {  	s0 =	sor.u32 s1, s0  }
0xca: {  	s0 =	sadd.s32 $0x8F2B, s0  }
0xcb: {  	[sflag:s0] =	ssyncadd.remote.s32 $0x1  }
0xcc: {  	_ =	sfence.sel $0xFFFF  }
0xcd: {  	[dreg:$0x0] =	wrdreg $0xFFFFFFFF;
	(pc) =	sbr.abs _section_cstart, $3  }
0xce: {  	[dreg:$0x1] =	wrdreg $0xFFFFFFFF  }
0xcf: {  	_ =	task.clear_ibuf [dreg:s12], $0x2FFFF;
	_ =	strace $0x9FFFFFFF  }
0xd0: {  	(tm) =	ssettm $0x7FFFFFFF  }
0xd1: {  	_ =	shalt  }
tec
execute0_lowered:
.L_overlay_start_1:
0x0: {  	(tag) =	ssettag $0x1  }
0x1: {  	s9 =	rddreg [dreg:$0x0]  }
0x2: {  	s0 =	rddreg [dreg:$0x1]  }
0x3: {  	s1 =	rddreg [dreg:$0x2]  }
0x4: {  	s3 =	rddreg [dreg:$0x3]  }
0x5: {  	s4 =	rddreg [dreg:$0x4]  }
0x6: {  	s5 =	rddreg [dreg:$0x5];
	s2 =	srdreg.scid  }
0x7: {  	s6 =	rddreg [dreg:$0x6];
	s7 =	stileid.u32  }
0x8: {  	s13 =	simm.s32 $0x400;
	s14 =	simm.s32 $0x1800;
	s10 =	sand.u32 $0x1, s2  }
.Ltmp0:
0x9: {  	s2 =	rddreg [dreg:$0x7];
	_ =	strace $0x80000047;
	(pc) =	sbr.rel .LBB2_1-.Ltmp0, $4  }
0xa: {  	s8 =	sadd.s32 $0x1400, s9;
	s31 =	sshll.u32 s7, $0x1;
	s11 =	ssub.s32 $0x2, s10  }
0xb: {  	s9 =	sadd.s32 $0x1800, s9;
	s15 =	sor.u32 s10, s31;
	s12 =	sshrl.u32 s11, $0x1  }
0xc: {  	p0 =	seq.s32 s15, $0x0;
	p1 =	sne.s32 s15, $0x1;
	s11 =	ssub.s32 s11, s12  }
0xd: {  	s12 =	simm.s32 $0x1;
	s10 =	smax.u32 s11, $0x1;
	s11 =	simm.s32 $0x0  }
.LBB2_4:
0xe: {  	[tilespmem:s11], [sflag:$0x1] =	stream.linear.gather [hbm4b:s18+s11], $0x400, $0x38;
	[tilespmem:$0x4000] =	vst v63  }
0xf: {  	_ =	swait.ge [sflag:s12], $0x400  }
0x10: {  	[sflag:s12] =	ssyncset.done $0x0  }
0x11: {  	[sflag:s12] =	ssyncadd.s32 $0xFFFFFC00  }
0x12: {  	[tilespmem:s13], [sflag:$0x1] =	stream.linear.gather [hbm4b:s17+s11], $0x1400, $0x38;
	[tilespmem:$0x4000] =	vst v63  }
0x13: {  	_ =	swait.ge [sflag:s12], $0x1400  }
0x14: {  	[sflag:s12] =	ssyncset.done $0x0  }
0x15: {  	[sflag:s12] =	ssyncadd.s32 $0xFFFFEC00  }
0x16: {  	[tilespmem:s14], [sflag:$0x1] =	stream.linear.gather [hbm4b:s16+s11], $0x2800, $0x38;
	[tilespmem:$0x4000] =	vst v63  }
0x17: {  	_ =	swait.ge [sflag:s12], $0x2800  }
0x18: {  	[sflag:s12] =	ssyncset.done $0x0  }
0x19: {  	[sflag:s12] =	ssyncadd.s32 $0xFFFFD800  }
0x1a: {  	v0 =	vld [tilespmem:$0x0]  }
0x1b: {  	v1 =	vld [tilespmem:$0x80];
	_ =	sdelay $0x4  }
0x1c: {  	v2 =	vand.u32 $0xFFFFFF80, v1;
	v3 =	vshll.u32 v0, $0x7  }
0x1d: {  	v4 =	vand.u32 $0x7F, v1;
	v2 =	vadd.s32 v3, v2  }
0x1e: {  	v2 =	vor.u32 v4, v2  }
0x1f: {  	v44 =	vshll.u32 v1, $0x8;
	v45 =	vshll.u32 v0, $0x3  }
0x20: {  	v1 =	vshll.u32 v1, $0x7;
	v3 =	vand.u32 $0xFFFFF800, v44;
	v4 =	vand.u32 $0xFFFFFC00, v45  }
0x21: {  	v1 =	vand.u32 $0x380, v1;
	v3 =	vadd.s32 v4, v3  }
0x22: {  	v0 =	vand.u32 $0x7F, v0;
	v1 =	vor.u32 v1, v3  }
0x23: {  	v0 =	vor.u32 v0, v1;
	v2 =	vld.idx.msk [tilespmem:v2+s13+$0x0], $0xffff;
	_ =	sdelay $0x4  }
0x24: {  	[tilespmem:v0+s14+$0x0] =	vst.idx.msk $0xffff, v2  }
0x25: {  	v0 =	vld [tilespmem:$0x10]  }
0x26: {  	v46 =	vld [tilespmem:$0x90];
	_ =	sdelay $0x4  }
0x27: {  	v47 =	vand.u32 $0xFFFFFF80, v46;
	v48 =	vshll.u32 v0, $0x7  }
0x28: {  	v49 =	vand.u32 $0x7F, v46;
	v2 =	vadd.s32 v48, v47  }
0x29: {  	v2 =	vor.u32 v49, v2  }
0x2a: {  	v50 =	vshll.u32 v46, $0x8;
	v51 =	vshll.u32 v0, $0x3  }
0x2b: {  	v1 =	vshll.u32 v46, $0x7;
	v3 =	vand.u32 $0xFFFFF800, v50;
	v4 =	vand.u32 $0xFFFFFC00, v51  }
0x2c: {  	v1 =	vand.u32 $0x380, v1;
	v3 =	vadd.s32 v4, v3  }
0x2d: {  	v0 =	vand.u32 $0x7F, v0;
	v1 =	vor.u32 v1, v3  }
0x2e: {  	v0 =	vor.u32 v0, v1;
	v2 =	vld.idx.msk [tilespmem:v2+s13+$0x0], $0xffff;
	_ =	sdelay $0x4  }
0x2f: {  	[tilespmem:v0+s14+$0x0] =	vst.idx.msk $0xffff, v2  }
0x30: {  	v0 =	vld [tilespmem:$0x20]  }
0x31: {  	v52 =	vld [tilespmem:$0xA0];
	_ =	sdelay $0x4  }
0x32: {  	v53 =	vand.u32 $0xFFFFFF80, v52;
	v54 =	vshll.u32 v0, $0x7  }
0x33: {  	v55 =	vand.u32 $0x7F, v52;
	v2 =	vadd.s32 v54, v53  }
0x34: {  	v2 =	vor.u32 v55, v2  }
0x35: {  	v56 =	vshll.u32 v52, $0x8;
	v57 =	vshll.u32 v0, $0x3  }
0x36: {  	v1 =	vshll.u32 v52, $0x7;
	v3 =	vand.u32 $0xFFFFF800, v56;
	v4 =	vand.u32 $0xFFFFFC00, v57  }
0x37: {  	v1 =	vand.u32 $0x380, v1;
	v3 =	vadd.s32 v4, v3  }
0x38: {  	v0 =	vand.u32 $0x7F, v0;
	v1 =	vor.u32 v1, v3  }
0x39: {  	v0 =	vor.u32 v0, v1;
	v2 =	vld.idx.msk [tilespmem:v2+s13+$0x0], $0xffff;
	_ =	sdelay $0x4  }
0x3a: {  	[tilespmem:v0+s14+$0x0] =	vst.idx.msk $0xffff, v2  }
0x3b: {  	v0 =	vld [tilespmem:$0x30]  }
0x3c: {  	v58 =	vld [tilespmem:$0xB0];
	_ =	sdelay $0x4  }
0x3d: {  	v59 =	vand.u32 $0xFFFFFF80, v58;
	v60 =	vshll.u32 v0, $0x7  }
0x3e: {  	v61 =	vand.u32 $0x7F, v58;
	v2 =	vadd.s32 v60, v59  }
0x3f: {  	v2 =	vor.u32 v61, v2  }
0x40: {  	v62 =	vshll.u32 v58, $0x8;
	v63 =	vshll.u32 v0, $0x3  }
0x41: {  	v1 =	vshll.u32 v58, $0x7;
	v3 =	vand.u32 $0xFFFFF800, v62;
	v4 =	vand.u32 $0xFFFFFC00, v63  }
0x42: {  	v1 =	vand.u32 $0x380, v1;
	v3 =	vadd.s32 v4, v3  }
0x43: {  	v0 =	vand.u32 $0x7F, v0;
	v1 =	vor.u32 v1, v3  }
0x44: {  	v0 =	vor.u32 v0, v1;
	v2 =	vld.idx.msk [tilespmem:v2+s13+$0x0], $0xffff;
	_ =	sdelay $0x4  }
0x45: {  	[tilespmem:v0+s14+$0x0] =	vst.idx.msk $0xffff, v2  }
0x46: {  	v0 =	vld [tilespmem:$0x40]  }
0x47: {  	v8 =	vld [tilespmem:$0xC0];
	_ =	sdelay $0x4  }
0x48: {  	v9 =	vand.u32 $0xFFFFFF80, v8;
	v10 =	vshll.u32 v0, $0x7  }
0x49: {  	v11 =	vand.u32 $0x7F, v8;
	v2 =	vadd.s32 v10, v9  }
0x4a: {  	v2 =	vor.u32 v11, v2  }
0x4b: {  	v12 =	vshll.u32 v8, $0x8;
	v13 =	vshll.u32 v0, $0x3  }
0x4c: {  	v1 =	vshll.u32 v8, $0x7;
	v3 =	vand.u32 $0xFFFFF800, v12;
	v4 =	vand.u32 $0xFFFFFC00, v13  }
0x4d: {  	v1 =	vand.u32 $0x380, v1;
	v3 =	vadd.s32 v4, v3  }
0x4e: {  	v0 =	vand.u32 $0x7F, v0;
	v1 =	vor.u32 v1, v3  }
0x4f: {  	v0 =	vor.u32 v0, v1;
	v2 =	vld.idx.msk [tilespmem:v2+s13+$0x0], $0xffff;
	_ =	sdelay $0x4  }
0x50: {  	[tilespmem:v0+s14+$0x0] =	vst.idx.msk $0xffff, v2  }
0x51: {  	v0 =	vld [tilespmem:$0x50]  }
0x52: {  	v14 =	vld [tilespmem:$0xD0];
	_ =	sdelay $0x4  }
0x53: {  	v15 =	vand.u32 $0xFFFFFF80, v14;
	v16 =	vshll.u32 v0, $0x7  }
0x54: {  	v17 =	vand.u32 $0x7F, v14;
	v2 =	vadd.s32 v16, v15  }
0x55: {  	v2 =	vor.u32 v17, v2  }
0x56: {  	v18 =	vshll.u32 v14, $0x8;
	v19 =	vshll.u32 v0, $0x3  }
0x57: {  	v1 =	vshll.u32 v14, $0x7;
	v3 =	vand.u32 $0xFFFFF800, v18;
	v4 =	vand.u32 $0xFFFFFC00, v19  }
0x58: {  	v1 =	vand.u32 $0x380, v1;
	v3 =	vadd.s32 v4, v3  }
0x59: {  	v0 =	vand.u32 $0x7F, v0;
	v1 =	vor.u32 v1, v3  }
0x5a: {  	v0 =	vor.u32 v0, v1;
	v2 =	vld.idx.msk [tilespmem:v2+s13+$0x0], $0xffff;
	_ =	sdelay $0x4  }
0x5b: {  	[tilespmem:v0+s14+$0x0] =	vst.idx.msk $0xffff, v2  }
0x5c: {  	v0 =	vld [tilespmem:$0x60]  }
0x5d: {  	v20 =	vld [tilespmem:$0xE0];
	_ =	sdelay $0x4  }
0x5e: {  	v21 =	vand.u32 $0xFFFFFF80, v20;
	v22 =	vshll.u32 v0, $0x7  }
0x5f: {  	v23 =	vand.u32 $0x7F, v20;
	v2 =	vadd.s32 v22, v21  }
0x60: {  	v2 =	vor.u32 v23, v2  }
0x61: {  	v24 =	vshll.u32 v20, $0x8;
	v25 =	vshll.u32 v0, $0x3  }
0x62: {  	v1 =	vshll.u32 v20, $0x7;
	v3 =	vand.u32 $0xFFFFF800, v24;
	v4 =	vand.u32 $0xFFFFFC00, v25  }
0x63: {  	v1 =	vand.u32 $0x380, v1;
	v3 =	vadd.s32 v4, v3  }
0x64: {  	v0 =	vand.u32 $0x7F, v0;
	v1 =	vor.u32 v1, v3  }
0x65: {  	v0 =	vor.u32 v0, v1;
	v2 =	vld.idx.msk [tilespmem:v2+s13+$0x0], $0xffff;
	_ =	sdelay $0x4  }
0x66: {  	[tilespmem:v0+s14+$0x0] =	vst.idx.msk $0xffff, v2  }
0x67: {  	v0 =	vld [tilespmem:$0x70]  }
0x68: {  	v26 =	vld [tilespmem:$0xF0];
	_ =	sdelay $0x4  }
0x69: {  	v27 =	vand.u32 $0xFFFFFF80, v26;
	v28 =	vshll.u32 v0, $0x7  }
0x6a: {  	v29 =	vand.u32 $0x7F, v26;
	v2 =	vadd.s32 v28, v27  }
0x6b: {  	v2 =	vor.u32 v29, v2  }
0x6c: {  	v30 =	vshll.u32 v26, $0x8;
	v31 =	vshll.u32 v0, $0x3  }
0x6d: {  	v1 =	vshll.u32 v26, $0x7;
	v3 =	vand.u32 $0xFFFFF800, v30;
	v4 =	vand.u32 $0xFFFFFC00, v31  }
0x6e: {  	v1 =	vand.u32 $0x380, v1;
	v3 =	vadd.s32 v4, v3  }
0x6f: {  	v0 =	vand.u32 $0x7F, v0;
	v1 =	vor.u32 v1, v3  }
0x70: {  	v0 =	vor.u32 v0, v1;
	v2 =	vld.idx.msk [tilespmem:v2+s13+$0x0], $0xffff;
	_ =	sdelay $0x4  }
0x71: {  	[tilespmem:v0+s14+$0x0] =	vst.idx.msk $0xffff, v2  }
0x72: {  	v0 =	vld [tilespmem:$0x100]  }
0x73: {  	v32 =	vld [tilespmem:$0x180];
	_ =	sdelay $0x4  }
0x74: {  	v33 =	vand.u32 $0xFFFFFF80, v32;
	v34 =	vshll.u32 v0, $0x7  }
0x75: {  	v35 =	vand.u32 $0x7F, v32;
	v2 =	vadd.s32 v34, v33  }
0x76: {  	v2 =	vor.u32 v35, v2  }
0x77: {  	v36 =	vshll.u32 v32, $0x8;
	v37 =	vshll.u32 v0, $0x3  }
0x78: {  	v1 =	vshll.u32 v32, $0x7;
	v3 =	vand.u32 $0xFFFFF800, v36;
	v4 =	vand.u32 $0xFFFFFC00, v37  }
0x79: {  	v1 =	vand.u32 $0x380, v1;
	v3 =	vadd.s32 v4, v3  }
0x7a: {  	v0 =	vand.u32 $0x7F, v0;
	v1 =	vor.u32 v1, v3  }
0x7b: {  	v0 =	vor.u32 v0, v1;
	v2 =	vld.idx.msk [tilespmem:v2+s13+$0x0], $0xffff;
	_ =	sdelay $0x4  }
0x7c: {  	[tilespmem:v0+s14+$0x0] =	vst.idx.msk $0xffff, v2  }
0x7d: {  	v0 =	vld [tilespmem:$0x110]  }
0x7e: {  	v38 =	vld [tilespmem:$0x190];
	_ =	sdelay $0x4  }
0x7f: {  	v39 =	vand.u32 $0xFFFFFF80, v38;
	v40 =	vshll.u32 v0, $0x7  }
0x80: {  	v41 =	vand.u32 $0x7F, v38;
	v2 =	vadd.s32 v40, v39  }
0x81: {  	v2 =	vor.u32 v41, v2  }
0x82: {  	v42 =	vshll.u32 v38, $0x8;
	v43 =	vshll.u32 v0, $0x3  }
0x83: {  	v1 =	vshll.u32 v38, $0x7;
	v3 =	vand.u32 $0xFFFFF800, v42;
	v4 =	vand.u32 $0xFFFFFC00, v43  }
0x84: {  	v1 =	vand.u32 $0x380, v1;
	v3 =	vadd.s32 v4, v3  }
0x85: {  	v0 =	vand.u32 $0x7F, v0;
	v1 =	vor.u32 v1, v3  }
0x86: {  	v0 =	vor.u32 v0, v1;
	v2 =	vld.idx.msk [tilespmem:v2+s13+$0x0], $0xffff;
	_ =	sdelay $0x4  }
0x87: {  	[tilespmem:v0+s14+$0x0] =	vst.idx.msk $0xffff, v2  }
0x88: {  	v0 =	vld [tilespmem:$0x120]  }
0x89: {  	v44 =	vld [tilespmem:$0x1A0];
	_ =	sdelay $0x4  }
0x8a: {  	v45 =	vand.u32 $0xFFFFFF80, v44;
	v46 =	vshll.u32 v0, $0x7  }
0x8b: {  	v47 =	vand.u32 $0x7F, v44;
	v2 =	vadd.s32 v46, v45  }
0x8c: {  	v2 =	vor.u32 v47, v2  }
0x8d: {  	v48 =	vshll.u32 v44, $0x8;
	v49 =	vshll.u32 v0, $0x3  }
0x8e: {  	v1 =	vshll.u32 v44, $0x7;
	v3 =	vand.u32 $0xFFFFF800, v48;
	v4 =	vand.u32 $0xFFFFFC00, v49  }
0x8f: {  	v1 =	vand.u32 $0x380, v1;
	v3 =	vadd.s32 v4, v3  }
0x90: {  	v0 =	vand.u32 $0x7F, v0;
	v1 =	vor.u32 v1, v3  }
0x91: {  	v0 =	vor.u32 v0, v1;
	v2 =	vld.idx.msk [tilespmem:v2+s13+$0x0], $0xffff;
	_ =	sdelay $0x4  }
0x92: {  	[tilespmem:v0+s14+$0x0] =	vst.idx.msk $0xffff, v2  }
0x93: {  	v0 =	vld [tilespmem:$0x130]  }
0x94: {  	v50 =	vld [tilespmem:$0x1B0];
	_ =	sdelay $0x4  }
0x95: {  	v51 =	vand.u32 $0xFFFFFF80, v50;
	v52 =	vshll.u32 v0, $0x7  }
0x96: {  	v53 =	vand.u32 $0x7F, v50;
	v2 =	vadd.s32 v52, v51  }
0x97: {  	v2 =	vor.u32 v53, v2  }
0x98: {  	v54 =	vshll.u32 v50, $0x8;
	v55 =	vshll.u32 v0, $0x3  }
0x99: {  	v1 =	vshll.u32 v50, $0x7;
	v3 =	vand.u32 $0xFFFFF800, v54;
	v4 =	vand.u32 $0xFFFFFC00, v55  }
0x9a: {  	v1 =	vand.u32 $0x380, v1;
	v3 =	vadd.s32 v4, v3  }
0x9b: {  	v0 =	vand.u32 $0x7F, v0;
	v1 =	vor.u32 v1, v3  }
0x9c: {  	v0 =	vor.u32 v0, v1;
	v2 =	vld.idx.msk [tilespmem:v2+s13+$0x0], $0xffff;
	_ =	sdelay $0x4  }
0x9d: {  	[tilespmem:v0+s14+$0x0] =	vst.idx.msk $0xffff, v2  }
0x9e: {  	v0 =	vld [tilespmem:$0x140]  }
0x9f: {  	v56 =	vld [tilespmem:$0x1C0];
	_ =	sdelay $0x4  }
0xa0: {  	v57 =	vand.u32 $0xFFFFFF80, v56;
	v58 =	vshll.u32 v0, $0x7  }
0xa1: {  	v59 =	vand.u32 $0x7F, v56;
	v2 =	vadd.s32 v58, v57  }
0xa2: {  	v2 =	vor.u32 v59, v2  }
0xa3: {  	v60 =	vshll.u32 v56, $0x8;
	v61 =	vshll.u32 v0, $0x3  }
0xa4: {  	v1 =	vshll.u32 v56, $0x7;
	v3 =	vand.u32 $0xFFFFF800, v60;
	v4 =	vand.u32 $0xFFFFFC00, v61  }
0xa5: {  	v1 =	vand.u32 $0x380, v1;
	v3 =	vadd.s32 v4, v3  }
0xa6: {  	v0 =	vand.u32 $0x7F, v0;
	v1 =	vor.u32 v1, v3  }
0xa7: {  	v0 =	vor.u32 v0, v1;
	v2 =	vld.idx.msk [tilespmem:v2+s13+$0x0], $0xffff;
	_ =	sdelay $0x4  }
0xa8: {  	[tilespmem:v0+s14+$0x0] =	vst.idx.msk $0xffff, v2  }
0xa9: {  	v0 =	vld [tilespmem:$0x150]  }
0xaa: {  	v62 =	vld [tilespmem:$0x1D0];
	_ =	sdelay $0x4  }
0xab: {  	v63 =	vand.u32 $0xFFFFFF80, v62;
	v8 =	vshll.u32 v0, $0x7  }
0xac: {  	v9 =	vand.u32 $0x7F, v62;
	v2 =	vadd.s32 v8, v63  }
0xad: {  	v2 =	vor.u32 v9, v2  }
0xae: {  	v10 =	vshll.u32 v62, $0x8;
	v11 =	vshll.u32 v0, $0x3  }
0xaf: {  	v1 =	vshll.u32 v62, $0x7;
	v3 =	vand.u32 $0xFFFFF800, v10;
	v4 =	vand.u32 $0xFFFFFC00, v11  }
0xb0: {  	v1 =	vand.u32 $0x380, v1;
	v3 =	vadd.s32 v4, v3  }
0xb1: {  	v0 =	vand.u32 $0x7F, v0;
	v1 =	vor.u32 v1, v3  }
0xb2: {  	v0 =	vor.u32 v0, v1;
	v2 =	vld.idx.msk [tilespmem:v2+s13+$0x0], $0xffff;
	_ =	sdelay $0x4  }
0xb3: {  	[tilespmem:v0+s14+$0x0] =	vst.idx.msk $0xffff, v2  }
0xb4: {  	v0 =	vld [tilespmem:$0x160]  }
0xb5: {  	v12 =	vld [tilespmem:$0x1E0];
	_ =	sdelay $0x4  }
0xb6: {  	v13 =	vand.u32 $0xFFFFFF80, v12;
	v14 =	vshll.u32 v0, $0x7  }
0xb7: {  	v15 =	vand.u32 $0x7F, v12;
	v2 =	vadd.s32 v14, v13  }
0xb8: {  	v2 =	vor.u32 v15, v2  }
0xb9: {  	v16 =	vshll.u32 v12, $0x8;
	v17 =	vshll.u32 v0, $0x3  }
0xba: {  	v1 =	vshll.u32 v12, $0x7;
	v3 =	vand.u32 $0xFFFFF800, v16;
	v4 =	vand.u32 $0xFFFFFC00, v17  }
0xbb: {  	v1 =	vand.u32 $0x380, v1;
	v3 =	vadd.s32 v4, v3  }
0xbc: {  	v0 =	vand.u32 $0x7F, v0;
	v1 =	vor.u32 v1, v3  }
0xbd: {  	v0 =	vor.u32 v0, v1;
	v2 =	vld.idx.msk [tilespmem:v2+s13+$0x0], $0xffff;
	_ =	sdelay $0x4  }
0xbe: {  	[tilespmem:v0+s14+$0x0] =	vst.idx.msk $0xffff, v2  }
0xbf: {  	v0 =	vld [tilespmem:$0x170]  }
0xc0: {  	v18 =	vld [tilespmem:$0x1F0];
	_ =	sdelay $0x4  }
0xc1: {  	v19 =	vand.u32 $0xFFFFFF80, v18;
	v20 =	vshll.u32 v0, $0x7  }
0xc2: {  	v21 =	vand.u32 $0x7F, v18;
	v2 =	vadd.s32 v20, v19  }
0xc3: {  	v2 =	vor.u32 v21, v2  }
0xc4: {  	v22 =	vshll.u32 v18, $0x8;
	v23 =	vshll.u32 v0, $0x3  }
0xc5: {  	v1 =	vshll.u32 v18, $0x7;
	v3 =	vand.u32 $0xFFFFF800, v22;
	v4 =	vand.u32 $0xFFFFFC00, v23  }
0xc6: {  	v1 =	vand.u32 $0x380, v1;
	v3 =	vadd.s32 v4, v3  }
0xc7: {  	v0 =	vand.u32 $0x7F, v0;
	v1 =	vor.u32 v1, v3  }
0xc8: {  	v0 =	vor.u32 v0, v1;
	v2 =	vld.idx.msk [tilespmem:v2+s13+$0x0], $0xffff;
	_ =	sdelay $0x4  }
0xc9: {  	[tilespmem:v0+s14+$0x0] =	vst.idx.msk $0xffff, v2  }
0xca: {  	v0 =	vld [tilespmem:$0x200]  }
0xcb: {  	v24 =	vld [tilespmem:$0x280];
	_ =	sdelay $0x4  }
0xcc: {  	v25 =	vand.u32 $0xFFFFFF80, v24;
	v26 =	vshll.u32 v0, $0x7  }
0xcd: {  	v27 =	vand.u32 $0x7F, v24;
	v2 =	vadd.s32 v26, v25  }
0xce: {  	v2 =	vor.u32 v27, v2  }
0xcf: {  	v28 =	vshll.u32 v24, $0x8;
	v29 =	vshll.u32 v0, $0x3  }
0xd0: {  	v1 =	vshll.u32 v24, $0x7;
	v3 =	vand.u32 $0xFFFFF800, v28;
	v4 =	vand.u32 $0xFFFFFC00, v29  }
0xd1: {  	v1 =	vand.u32 $0x380, v1;
	v3 =	vadd.s32 v4, v3  }
0xd2: {  	v0 =	vand.u32 $0x7F, v0;
	v1 =	vor.u32 v1, v3  }
0xd3: {  	v0 =	vor.u32 v0, v1;
	v2 =	vld.idx.msk [tilespmem:v2+s13+$0x0], $0xffff;
	_ =	sdelay $0x4  }
0xd4: {  	[tilespmem:v0+s14+$0x0] =	vst.idx.msk $0xffff, v2  }
0xd5: {  	v0 =	vld [tilespmem:$0x210]  }
0xd6: {  	v30 =	vld [tilespmem:$0x290];
	_ =	sdelay $0x4  }
0xd7: {  	v31 =	vand.u32 $0xFFFFFF80, v30;
	v32 =	vshll.u32 v0, $0x7  }
0xd8: {  	v33 =	vand.u32 $0x7F, v30;
	v2 =	vadd.s32 v32, v31  }
0xd9: {  	v2 =	vor.u32 v33, v2  }
0xda: {  	v34 =	vshll.u32 v30, $0x8;
	v35 =	vshll.u32 v0, $0x3  }
0xdb: {  	v1 =	vshll.u32 v30, $0x7;
	v3 =	vand.u32 $0xFFFFF800, v34;
	v4 =	vand.u32 $0xFFFFFC00, v35  }
0xdc: {  	v1 =	vand.u32 $0x380, v1;
	v3 =	vadd.s32 v4, v3  }
0xdd: {  	v0 =	vand.u32 $0x7F, v0;
	v1 =	vor.u32 v1, v3  }
0xde: {  	v0 =	vor.u32 v0, v1;
	v2 =	vld.idx.msk [tilespmem:v2+s13+$0x0], $0xffff;
	_ =	sdelay $0x4  }
0xdf: {  	[tilespmem:v0+s14+$0x0] =	vst.idx.msk $0xffff, v2  }
0xe0: {  	v0 =	vld [tilespmem:$0x220]  }
0xe1: {  	v36 =	vld [tilespmem:$0x2A0];
	_ =	sdelay $0x4  }
0xe2: {  	v37 =	vand.u32 $0xFFFFFF80, v36;
	v38 =	vshll.u32 v0, $0x7  }
0xe3: {  	v39 =	vand.u32 $0x7F, v36;
	v2 =	vadd.s32 v38, v37  }
0xe4: {  	v2 =	vor.u32 v39, v2  }
0xe5: {  	v40 =	vshll.u32 v36, $0x8;
	v41 =	vshll.u32 v0, $0x3  }
0xe6: {  	v1 =	vshll.u32 v36, $0x7;
	v3 =	vand.u32 $0xFFFFF800, v40;
	v4 =	vand.u32 $0xFFFFFC00, v41  }
0xe7: {  	v1 =	vand.u32 $0x380, v1;
	v3 =	vadd.s32 v4, v3  }
0xe8: {  	v0 =	vand.u32 $0x7F, v0;
	v1 =	vor.u32 v1, v3  }
0xe9: {  	v0 =	vor.u32 v0, v1;
	v2 =	vld.idx.msk [tilespmem:v2+s13+$0x0], $0xffff;
	_ =	sdelay $0x4  }
0xea: {  	[tilespmem:v0+s14+$0x0] =	vst.idx.msk $0xffff, v2  }
0xeb: {  	v0 =	vld [tilespmem:$0x230]  }
0xec: {  	v42 =	vld [tilespmem:$0x2B0];
	_ =	sdelay $0x4  }
0xed: {  	v43 =	vand.u32 $0xFFFFFF80, v42;
	v44 =	vshll.u32 v0, $0x7  }
0xee: {  	v45 =	vand.u32 $0x7F, v42;
	v2 =	vadd.s32 v44, v43  }
0xef: {  	v2 =	vor.u32 v45, v2  }
0xf0: {  	v46 =	vshll.u32 v42, $0x8;
	v47 =	vshll.u32 v0, $0x3  }
0xf1: {  	v1 =	vshll.u32 v42, $0x7;
	v3 =	vand.u32 $0xFFFFF800, v46;
	v4 =	vand.u32 $0xFFFFFC00, v47  }
0xf2: {  	v1 =	vand.u32 $0x380, v1;
	v3 =	vadd.s32 v4, v3  }
0xf3: {  	v0 =	vand.u32 $0x7F, v0;
	v1 =	vor.u32 v1, v3  }
0xf4: {  	v0 =	vor.u32 v0, v1;
	v2 =	vld.idx.msk [tilespmem:v2+s13+$0x0], $0xffff;
	_ =	sdelay $0x4  }
0xf5: {  	[tilespmem:v0+s14+$0x0] =	vst.idx.msk $0xffff, v2  }
0xf6: {  	v0 =	vld [tilespmem:$0x240]  }
0xf7: {  	v48 =	vld [tilespmem:$0x2C0];
	_ =	sdelay $0x4  }
0xf8: {  	v49 =	vand.u32 $0xFFFFFF80, v48;
	v50 =	vshll.u32 v0, $0x7  }
0xf9: {  	v51 =	vand.u32 $0x7F, v48;
	v2 =	vadd.s32 v50, v49  }
0xfa: {  	v2 =	vor.u32 v51, v2  }
0xfb: {  	v52 =	vshll.u32 v48, $0x8;
	v53 =	vshll.u32 v0, $0x3  }
0xfc: {  	v1 =	vshll.u32 v48, $0x7;
	v3 =	vand.u32 $0xFFFFF800, v52;
	v4 =	vand.u32 $0xFFFFFC00, v53  }
0xfd: {  	v1 =	vand.u32 $0x380, v1;
	v3 =	vadd.s32 v4, v3  }
0xfe: {  	v0 =	vand.u32 $0x7F, v0;
	v1 =	vor.u32 v1, v3  }
0xff: {  	v0 =	vor.u32 v0, v1;
	v2 =	vld.idx.msk [tilespmem:v2+s13+$0x0], $0xffff;
	_ =	sdelay $0x4  }
0x100: {  	[tilespmem:v0+s14+$0x0] =	vst.idx.msk $0xffff, v2  }
0x101: {  	v0 =	vld [tilespmem:$0x250]  }
0x102: {  	v54 =	vld [tilespmem:$0x2D0];
	_ =	sdelay $0x4  }
0x103: {  	v55 =	vand.u32 $0xFFFFFF80, v54;
	v56 =	vshll.u32 v0, $0x7  }
0x104: {  	v57 =	vand.u32 $0x7F, v54;
	v2 =	vadd.s32 v56, v55  }
0x105: {  	v2 =	vor.u32 v57, v2  }
0x106: {  	v58 =	vshll.u32 v54, $0x8;
	v59 =	vshll.u32 v0, $0x3  }
0x107: {  	v1 =	vshll.u32 v54, $0x7;
	v3 =	vand.u32 $0xFFFFF800, v58;
	v4 =	vand.u32 $0xFFFFFC00, v59  }
0x108: {  	v1 =	vand.u32 $0x380, v1;
	v3 =	vadd.s32 v4, v3  }
0x109: {  	v0 =	vand.u32 $0x7F, v0;
	v1 =	vor.u32 v1, v3  }
0x10a: {  	v0 =	vor.u32 v0, v1;
	v2 =	vld.idx.msk [tilespmem:v2+s13+$0x0], $0xffff;
	_ =	sdelay $0x4  }
0x10b: {  	[tilespmem:v0+s14+$0x0] =	vst.idx.msk $0xffff, v2  }
0x10c: {  	v0 =	vld [tilespmem:$0x260]  }
0x10d: {  	v60 =	vld [tilespmem:$0x2E0];
	_ =	sdelay $0x4  }
0x10e: {  	v61 =	vand.u32 $0xFFFFFF80, v60;
	v62 =	vshll.u32 v0, $0x7  }
0x10f: {  	v63 =	vand.u32 $0x7F, v60;
	v2 =	vadd.s32 v62, v61  }
0x110: {  	v2 =	vor.u32 v63, v2  }
0x111: {  	v8 =	vshll.u32 v60, $0x8;
	v9 =	vshll.u32 v0, $0x3  }
0x112: {  	v1 =	vshll.u32 v60, $0x7;
	v3 =	vand.u32 $0xFFFFF800, v8;
	v4 =	vand.u32 $0xFFFFFC00, v9  }
0x113: {  	v1 =	vand.u32 $0x380, v1;
	v3 =	vadd.s32 v4, v3  }
0x114: {  	v0 =	vand.u32 $0x7F, v0;
	v1 =	vor.u32 v1, v3  }
0x115: {  	v0 =	vor.u32 v0, v1;
	v2 =	vld.idx.msk [tilespmem:v2+s13+$0x0], $0xffff;
	_ =	sdelay $0x4  }
0x116: {  	[tilespmem:v0+s14+$0x0] =	vst.idx.msk $0xffff, v2  }
0x117: {  	v0 =	vld [tilespmem:$0x270]  }
0x118: {  	v10 =	vld [tilespmem:$0x2F0];
	_ =	sdelay $0x4  }
0x119: {  	v11 =	vand.u32 $0xFFFFFF80, v10;
	v12 =	vshll.u32 v0, $0x7  }
0x11a: {  	v13 =	vand.u32 $0x7F, v10;
	v2 =	vadd.s32 v12, v11  }
0x11b: {  	v2 =	vor.u32 v13, v2  }
0x11c: {  	v14 =	vshll.u32 v10, $0x8;
	v15 =	vshll.u32 v0, $0x3  }
0x11d: {  	v1 =	vshll.u32 v10, $0x7;
	v3 =	vand.u32 $0xFFFFF800, v14;
	v4 =	vand.u32 $0xFFFFFC00, v15  }
0x11e: {  	v1 =	vand.u32 $0x380, v1;
	v3 =	vadd.s32 v4, v3  }
0x11f: {  	v0 =	vand.u32 $0x7F, v0;
	v1 =	vor.u32 v1, v3  }
0x120: {  	v0 =	vor.u32 v0, v1;
	v2 =	vld.idx.msk [tilespmem:v2+s13+$0x0], $0xffff;
	_ =	sdelay $0x4  }
0x121: {  	[tilespmem:v0+s14+$0x0] =	vst.idx.msk $0xffff, v2  }
0x122: {  	v0 =	vld [tilespmem:$0x300]  }
0x123: {  	v16 =	vld [tilespmem:$0x380];
	_ =	sdelay $0x4  }
0x124: {  	v17 =	vand.u32 $0xFFFFFF80, v16;
	v18 =	vshll.u32 v0, $0x7  }
0x125: {  	v19 =	vand.u32 $0x7F, v16;
	v2 =	vadd.s32 v18, v17  }
0x126: {  	v2 =	vor.u32 v19, v2  }
0x127: {  	v20 =	vshll.u32 v16, $0x8;
	v21 =	vshll.u32 v0, $0x3  }
0x128: {  	v1 =	vshll.u32 v16, $0x7;
	v3 =	vand.u32 $0xFFFFF800, v20;
	v4 =	vand.u32 $0xFFFFFC00, v21  }
0x129: {  	v1 =	vand.u32 $0x380, v1;
	v3 =	vadd.s32 v4, v3  }
0x12a: {  	v0 =	vand.u32 $0x7F, v0;
	v1 =	vor.u32 v1, v3  }
0x12b: {  	v0 =	vor.u32 v0, v1;
	v2 =	vld.idx.msk [tilespmem:v2+s13+$0x0], $0xffff;
	_ =	sdelay $0x4  }
0x12c: {  	[tilespmem:v0+s14+$0x0] =	vst.idx.msk $0xffff, v2  }
0x12d: {  	v0 =	vld [tilespmem:$0x310]  }
0x12e: {  	v22 =	vld [tilespmem:$0x390];
	_ =	sdelay $0x4  }
0x12f: {  	v23 =	vand.u32 $0xFFFFFF80, v22;
	v24 =	vshll.u32 v0, $0x7  }
0x130: {  	v25 =	vand.u32 $0x7F, v22;
	v2 =	vadd.s32 v24, v23  }
0x131: {  	v2 =	vor.u32 v25, v2  }
0x132: {  	v26 =	vshll.u32 v22, $0x8;
	v27 =	vshll.u32 v0, $0x3  }
0x133: {  	v1 =	vshll.u32 v22, $0x7;
	v3 =	vand.u32 $0xFFFFF800, v26;
	v4 =	vand.u32 $0xFFFFFC00, v27  }
0x134: {  	v1 =	vand.u32 $0x380, v1;
	v3 =	vadd.s32 v4, v3  }
0x135: {  	v0 =	vand.u32 $0x7F, v0;
	v1 =	vor.u32 v1, v3  }
0x136: {  	v0 =	vor.u32 v0, v1;
	v2 =	vld.idx.msk [tilespmem:v2+s13+$0x0], $0xffff;
	_ =	sdelay $0x4  }
0x137: {  	[tilespmem:v0+s14+$0x0] =	vst.idx.msk $0xffff, v2  }
0x138: {  	v0 =	vld [tilespmem:$0x320]  }
0x139: {  	v28 =	vld [tilespmem:$0x3A0];
	_ =	sdelay $0x4  }
0x13a: {  	v29 =	vand.u32 $0xFFFFFF80, v28;
	v30 =	vshll.u32 v0, $0x7  }
0x13b: {  	v31 =	vand.u32 $0x7F, v28;
	v2 =	vadd.s32 v30, v29  }
0x13c: {  	v2 =	vor.u32 v31, v2  }
0x13d: {  	v32 =	vshll.u32 v28, $0x8;
	v33 =	vshll.u32 v0, $0x3  }
0x13e: {  	v1 =	vshll.u32 v28, $0x7;
	v3 =	vand.u32 $0xFFFFF800, v32;
	v4 =	vand.u32 $0xFFFFFC00, v33  }
0x13f: {  	v1 =	vand.u32 $0x380, v1;
	v3 =	vadd.s32 v4, v3  }
0x140: {  	v0 =	vand.u32 $0x7F, v0;
	v1 =	vor.u32 v1, v3  }
0x141: {  	v0 =	vor.u32 v0, v1;
	v2 =	vld.idx.msk [tilespmem:v2+s13+$0x0], $0xffff;
	_ =	sdelay $0x4  }
0x142: {  	[tilespmem:v0+s14+$0x0] =	vst.idx.msk $0xffff, v2  }
0x143: {  	v0 =	vld [tilespmem:$0x330]  }
0x144: {  	v34 =	vld [tilespmem:$0x3B0];
	_ =	sdelay $0x4  }
0x145: {  	v35 =	vand.u32 $0xFFFFFF80, v34;
	v36 =	vshll.u32 v0, $0x7  }
0x146: {  	v37 =	vand.u32 $0x7F, v34;
	v2 =	vadd.s32 v36, v35  }
0x147: {  	v2 =	vor.u32 v37, v2  }
0x148: {  	v38 =	vshll.u32 v34, $0x8;
	v39 =	vshll.u32 v0, $0x3  }
0x149: {  	v1 =	vshll.u32 v34, $0x7;
	v3 =	vand.u32 $0xFFFFF800, v38;
	v4 =	vand.u32 $0xFFFFFC00, v39  }
0x14a: {  	v1 =	vand.u32 $0x380, v1;
	v3 =	vadd.s32 v4, v3  }
0x14b: {  	v0 =	vand.u32 $0x7F, v0;
	v1 =	vor.u32 v1, v3  }
0x14c: {  	v0 =	vor.u32 v0, v1;
	v2 =	vld.idx.msk [tilespmem:v2+s13+$0x0], $0xffff;
	_ =	sdelay $0x4  }
0x14d: {  	[tilespmem:v0+s14+$0x0] =	vst.idx.msk $0xffff, v2  }
0x14e: {  	v0 =	vld [tilespmem:$0x340]  }
0x14f: {  	v40 =	vld [tilespmem:$0x3C0];
	_ =	sdelay $0x4  }
0x150: {  	v41 =	vand.u32 $0xFFFFFF80, v40;
	v42 =	vshll.u32 v0, $0x7  }
0x151: {  	v43 =	vand.u32 $0x7F, v40;
	v2 =	vadd.s32 v42, v41  }
0x152: {  	v2 =	vor.u32 v43, v2  }
0x153: {  	v44 =	vshll.u32 v40, $0x8;
	v45 =	vshll.u32 v0, $0x3  }
0x154: {  	v1 =	vshll.u32 v40, $0x7;
	v3 =	vand.u32 $0xFFFFF800, v44;
	v4 =	vand.u32 $0xFFFFFC00, v45  }
0x155: {  	v1 =	vand.u32 $0x380, v1;
	v3 =	vadd.s32 v4, v3  }
0x156: {  	v0 =	vand.u32 $0x7F, v0;
	v1 =	vor.u32 v1, v3  }
0x157: {  	v0 =	vor.u32 v0, v1;
	v2 =	vld.idx.msk [tilespmem:v2+s13+$0x0], $0xffff;
	_ =	sdelay $0x4  }
0x158: {  	[tilespmem:v0+s14+$0x0] =	vst.idx.msk $0xffff, v2  }
0x159: {  	v0 =	vld [tilespmem:$0x350]  }
0x15a: {  	v46 =	vld [tilespmem:$0x3D0];
	_ =	sdelay $0x4  }
0x15b: {  	v47 =	vand.u32 $0xFFFFFF80, v46;
	v48 =	vshll.u32 v0, $0x7  }
0x15c: {  	v49 =	vand.u32 $0x7F, v46;
	v2 =	vadd.s32 v48, v47  }
0x15d: {  	v2 =	vor.u32 v49, v2  }
0x15e: {  	v50 =	vshll.u32 v46, $0x8;
	v51 =	vshll.u32 v0, $0x3  }
0x15f: {  	v1 =	vshll.u32 v46, $0x7;
	v3 =	vand.u32 $0xFFFFF800, v50;
	v4 =	vand.u32 $0xFFFFFC00, v51  }
0x160: {  	v1 =	vand.u32 $0x380, v1;
	v3 =	vadd.s32 v4, v3  }
0x161: {  	v0 =	vand.u32 $0x7F, v0;
	v1 =	vor.u32 v1, v3  }
0x162: {  	v0 =	vor.u32 v0, v1;
	v2 =	vld.idx.msk [tilespmem:v2+s13+$0x0], $0xffff;
	_ =	sdelay $0x4  }
0x163: {  	[tilespmem:v0+s14+$0x0] =	vst.idx.msk $0xffff, v2  }
0x164: {  	v0 =	vld [tilespmem:$0x360]  }
0x165: {  	v52 =	vld [tilespmem:$0x3E0];
	_ =	sdelay $0x4  }
0x166: {  	v53 =	vand.u32 $0xFFFFFF80, v52;
	v54 =	vshll.u32 v0, $0x7  }
0x167: {  	v55 =	vand.u32 $0x7F, v52;
	v2 =	vadd.s32 v54, v53  }
0x168: {  	v2 =	vor.u32 v55, v2  }
0x169: {  	v56 =	vshll.u32 v52, $0x8;
	v57 =	vshll.u32 v0, $0x3  }
0x16a: {  	v1 =	vshll.u32 v52, $0x7;
	v3 =	vand.u32 $0xFFFFF800, v56;
	v4 =	vand.u32 $0xFFFFFC00, v57  }
0x16b: {  	v1 =	vand.u32 $0x380, v1;
	v3 =	vadd.s32 v4, v3  }
0x16c: {  	v0 =	vand.u32 $0x7F, v0;
	v1 =	vor.u32 v1, v3  }
0x16d: {  	v0 =	vor.u32 v0, v1;
	v2 =	vld.idx.msk [tilespmem:v2+s13+$0x0], $0xffff;
	_ =	sdelay $0x4  }
0x16e: {  	[tilespmem:v0+s14+$0x0] =	vst.idx.msk $0xffff, v2  }
0x16f: {  	v0 =	vld [tilespmem:$0x370]  }
0x170: {  	v58 =	vld [tilespmem:$0x3F0];
	_ =	sdelay $0x4  }
0x171: {  	v59 =	vand.u32 $0xFFFFFF80, v58;
	v60 =	vshll.u32 v0, $0x7  }
0x172: {  	v61 =	vand.u32 $0x7F, v58;
	v2 =	vadd.s32 v60, v59  }
0x173: {  	v2 =	vor.u32 v61, v2  }
0x174: {  	v62 =	vshll.u32 v58, $0x8;
	v63 =	vshll.u32 v0, $0x3  }
0x175: {  	v1 =	vshll.u32 v58, $0x7;
	v3 =	vand.u32 $0xFFFFF800, v62;
	v4 =	vand.u32 $0xFFFFFC00, v63  }
0x176: {  	v1 =	vand.u32 $0x380, v1;
	v3 =	vadd.s32 v4, v3  }
0x177: {  	v0 =	vand.u32 $0x7F, v0;
	v1 =	vor.u32 v1, v3  }
0x178: {  	v0 =	vor.u32 v0, v1;
	v2 =	vld.idx.msk [tilespmem:v2+s13+$0x0], $0xffff;
	_ =	sdelay $0x4  }
0x179: {  	[tilespmem:v0+s14+$0x0] =	vst.idx.msk $0xffff, v2  }
0x17a: {  	[hbm4b:s15+s11] =	stream.linear.scatter [tilespmem:s14], [sflag:$0x1], $0x2800, $0x38;
	[tilespmem:$0x4000] =	vst v63  }
0x17b: {  	_ =	swait.ge [sflag:s12], $0x2800  }
0x17c: {  	[sflag:s12] =	ssyncset.done $0x0  }
0x17d: {  	[sflag:s12] =	ssyncadd.s32 $0xFFFFD800  }
.LBB2_5:
0x17e: {  	s10 =	sadd.s32 $0xFFFFFFFF, s10  }
0x17f: {  	p2 =	sne.s32 s10, $0x0  }
.Ltmp1:
0x180: {  	_ = 	snop;
	(pc) =	sbr.rel @!p2 .LBB2_6-.Ltmp1, $1  }
0x181: {  	_ =	sdelay $0x3  }
.LBB2_1:
.Ltmp2:
0x182: {  	(pc) =	sbr.rel @p0 .LBB2_4-.Ltmp2, $3  }
0x183: {  	_ =	sdelay $0x1  }
0x184: {  	s18 =	smov.u32 s3  }
0x185: {  	s17 =	smov.u32 s8;
	s16 =	smov.u32 s0;
	s15 =	smov.u32 s5  }
.Ltmp3:
0x186: {  	(pc) =	sbr.rel @p1 .LBB2_5-.Ltmp3, $1  }
0x187: {  	_ =	sdelay $0x3  }
.Ltmp4:
0x188: {  	(pc) =	sbr.rel .LBB2_4-.Ltmp4, $3  }
0x189: {  	_ =	sdelay $0x1  }
0x18a: {  	s18 =	smov.u32 s4  }
0x18b: {  	s17 =	smov.u32 s9;
	s16 =	smov.u32 s1;
	s15 =	smov.u32 s6  }
.LBB2_6:
0x18c: {  	_ =	sfence.sel $0x180000  }
0x18d: {  	[bflag:$0x0] =	sbarrier.arrive $0xFFFF  }
0x18e: {  	p0 =	sne.s32 s7, $0x0;
	_ =	strace $0x90000047  }
0x18f: {  	s0 =	sadd.s32 @!p0 $0x100000, s2;
	[bflag:$0x2] =	sbarrier.arrive $0xFFFF  }
0x190: {  	[sflag:s0] =	ssyncadd.tile.s32 @!p0 $0x1;
	_ =	shalt  }
.Lfunc_end2:
_tile_overlayer_lowered:
.L_overlay_start_2:
0x191: {  	(tag) =	ssettag $0x2  }
0x192: {  	s0 =	rddreg [dreg:$0x0];
	s2 =	stileid.u32  }
0x193: {  	s1 =	rddreg [dreg:$0x1];
	p0 =	sne.s32 s2, $0x0  }
0x194: {  	s3 =	rddreg [dreg:$0x2];
	[bflag:$0x3] =	sbarrier.arrive $0xFFFF;
	s2 =	simm.s32 @!p0 $0x1C01  }
0x195: {  	[timem:s3], [sflag:s2] =	dma.local @!p0 [hbm:s0], s1  }
0x196: {  	s0 =	simm.s32 @!p0 $0x1  }
0x197: {  	_ =	swait.ge @!p0 [sflag:s0], s1  }
0x198: {  	s1 =	ssub.s32 @!p0 $0x0, s1;
	[sflag:s0] =	ssyncset.done @!p0 $0x0  }
0x199: {  	[sflag:s0] =	ssyncadd.s32 @!p0 s1  }
0x19a: {  	[bflag:$0x3] =	sbarrier.arrive $0xFFFF  }
0x19b: {  	_ =	shalt  }

</sc_bundles>
